<compile_context>
chip_gen: v7x
topology: tpu7x:2x2x1
jax: 0.10.2.dev20260603
libtpu: 0.0.44.dev20260713+nightly
codegen_flags: <defaults>
</compile_context>

<pallas_src>
import functools

import jax
import jax.numpy as jnp
from jax import lax
from jax.experimental import pallas as pl
from jax.experimental.pallas import tpu as pltpu
from jax.experimental.pallas import tpu_sc as plsc

_NC = 2
_NS = 16
_NW = _NC * _NS


def _pre_body(x_ref, ws_ref, wr_ref, xs_ref, xr_ref):
    x = x_ref[...]
    xs_ref[...] = jnp.dot(x, ws_ref[...], preferred_element_type=jnp.float32)
    xr_ref[...] = jnp.dot(x, wr_ref[...], preferred_element_type=jnp.float32)


def _pre(x, w_s, w_r):
    n, d = x.shape
    out = jax.ShapeDtypeStruct((n, d), jnp.float32)
    return pl.pallas_call(
        _pre_body,
        out_shape=(out, out),
    )(x, w_s, w_r)


def _gather_sum(xs, xr, senders, receivers, e0, e_seg):
    d = xs.shape[1]
    blk = 200
    per_w = e_seg // _NW
    chunks = per_w // blk
    assert chunks * blk == per_w and per_w * _NW == e_seg
    assert chunks % 2 == 1

    mesh = plsc.VectorSubcoreMesh(core_axis_name="c", subcore_axis_name="s")
    out = jax.ShapeDtypeStruct((e_seg, d), jnp.float32)
    idx_t = pltpu.VMEM((blk,), jnp.int32)
    row_t = pltpu.VMEM((blk, d), jnp.float32)

    @functools.partial(
        pl.kernel,
        out_type=out,
        mesh=mesh,
        scratch_types=[idx_t, idx_t, idx_t, idx_t, row_t, row_t, row_t, row_t,
                       pltpu.SemaphoreType.DMA, pltpu.SemaphoreType.DMA],
    )
    def k(xs_hbm, xr_hbm, s_hbm, r_hbm, gsum_hbm,
          sidx0, sidx1, ridx0, ridx1, srow0, srow1, rrow0, rrow1,
          gsem, wsem):
        wid = lax.axis_index("s") * _NC + lax.axis_index("c")
        base = wid * per_w
        sidx = (sidx0, sidx1)
        ridx = (ridx0, ridx1)
        srow = (srow0, srow1)
        rrow = (rrow0, rrow1)

        def issue(chunk, b):
            off = base + chunk * blk
            pltpu.sync_copy(s_hbm.at[pl.ds(e0 + off, blk)], sidx[b])
            pltpu.sync_copy(r_hbm.at[pl.ds(e0 + off, blk)], ridx[b])
            pltpu.async_copy(xs_hbm.at[sidx[b]], srow[b], gsem)
            pltpu.async_copy(xr_hbm.at[ridx[b]], rrow[b], gsem)

        def wait_gather(b):
            pltpu.make_async_copy(xs_hbm.at[sidx[b]], srow[b], gsem).wait()
            pltpu.make_async_copy(xr_hbm.at[ridx[b]], rrow[b], gsem).wait()

        def accumulate(b):
            sb, rb = srow[b], rrow[b]

            @pl.loop(0, blk)
            def _(r):
                for j in range(d // 16):
                    sl = pl.ds(j * 16, 16)
                    sb[r, sl] = sb[r, sl] + rb[r, sl]

        def writeback(chunk, b):
            off = base + chunk * blk
            pltpu.async_copy(srow[b], gsum_hbm.at[pl.ds(off, blk)], wsem)

        def wait_writeback(chunk, b):
            off = base + chunk * blk
            pltpu.make_async_copy(
                srow[b], gsum_hbm.at[pl.ds(off, blk)], wsem).wait()

        issue(0, 0)
        issue(1, 1)

        @pl.loop(0, chunks - 2, step=2)
        def _(ci):
            wait_gather(0)
            accumulate(0)
            writeback(ci, 0)
            wait_gather(1)
            accumulate(1)
            writeback(ci + 1, 1)
            wait_writeback(ci, 0)
            issue(ci + 2, 0)
            wait_writeback(ci + 1, 1)

            @pl.when(ci + 3 < chunks)
            def _():
                issue(ci + 3, 1)

        wait_gather(0)
        accumulate(0)
        writeback(chunks - 1, 0)
        wait_writeback(chunks - 1, 0)

    return k(xs, xr, senders, receivers)


def _edge_body(g_ref, ef_ref, w1_ref, b1_ref, w2_ref, b2_ref, out_ref):
    ef = ef_ref[...]
    h = g_ref[...] + b1_ref[...] + jnp.dot(
        ef.astype(jnp.bfloat16), w1_ref[...],
        preferred_element_type=jnp.float32)
    h = jnp.maximum(h, 0.0)
    out_ref[...] = ef + b2_ref[...] + jnp.dot(
        h.astype(jnp.bfloat16), w2_ref[...],
        preferred_element_type=jnp.float32)


def _edge_alias_body(g_ref, ef_ref, w1_ref, b1_ref, w2_ref, b2_ref, _prev,
                     out_ref):
    _edge_body(g_ref, ef_ref, w1_ref, b1_ref, w2_ref, b2_ref, out_ref)


def _edge(gsum, ef, w1, b1, w2, b2, e0, e_seg, prev=None):
    e_total, d = ef.shape
    blk = 2000
    grid = e_seg // blk
    assert grid * blk == e_seg and e0 % blk == 0
    seg = e0 // blk
    row_loc = pl.BlockSpec((blk, d), lambda i: (i, 0))
    row_seg = pl.BlockSpec((blk, d), lambda i: (i + seg, 0))
    full = pl.BlockSpec((d, d), lambda i: (0, 0))
    vec = pl.BlockSpec((1, d), lambda i: (0, 0))
    out_shape = jax.ShapeDtypeStruct((e_total, d), jnp.float32)
    if prev is None:
        return pl.pallas_call(
            _edge_body,
            grid=(grid,),
            in_specs=[row_loc, row_seg, full, vec, full, vec],
            out_specs=row_seg,
            out_shape=out_shape,
        )(gsum, ef, w1, b1, w2, b2)
    hbm = pl.BlockSpec(memory_space=pltpu.MemorySpace.HBM)
    return pl.pallas_call(
        _edge_alias_body,
        grid=(grid,),
        in_specs=[row_loc, row_seg, full, vec, full, vec, hbm],
        out_specs=row_seg,
        out_shape=out_shape,
        input_output_aliases={6: 0},
    )(gsum, ef, w1, b1, w2, b2, prev)


def _scatter(ne, receivers, zeros_nd):
    e, d = ne.shape
    per_core = e // _NC
    n = zeros_nd.shape[0]
    blk = 80
    per_tile = per_core // _NS
    chunks = per_tile // blk
    rows_per_tile = n // _NS
    assert chunks * blk == per_tile and rows_per_tile * _NS == n
    assert chunks % 2 == 1
    assert rows_per_tile % 8 == 0

    mesh = plsc.VectorSubcoreMesh(core_axis_name="c", subcore_axis_name="s")
    out = jax.ShapeDtypeStruct((n, d), jnp.float32)
    idx_t = pltpu.VMEM((blk,), jnp.int32)
    row_t = pltpu.VMEM((blk, d), jnp.float32)

    @functools.partial(
        pl.kernel,
        out_type=(out, out),
        mesh=mesh,
        scratch_types=[
            pltpu.VMEM_SHARED((n, d), jnp.float32),
            idx_t, idx_t, row_t, row_t,
            pltpu.SemaphoreType.DMA, pltpu.SemaphoreType.DMA,
        ],
    )
    def k(ne_hbm, r_hbm, z_hbm, a0_hbm, a1_hbm, shared,
          eidx0, eidx1, erow0, erow1, lsem, asem):
        c = lax.axis_index("c")
        s = lax.axis_index("s")
        r0 = s * rows_per_tile
        pltpu.sync_copy(z_hbm.at[pl.ds(r0, rows_per_tile)],
                        shared.at[pl.ds(r0, rows_per_tile)])
        plsc.subcore_barrier()

        base = c * per_core + s * per_tile
        eidx = (eidx0, eidx1)
        erow = (erow0, erow1)

        def load(chunk, b):
            off = base + chunk * blk
            pltpu.async_copy(r_hbm.at[pl.ds(off, blk)], eidx[b], lsem)
            pltpu.async_copy(ne_hbm.at[pl.ds(off, blk)], erow[b], lsem)

        def wait_load(chunk, b):
            off = base + chunk * blk
            pltpu.make_async_copy(
                r_hbm.at[pl.ds(off, blk)], eidx[b], lsem).wait()
            pltpu.make_async_copy(
                ne_hbm.at[pl.ds(off, blk)], erow[b], lsem).wait()

        def add(b):
            pltpu.async_copy(erow[b], shared.at[eidx[b]], asem, add=True)

        def wait_add(b):
            pltpu.make_async_copy(erow[b], shared.at[eidx[b]], asem).wait()

        load(0, 0)
        load(1, 1)

        @pl.loop(0, chunks - 2, step=2)
        def _(ci):
            wait_load(ci, 0)
            add(0)
            wait_load(ci + 1, 1)
            add(1)
            wait_add(0)
            load(ci + 2, 0)
            wait_add(1)

            @pl.when(ci + 3 < chunks)
            def _():
                load(ci + 3, 1)

        wait_load(chunks - 1, 0)
        add(0)
        wait_add(0)

        plsc.subcore_barrier()

        @pl.when(c == 0)
        def _():
            pltpu.sync_copy(shared.at[pl.ds(r0, rows_per_tile)],
                            a0_hbm.at[pl.ds(r0, rows_per_tile)])

        @pl.when(c == 1)
        def _():
            pltpu.sync_copy(shared.at[pl.ds(r0, rows_per_tile)],
                            a1_hbm.at[pl.ds(r0, rows_per_tile)])

    return k(ne, receivers, zeros_nd)


def _node_body(x_ref, a0_ref, a1_ref, w1x_ref, w1a_ref, b1_ref, w2_ref,
               b2_ref, out_ref):
    x = x_ref[...]
    agg = a0_ref[...] + a1_ref[...]
    h = b1_ref[...] + jnp.dot(x, w1x_ref[...],
                              preferred_element_type=jnp.float32)
    h = h + jnp.dot(agg, w1a_ref[...], preferred_element_type=jnp.float32)
    h = jnp.maximum(h, 0.0)
    out_ref[...] = x + b2_ref[...] + jnp.dot(
        h, w2_ref[...], preferred_element_type=jnp.float32)


def _node(x, a0, a1, w1x, w1a, b1, w2, b2):
    n, d = x.shape
    blk = 1000
    grid = n // blk
    assert grid * blk == n
    row = pl.BlockSpec((blk, d), lambda i: (i, 0))
    full = pl.BlockSpec((d, d), lambda i: (0, 0))
    vec = pl.BlockSpec((1, d), lambda i: (0, 0))
    return pl.pallas_call(
        _node_body,
        grid=(grid,),
        in_specs=[row, row, row, full, full, vec, full, vec],
        out_specs=row,
        out_shape=jax.ShapeDtypeStruct((n, d), jnp.float32),
    )(x, a0, a1, w1x, w1a, b1, w2, b2)


def kernel(x, edge_features, W1_e, b1_e, W2_e, b2_e,
           W1_n, b1_n, W2_n, b2_n, senders, receivers):
    n, d = x.shape
    e = senders.shape[0]
    senders = senders.astype(jnp.int32)
    receivers = receivers.astype(jnp.int32)
    w1_s, w1_r, w1_ef = W1_e[:d], W1_e[d:2 * d], W1_e[2 * d:]
    w1_ef_b = w1_ef.astype(jnp.bfloat16)
    w2_e_b = W2_e.astype(jnp.bfloat16)
    b1_e2 = b1_e.reshape(1, d)
    b2_e2 = b2_e.reshape(1, d)
    b1_n2 = b1_n.reshape(1, d)
    b2_n2 = b2_n.reshape(1, d)
    w1_nx, w1_na = W1_n[:d], W1_n[d:]
    n_pad = ((n + 8 * _NS - 1) // (8 * _NS)) * (8 * _NS)
    zeros_nd = jnp.zeros((n_pad, d), jnp.float32)
    half = e // 2

    xs, xr = _pre(x, w1_s, w1_r)
    g_a = _gather_sum(xs, xr, senders, receivers, 0, half)
    ne_a = _edge(g_a, edge_features, w1_ef_b, b1_e2, w2_e_b, b2_e2, 0, half)
    g_b = _gather_sum(xs, xr, senders, receivers, half, half)
    new_e = _edge(g_b, edge_features, w1_ef_b, b1_e2, w2_e_b, b2_e2,
                  half, half, prev=ne_a)
    a0, a1 = _scatter(new_e, receivers, zeros_nd)
    new_x = _node(x, a0, a1, w1_nx, w1_na, b1_n2, W2_n, b2_n2)
    return (new_x, new_e)

# --- scband reference (transcript-rebuilt; emitter-appended) ---
"""Pipeline reference for scband-graph-net-29308856828304 (READ-ONLY COPY).

The authoritative reference and input builder live on the scoring server;
editing this copy changes nothing except your own understanding.
"""

import jax, jax.numpy as jnp
import numpy as np

N = 10000
E = 320000
D = 128


def _mlp(h, W1, b1, W2, b2):
    h = jnp.dot(h, W1) + b1
    h = jax.nn.relu(h)
    return jnp.dot(h, W2) + b2


def setup_inputs(seed: int = 0) -> dict:
    key = jax.random.key(seed)
    ks = jax.random.split(key, 10)
    s = 0.05
    x = jax.random.normal(ks[0], (N, D), dtype=jnp.float32)
    edge_features = jax.random.normal(ks[1], (E, D), dtype=jnp.float32)
    senders = jax.random.randint(ks[2], (E,), 0, N, dtype=jnp.int64)
    receivers = jax.random.randint(ks[3], (E,), 0, N, dtype=jnp.int64)
    # edge model MLP: input = concat(sender, receiver, edge) = 3*D -> D -> D
    W1_e = jax.random.normal(ks[4], (3 * D, D), dtype=jnp.float32) * s
    b1_e = jnp.zeros((D,), dtype=jnp.float32)
    W2_e = jax.random.normal(ks[5], (D, D), dtype=jnp.float32) * s
    b2_e = jnp.zeros((D,), dtype=jnp.float32)
    # node model MLP (cross): input = concat(node, sum-aggregated edges) = 2*D -> D -> D
    W1_n = jax.random.normal(ks[6], (2 * D, D), dtype=jnp.float32) * s
    b1_n = jnp.zeros((D,), dtype=jnp.float32)
    W2_n = jax.random.normal(ks[7], (D, D), dtype=jnp.float32) * s
    b2_n = jnp.zeros((D,), dtype=jnp.float32)
    return {
        "x": x,
        "edge_features": edge_features,
        "W1_e": W1_e, "b1_e": b1_e, "W2_e": W2_e, "b2_e": b2_e,
        "W1_n": W1_n, "b1_n": b1_n, "W2_n": W2_n, "b2_n": b2_n,
        "senders": senders,
        "receivers": receivers,
    }


def reference(x, edge_features, W1_e, b1_e, W2_e, b2_e, W1_n, b1_n, W2_n, b2_n, senders, receivers):
    # _update_edge_features: gather sender/receiver node features, concat with
    # edge features, apply edge MLP, residual add.
    sender_f = jnp.take(x, senders, axis=0)
    receiver_f = jnp.take(x, receivers, axis=0)
    edge_in = jnp.concatenate([sender_f, receiver_f, edge_features], axis=-1)
    new_e = edge_features + _mlp(edge_in, W1_e, b1_e, W2_e, b2_e)
    # aggregation with message_passing_aggregator='sum':
    # unsorted_segment_operation(new_e, receivers, num_nodes, 'sum')
    agg = jax.ops.segment_sum(new_e, receivers, num_segments=x.shape[0])
    # _update_node_features: concat node features with aggregated edges,
    # apply node_model_cross, residual add.
    node_in = jnp.concatenate([x, agg], axis=-1)
    new_x = x + _mlp(node_in, W1_n, b1_n, W2_n, b2_n)
    return (new_x, new_e)

if __name__ == "__main__":
    import jax
    _d = setup_inputs()
    print(jax.jit(kernel)(*tuple(_d.values())))

</pallas_src>

<mosaic_0001>
#map = affine_map<(d0, d1) -> (0, 0)>
#map1 = affine_map<(d0, d1) -> (0)>
module attributes {stable_mosaic.version = 14 : i64} {
  func.func @k(%arg0: i32, %arg1: i32, %arg2: memref<10000x128xf32, #tpu.memory_space<hbm>>, %arg3: memref<10000x128xf32, #tpu.memory_space<hbm>>, %arg4: memref<320000xi32, #tpu.memory_space<hbm>>, %arg5: memref<320000xi32, #tpu.memory_space<hbm>>, %arg6: memref<160000x128xf32, #tpu.memory_space<hbm>>, %arg7: memref<200xi32, #tpu.memory_space<vmem>>, %arg8: memref<200xi32, #tpu.memory_space<vmem>>, %arg9: memref<200xi32, #tpu.memory_space<vmem>>, %arg10: memref<200xi32, #tpu.memory_space<vmem>>, %arg11: memref<200x128xf32, #tpu.memory_space<vmem>>, %arg12: memref<200x128xf32, #tpu.memory_space<vmem>>, %arg13: memref<200x128xf32, #tpu.memory_space<vmem>>, %arg14: memref<200x128xf32, #tpu.memory_space<vmem>>, %arg15: memref<!tpu.dma_semaphore, #tpu.memory_space<semaphore_mem>>, %arg16: memref<!tpu.dma_semaphore, #tpu.memory_space<semaphore_mem>>) attributes {dimension_semantics = [#tpu.dimension_semantics<core_parallel>, #tpu.dimension_semantics<subcore_parallel>], iteration_bounds = array<i64: 2, 16>, scalar_prefetch = 0 : i64, scratch_operands = 10 : i64, tpu.core_type = #tpu.core_type<sc_vector_subcore>, window_params = [{transform_indices = #map}, {transform_indices = #map}, {transform_indices = #map1}, {transform_indices = #map1}, {transform_indices = #map}]} {
    %mul3A = arith.constant 2 : i32
    %mul3A_0 = arith.muli %arg1, %mul3A : i32
    %add3A = arith.addi %mul3A_0, %arg0 : i32
    %mul3A_1 = arith.constant 5000 : i32
    %mul3A_2 = arith.muli %add3A, %mul3A_1 : i32
    %add3A_3 = arith.constant 0 : i32
    %add3A_4 = arith.addi %mul3A_2, %add3A_3 : i32
    %add3A_5 = arith.constant 0 : i32
    %add3A_6 = arith.addi %add3A_5, %add3A_4 : i32
    "tpu.region"() ({
      %run_scoped3A = tpu.sem_alloc : memref<!tpu.dma_semaphore, #tpu.memory_space<semaphore_mem>>
      %dma_start3A_52 = tpu.memref_slice %arg4[%add3A_6] : memref<320000xi32, #tpu.memory_space<hbm>> -> memref<200xi32, #tpu.memory_space<hbm>>
      %dma_start3A_53 = tpu.memref_slice %arg4[%add3A_6] : memref<320000xi32, #tpu.memory_space<hbm>> -> memref<200xi32, #tpu.memory_space<hbm>>
      tpu.enqueue_dma source(%dma_start3A_53 : memref<200xi32, #tpu.memory_space<hbm>>) target(%arg7 : memref<200xi32, #tpu.memory_space<vmem>>) target_semaphore(%run_scoped3A : memref<!tpu.dma_semaphore, #tpu.memory_space<semaphore_mem>>)
      %dma_wait3A_54 = tpu.memref_slice %arg4[%add3A_6] : memref<320000xi32, #tpu.memory_space<hbm>> -> memref<200xi32, #tpu.memory_space<hbm>>
      %dma_wait3A_55 = tpu.memref_slice %arg4[%add3A_6] : memref<320000xi32, #tpu.memory_space<hbm>> -> memref<200xi32, #tpu.memory_space<hbm>>
      tpu.wait_dma2 semaphore(%run_scoped3A : memref<!tpu.dma_semaphore, #tpu.memory_space<semaphore_mem>>) src(%dma_wait3A_55 : memref<200xi32, #tpu.memory_space<hbm>>) dst(%arg7 : memref<200xi32, #tpu.memory_space<vmem>>)
      tpu.yield
    }) : () -> ()
    %add3A_7 = arith.constant 0 : i32
    %add3A_8 = arith.addi %add3A_7, %add3A_4 : i32
    "tpu.region"() ({
      %run_scoped3A = tpu.sem_alloc : memref<!tpu.dma_semaphore, #tpu.memory_space<semaphore_mem>>
      %dma_start3A_52 = tpu.memref_slice %arg5[%add3A_8] : memref<320000xi32, #tpu.memory_space<hbm>> -> memref<200xi32, #tpu.memory_space<hbm>>
      %dma_start3A_53 = tpu.memref_slice %arg5[%add3A_8] : memref<320000xi32, #tpu.memory_space<hbm>> -> memref<200xi32, #tpu.memory_space<hbm>>
      tpu.enqueue_dma source(%dma_start3A_53 : memref<200xi32, #tpu.memory_space<hbm>>) target(%arg9 : memref<200xi32, #tpu.memory_space<vmem>>) target_semaphore(%run_scoped3A : memref<!tpu.dma_semaphore, #tpu.memory_space<semaphore_mem>>)
      %dma_wait3A_54 = tpu.memref_slice %arg5[%add3A_8] : memref<320000xi32, #tpu.memory_space<hbm>> -> memref<200xi32, #tpu.memory_space<hbm>>
      %dma_wait3A_55 = tpu.memref_slice %arg5[%add3A_8] : memref<320000xi32, #tpu.memory_space<hbm>> -> memref<200xi32, #tpu.memory_space<hbm>>
      tpu.wait_dma2 semaphore(%run_scoped3A : memref<!tpu.dma_semaphore, #tpu.memory_space<semaphore_mem>>) src(%dma_wait3A_55 : memref<200xi32, #tpu.memory_space<hbm>>) dst(%arg9 : memref<200xi32, #tpu.memory_space<vmem>>)
      tpu.yield
    }) : () -> ()
    %dma_start3A = arith.constant 0 : i32
    %dma_start3A_9 = arith.constant 0 : i32
    %dma_start3A_10 = tpu.memref_slice %arg2[%dma_start3A, %dma_start3A_9] : memref<10000x128xf32, #tpu.memory_space<hbm>> -> memref<10000x128xf32, #tpu.memory_space<hbm>>
    tpu.enqueue_indirect_dma source(%dma_start3A_10 : memref<10000x128xf32, #tpu.memory_space<hbm>>) target(%arg11 : memref<200x128xf32, #tpu.memory_space<vmem>>) offsets(%arg7 : memref<200xi32, #tpu.memory_space<vmem>>) semaphore(%arg15 : memref<!tpu.dma_semaphore, #tpu.memory_space<semaphore_mem>>)
    %dma_start3A_11 = arith.constant 0 : i32
    %dma_start3A_12 = arith.constant 0 : i32
    %dma_start3A_13 = tpu.memref_slice %arg3[%dma_start3A_11, %dma_start3A_12] : memref<10000x128xf32, #tpu.memory_space<hbm>> -> memref<10000x128xf32, #tpu.memory_space<hbm>>
    tpu.enqueue_indirect_dma source(%dma_start3A_13 : memref<10000x128xf32, #tpu.memory_space<hbm>>) target(%arg13 : memref<200x128xf32, #tpu.memory_space<vmem>>) offsets(%arg9 : memref<200xi32, #tpu.memory_space<vmem>>) semaphore(%arg15 : memref<!tpu.dma_semaphore, #tpu.memory_space<semaphore_mem>>)
    %add3A_14 = arith.constant 200 : i32
    %add3A_15 = arith.addi %mul3A_2, %add3A_14 : i32
    %add3A_16 = arith.constant 0 : i32
    %add3A_17 = arith.addi %add3A_16, %add3A_15 : i32
    "tpu.region"() ({
      %run_scoped3A = tpu.sem_alloc : memref<!tpu.dma_semaphore, #tpu.memory_space<semaphore_mem>>
      %dma_start3A_52 = tpu.memref_slice %arg4[%add3A_17] : memref<320000xi32, #tpu.memory_space<hbm>> -> memref<200xi32, #tpu.memory_space<hbm>>
      %dma_start3A_53 = tpu.memref_slice %arg4[%add3A_17] : memref<320000xi32, #tpu.memory_space<hbm>> -> memref<200xi32, #tpu.memory_space<hbm>>
      tpu.enqueue_dma source(%dma_start3A_53 : memref<200xi32, #tpu.memory_space<hbm>>) target(%arg8 : memref<200xi32, #tpu.memory_space<vmem>>) target_semaphore(%run_scoped3A : memref<!tpu.dma_semaphore, #tpu.memory_space<semaphore_mem>>)
      %dma_wait3A_54 = tpu.memref_slice %arg4[%add3A_17] : memref<320000xi32, #tpu.memory_space<hbm>> -> memref<200xi32, #tpu.memory_space<hbm>>
      %dma_wait3A_55 = tpu.memref_slice %arg4[%add3A_17] : memref<320000xi32, #tpu.memory_space<hbm>> -> memref<200xi32, #tpu.memory_space<hbm>>
      tpu.wait_dma2 semaphore(%run_scoped3A : memref<!tpu.dma_semaphore, #tpu.memory_space<semaphore_mem>>) src(%dma_wait3A_55 : memref<200xi32, #tpu.memory_space<hbm>>) dst(%arg8 : memref<200xi32, #tpu.memory_space<vmem>>)
      tpu.yield
    }) : () -> ()
    %add3A_18 = arith.constant 0 : i32
    %add3A_19 = arith.addi %add3A_18, %add3A_15 : i32
    "tpu.region"() ({
      %run_scoped3A = tpu.sem_alloc : memref<!tpu.dma_semaphore, #tpu.memory_space<semaphore_mem>>
      %dma_start3A_52 = tpu.memref_slice %arg5[%add3A_19] : memref<320000xi32, #tpu.memory_space<hbm>> -> memref<200xi32, #tpu.memory_space<hbm>>
      %dma_start3A_53 = tpu.memref_slice %arg5[%add3A_19] : memref<320000xi32, #tpu.memory_space<hbm>> -> memref<200xi32, #tpu.memory_space<hbm>>
      tpu.enqueue_dma source(%dma_start3A_53 : memref<200xi32, #tpu.memory_space<hbm>>) target(%arg10 : memref<200xi32, #tpu.memory_space<vmem>>) target_semaphore(%run_scoped3A : memref<!tpu.dma_semaphore, #tpu.memory_space<semaphore_mem>>)
      %dma_wait3A_54 = tpu.memref_slice %arg5[%add3A_19] : memref<320000xi32, #tpu.memory_space<hbm>> -> memref<200xi32, #tpu.memory_space<hbm>>
      %dma_wait3A_55 = tpu.memref_slice %arg5[%add3A_19] : memref<320000xi32, #tpu.memory_space<hbm>> -> memref<200xi32, #tpu.memory_space<hbm>>
      tpu.wait_dma2 semaphore(%run_scoped3A : memref<!tpu.dma_semaphore, #tpu.memory_space<semaphore_mem>>) src(%dma_wait3A_55 : memref<200xi32, #tpu.memory_space<hbm>>) dst(%arg10 : memref<200xi32, #tpu.memory_space<vmem>>)
      tpu.yield
    }) : () -> ()
    %dma_start3A_20 = arith.constant 0 : i32
    %dma_start3A_21 = arith.constant 0 : i32
    %dma_start3A_22 = tpu.memref_slice %arg2[%dma_start3A_20, %dma_start3A_21] : memref<10000x128xf32, #tpu.memory_space<hbm>> -> memref<10000x128xf32, #tpu.memory_space<hbm>>
    tpu.enqueue_indirect_dma source(%dma_start3A_22 : memref<10000x128xf32, #tpu.memory_space<hbm>>) target(%arg12 : memref<200x128xf32, #tpu.memory_space<vmem>>) offsets(%arg8 : memref<200xi32, #tpu.memory_space<vmem>>) semaphore(%arg15 : memref<!tpu.dma_semaphore, #tpu.memory_space<semaphore_mem>>)
    %dma_start3A_23 = arith.constant 0 : i32
    %dma_start3A_24 = arith.constant 0 : i32
    %dma_start3A_25 = tpu.memref_slice %arg3[%dma_start3A_23, %dma_start3A_24] : memref<10000x128xf32, #tpu.memory_space<hbm>> -> memref<10000x128xf32, #tpu.memory_space<hbm>>
    tpu.enqueue_indirect_dma source(%dma_start3A_25 : memref<10000x128xf32, #tpu.memory_space<hbm>>) target(%arg14 : memref<200x128xf32, #tpu.memory_space<vmem>>) offsets(%arg10 : memref<200xi32, #tpu.memory_space<vmem>>) semaphore(%arg15 : memref<!tpu.dma_semaphore, #tpu.memory_space<semaphore_mem>>)
    %scan3A = arith.constant 0 : i32
    %scan3A_26 = arith.constant 12 : i32
    %scan3A_27 = arith.addi %scan3A, %scan3A_26 : i32
    %scan3A_28 = arith.constant 1 : i32
    scf.for %scan3A_52 = %scan3A to %scan3A_27 step %scan3A_28  : i32 {
      %mul3A_53 = arith.constant 2 : i32
      %mul3A_54 = arith.muli %scan3A_52, %mul3A_53 : i32
      %add3A_55 = arith.constant 0 : i32
      %add3A_56 = arith.addi %add3A_55, %mul3A_54 : i32
      %dma_wait3A_57 = arith.constant 0 : i32
      %dma_wait3A_58 = arith.constant 0 : i32
      %dma_wait3A_59 = tpu.memref_slice %arg2[%dma_wait3A_57, %dma_wait3A_58] : memref<10000x128xf32, #tpu.memory_space<hbm>> -> memref<10000x128xf32, #tpu.memory_space<hbm>>
      tpu.wait_indirect_dma semaphore(%arg15 : memref<!tpu.dma_semaphore, #tpu.memory_space<semaphore_mem>>) src(%dma_wait3A_59 : memref<10000x128xf32, #tpu.memory_space<hbm>>) dst(%arg11 : memref<200x128xf32, #tpu.memory_space<vmem>>)
      %dma_wait3A_60 = arith.constant 0 : i32
      %dma_wait3A_61 = arith.constant 0 : i32
      %dma_wait3A_62 = tpu.memref_slice %arg3[%dma_wait3A_60, %dma_wait3A_61] : memref<10000x128xf32, #tpu.memory_space<hbm>> -> memref<10000x128xf32, #tpu.memory_space<hbm>>
      tpu.wait_indirect_dma semaphore(%arg15 : memref<!tpu.dma_semaphore, #tpu.memory_space<semaphore_mem>>) src(%dma_wait3A_62 : memref<10000x128xf32, #tpu.memory_space<hbm>>) dst(%arg13 : memref<200x128xf32, #tpu.memory_space<vmem>>)
      %scan3A_63 = arith.constant 0 : i32
      %scan3A_64 = arith.constant 200 : i32
      %scan3A_65 = arith.addi %scan3A_63, %scan3A_64 : i32
      %scan3A_66 = arith.constant 1 : i32
      scf.for %scan3A_130 = %scan3A_63 to %scan3A_65 step %scan3A_66  : i32 {
        %mul3A_131 = arith.constant 1 : i32
        %mul3A_132 = arith.muli %scan3A_130, %mul3A_131 : i32
        %add3A_133 = arith.constant 0 : i32
        %add3A_134 = arith.addi %add3A_133, %mul3A_132 : i32
        %get3A = arith.index_cast %add3A_134 : i32 to index
        %get3A_135 = arith.constant 0 : index
        %get3A_136 = tpu.vector_load %arg11[%get3A, %get3A_135] {strides = array<i32>} : memref<200x128xf32, #tpu.memory_space<vmem>>, vector<1x16xf32>,
        %get3A_137 = vector.shape_cast %get3A_136 : vector<1x16xf32> to vector<16xf32>
        %get3A_138 = arith.index_cast %add3A_134 : i32 to index
        %get3A_139 = arith.constant 0 : index
        %get3A_140 = tpu.vector_load %arg13[%get3A_138, %get3A_139] {strides = array<i32>} : memref<200x128xf32, #tpu.memory_space<vmem>>, vector<1x16xf32>,
        %get3A_141 = vector.shape_cast %get3A_140 : vector<1x16xf32> to vector<16xf32>
        %add3A_142 = arith.addf %get3A_137, %get3A_141 : vector<16xf32>
        %swap3A = arith.index_cast %add3A_134 : i32 to index
        %swap3A_143 = arith.constant 0 : index
        %swap3A_144 = tpu.vector_load %arg11[%swap3A, %swap3A_143] {strides = array<i32>} : memref<200x128xf32, #tpu.memory_space<vmem>>, vector<1x16xf32>,
        %swap3A_145 = vector.shape_cast %swap3A_144 : vector<1x16xf32> to vector<16xf32>
        %swap3A_146 = vector.shape_cast %add3A_142 : vector<16xf32> to vector<1x16xf32>
        tpu.vector_store %arg11[%swap3A, %swap3A_143], %swap3A_146 {strides = array<i32>} : memref<200x128xf32, #tpu.memory_space<vmem>>, vector<1x16xf32>,
        %get3A_147 = arith.index_cast %add3A_134 : i32 to index
        %get3A_148 = arith.constant 16 : index
        %get3A_149 = tpu.vector_load %arg11[%get3A_147, %get3A_148] {strides = array<i32>} : memref<200x128xf32, #tpu.memory_space<vmem>>, vector<1x16xf32>,
        %get3A_150 = vector.shape_cast %get3A_149 : vector<1x16xf32> to vector<16xf32>
        %get3A_151 = arith.index_cast %add3A_134 : i32 to index
        %get3A_152 = arith.constant 16 : index
        %get3A_153 = tpu.vector_load %arg13[%get3A_151, %get3A_152] {strides = array<i32>} : memref<200x128xf32, #tpu.memory_space<vmem>>, vector<1x16xf32>,
        %get3A_154 = vector.shape_cast %get3A_153 : vector<1x16xf32> to vector<16xf32>
        %add3A_155 = arith.addf %get3A_150, %get3A_154 : vector<16xf32>
        %swap3A_156 = arith.index_cast %add3A_134 : i32 to index
        %swap3A_157 = arith.constant 16 : index
        %swap3A_158 = tpu.vector_load %arg11[%swap3A_156, %swap3A_157] {strides = array<i32>} : memref<200x128xf32, #tpu.memory_space<vmem>>, vector<1x16xf32>,
        %swap3A_159 = vector.shape_cast %swap3A_158 : vector<1x16xf32> to vector<16xf32>
        %swap3A_160 = vector.shape_cast %add3A_155 : vector<16xf32> to vector<1x16xf32>
        tpu.vector_store %arg11[%swap3A_156, %swap3A_157], %swap3A_160 {strides = array<i32>} : memref<200x128xf32, #tpu.memory_space<vmem>>, vector<1x16xf32>,
        %get3A_161 = arith.index_cast %add3A_134 : i32 to index
        %get3A_162 = arith.constant 32 : index
        %get3A_163 = tpu.vector_load %arg11[%get3A_161, %get3A_162] {strides = array<i32>} : memref<200x128xf32, #tpu.memory_space<vmem>>, vector<1x16xf32>,
        %get3A_164 = vector.shape_cast %get3A_163 : vector<1x16xf32> to vector<16xf32>
        %get3A_165 = arith.index_cast %add3A_134 : i32 to index
        %get3A_166 = arith.constant 32 : index
        %get3A_167 = tpu.vector_load %arg13[%get3A_165, %get3A_166] {strides = array<i32>} : memref<200x128xf32, #tpu.memory_space<vmem>>, vector<1x16xf32>,
        %get3A_168 = vector.shape_cast %get3A_167 : vector<1x16xf32> to vector<16xf32>
        %add3A_169 = arith.addf %get3A_164, %get3A_168 : vector<16xf32>
        %swap3A_170 = arith.index_cast %add3A_134 : i32 to index
        %swap3A_171 = arith.constant 32 : index
        %swap3A_172 = tpu.vector_load %arg11[%swap3A_170, %swap3A_171] {strides = array<i32>} : memref<200x128xf32, #tpu.memory_space<vmem>>, vector<1x16xf32>,
        %swap3A_173 = vector.shape_cast %swap3A_172 : vector<1x16xf32> to vector<16xf32>
        %swap3A_174 = vector.shape_cast %add3A_169 : vector<16xf32> to vector<1x16xf32>
        tpu.vector_store %arg11[%swap3A_170, %swap3A_171], %swap3A_174 {strides = array<i32>} : memref<200x128xf32, #tpu.memory_space<vmem>>, vector<1x16xf32>,
        %get3A_175 = arith.index_cast %add3A_134 : i32 to index
        %get3A_176 = arith.constant 48 : index
        %get3A_177 = tpu.vector_load %arg11[%get3A_175, %get3A_176] {strides = array<i32>} : memref<200x128xf32, #tpu.memory_space<vmem>>, vector<1x16xf32>,
        %get3A_178 = vector.shape_cast %get3A_177 : vector<1x16xf32> to vector<16xf32>
        %get3A_179 = arith.index_cast %add3A_134 : i32 to index
        %get3A_180 = arith.constant 48 : index
        %get3A_181 = tpu.vector_load %arg13[%get3A_179, %get3A_180] {strides = array<i32>} : memref<200x128xf32, #tpu.memory_space<vmem>>, vector<1x16xf32>,
        %get3A_182 = vector.shape_cast %get3A_181 : vector<1x16xf32> to vector<16xf32>
        %add3A_183 = arith.addf %get3A_178, %get3A_182 : vector<16xf32>
        %swap3A_184 = arith.index_cast %add3A_134 : i32 to index
        %swap3A_185 = arith.constant 48 : index
        %swap3A_186 = tpu.vector_load %arg11[%swap3A_184, %swap3A_185] {strides = array<i32>} : memref<200x128xf32, #tpu.memory_space<vmem>>, vector<1x16xf32>,
        %swap3A_187 = vector.shape_cast %swap3A_186 : vector<1x16xf32> to vector<16xf32>
        %swap3A_188 = vector.shape_cast %add3A_183 : vector<16xf32> to vector<1x16xf32>
        tpu.vector_store %arg11[%swap3A_184, %swap3A_185], %swap3A_188 {strides = array<i32>} : memref<200x128xf32, #tpu.memory_space<vmem>>, vector<1x16xf32>,
        %get3A_189 = arith.index_cast %add3A_134 : i32 to index
        %get3A_190 = arith.constant 64 : index
        %get3A_191 = tpu.vector_load %arg11[%get3A_189, %get3A_190] {strides = array<i32>} : memref<200x128xf32, #tpu.memory_space<vmem>>, vector<1x16xf32>,
        %get3A_192 = vector.shape_cast %get3A_191 : vector<1x16xf32> to vector<16xf32>
        %get3A_193 = arith.index_cast %add3A_134 : i32 to index
        %get3A_194 = arith.constant 64 : index
        %get3A_195 = tpu.vector_load %arg13[%get3A_193, %get3A_194] {strides = array<i32>} : memref<200x128xf32, #tpu.memory_space<vmem>>, vector<1x16xf32>,
        %get3A_196 = vector.shape_cast %get3A_195 : vector<1x16xf32> to vector<16xf32>
        %add3A_197 = arith.addf %get3A_192, %get3A_196 : vector<16xf32>
        %swap3A_198 = arith.index_cast %add3A_134 : i32 to index
        %swap3A_199 = arith.constant 64 : index
        %swap3A_200 = tpu.vector_load %arg11[%swap3A_198, %swap3A_199] {strides = array<i32>} : memref<200x128xf32, #tpu.memory_space<vmem>>, vector<1x16xf32>,
        %swap3A_201 = vector.shape_cast %swap3A_200 : vector<1x16xf32> to vector<16xf32>
        %swap3A_202 = vector.shape_cast %add3A_197 : vector<16xf32> to vector<1x16xf32>
        tpu.vector_store %arg11[%swap3A_198, %swap3A_199], %swap3A_202 {strides = array<i32>} : memref<200x128xf32, #tpu.memory_space<vmem>>, vector<1x16xf32>,
        %get3A_203 = arith.index_cast %add3A_134 : i32 to index
        %get3A_204 = arith.constant 80 : index
        %get3A_205 = tpu.vector_load %arg11[%get3A_203, %get3A_204] {strides = array<i32>} : memref<200x128xf32, #tpu.memory_space<vmem>>, vector<1x16xf32>,
        %get3A_206 = vector.shape_cast %get3A_205 : vector<1x16xf32> to vector<16xf32>
        %get3A_207 = arith.index_cast %add3A_134 : i32 to index
        %get3A_208 = arith.constant 80 : index
        %get3A_209 = tpu.vector_load %arg13[%get3A_207, %get3A_208] {strides = array<i32>} : memref<200x128xf32, #tpu.memory_space<vmem>>, vector<1x16xf32>,
        %get3A_210 = vector.shape_cast %get3A_209 : vector<1x16xf32> to vector<16xf32>
        %add3A_211 = arith.addf %get3A_206, %get3A_210 : vector<16xf32>
        %swap3A_212 = arith.index_cast %add3A_134 : i32 to index
        %swap3A_213 = arith.constant 80 : index
        %swap3A_214 = tpu.vector_load %arg11[%swap3A_212, %swap3A_213] {strides = array<i32>} : memref<200x128xf32, #tpu.memory_space<vmem>>, vector<1x16xf32>,
        %swap3A_215 = vector.shape_cast %swap3A_214 : vector<1x16xf32> to vector<16xf32>
        %swap3A_216 = vector.shape_cast %add3A_211 : vector<16xf32> to vector<1x16xf32>
        tpu.vector_store %arg11[%swap3A_212, %swap3A_213], %swap3A_216 {strides = array<i32>} : memref<200x128xf32, #tpu.memory_space<vmem>>, vector<1x16xf32>,
        %get3A_217 = arith.index_cast %add3A_134 : i32 to index
        %get3A_218 = arith.constant 96 : index
        %get3A_219 = tpu.vector_load %arg11[%get3A_217, %get3A_218] {strides = array<i32>} : memref<200x128xf32, #tpu.memory_space<vmem>>, vector<1x16xf32>,
        %get3A_220 = vector.shape_cast %get3A_219 : vector<1x16xf32> to vector<16xf32>
        %get3A_221 = arith.index_cast %add3A_134 : i32 to index
        %get3A_222 = arith.constant 96 : index
        %get3A_223 = tpu.vector_load %arg13[%get3A_221, %get3A_222] {strides = array<i32>} : memref<200x128xf32, #tpu.memory_space<vmem>>, vector<1x16xf32>,
        %get3A_224 = vector.shape_cast %get3A_223 : vector<1x16xf32> to vector<16xf32>
        %add3A_225 = arith.addf %get3A_220, %get3A_224 : vector<16xf32>
        %swap3A_226 = arith.index_cast %add3A_134 : i32 to index
        %swap3A_227 = arith.constant 96 : index
        %swap3A_228 = tpu.vector_load %arg11[%swap3A_226, %swap3A_227] {strides = array<i32>} : memref<200x128xf32, #tpu.memory_space<vmem>>, vector<1x16xf32>,
        %swap3A_229 = vector.shape_cast %swap3A_228 : vector<1x16xf32> to vector<16xf32>
        %swap3A_230 = vector.shape_cast %add3A_225 : vector<16xf32> to vector<1x16xf32>
        tpu.vector_store %arg11[%swap3A_226, %swap3A_227], %swap3A_230 {strides = array<i32>} : memref<200x128xf32, #tpu.memory_space<vmem>>, vector<1x16xf32>,
        %get3A_231 = arith.index_cast %add3A_134 : i32 to index
        %get3A_232 = arith.constant 112 : index
        %get3A_233 = tpu.vector_load %arg11[%get3A_231, %get3A_232] {strides = array<i32>} : memref<200x128xf32, #tpu.memory_space<vmem>>, vector<1x16xf32>,
        %get3A_234 = vector.shape_cast %get3A_233 : vector<1x16xf32> to vector<16xf32>
        %get3A_235 = arith.index_cast %add3A_134 : i32 to index
        %get3A_236 = arith.constant 112 : index
        %get3A_237 = tpu.vector_load %arg13[%get3A_235, %get3A_236] {strides = array<i32>} : memref<200x128xf32, #tpu.memory_space<vmem>>, vector<1x16xf32>,
        %get3A_238 = vector.shape_cast %get3A_237 : vector<1x16xf32> to vector<16xf32>
        %add3A_239 = arith.addf %get3A_234, %get3A_238 : vector<16xf32>
        %swap3A_240 = arith.index_cast %add3A_134 : i32 to index
        %swap3A_241 = arith.constant 112 : index
        %swap3A_242 = tpu.vector_load %arg11[%swap3A_240, %swap3A_241] {strides = array<i32>} : memref<200x128xf32, #tpu.memory_space<vmem>>, vector<1x16xf32>,
        %swap3A_243 = vector.shape_cast %swap3A_242 : vector<1x16xf32> to vector<16xf32>
        %swap3A_244 = vector.shape_cast %add3A_239 : vector<16xf32> to vector<1x16xf32>
        tpu.vector_store %arg11[%swap3A_240, %swap3A_241], %swap3A_244 {strides = array<i32>} : memref<200x128xf32, #tpu.memory_space<vmem>>, vector<1x16xf32>,
      }
      %scan3A_67 = arith.constant 200 : i32
      %mul3A_68 = arith.constant 200 : i32
      %mul3A_69 = arith.muli %add3A_56, %mul3A_68 : i32
      %add3A_70 = arith.addi %mul3A_2, %mul3A_69 : i32
      %dma_start3A_71 = arith.constant 0 : i32
      %dma_start3A_72 = tpu.memref_slice %arg6[%add3A_70, %dma_start3A_71] : memref<160000x128xf32, #tpu.memory_space<hbm>> -> memref<200x128xf32, #tpu.memory_space<hbm>>
      %dma_start3A_73 = arith.constant 0 : i32
      %dma_start3A_74 = tpu.memref_slice %arg6[%add3A_70, %dma_start3A_73] : memref<160000x128xf32, #tpu.memory_space<hbm>> -> memref<200x128xf32, #tpu.memory_space<hbm>>
      tpu.enqueue_dma source(%arg11 : memref<200x128xf32, #tpu.memory_space<vmem>>) target(%dma_start3A_74 : memref<200x128xf32, #tpu.memory_space<hbm>>) target_semaphore(%arg16 : memref<!tpu.dma_semaphore, #tpu.memory_space<semaphore_mem>>)
      %dma_wait3A_75 = arith.constant 0 : i32
      %dma_wait3A_76 = arith.constant 0 : i32
      %dma_wait3A_77 = tpu.memref_slice %arg2[%dma_wait3A_75, %dma_wait3A_76] : memref<10000x128xf32, #tpu.memory_space<hbm>> -> memref<10000x128xf32, #tpu.memory_space<hbm>>
      tpu.wait_indirect_dma semaphore(%arg15 : memref<!tpu.dma_semaphore, #tpu.memory_space<semaphore_mem>>) src(%dma_wait3A_77 : memref<10000x128xf32, #tpu.memory_space<hbm>>) dst(%arg12 : memref<200x128xf32, #tpu.memory_space<vmem>>)
      %dma_wait3A_78 = arith.constant 0 : i32
      %dma_wait3A_79 = arith.constant 0 : i32
      %dma_wait3A_80 = tpu.memref_slice %arg3[%dma_wait3A_78, %dma_wait3A_79] : memref<10000x128xf32, #tpu.memory_space<hbm>> -> memref<10000x128xf32, #tpu.memory_space<hbm>>
      tpu.wait_indirect_dma semaphore(%arg15 : memref<!tpu.dma_semaphore, #tpu.memory_space<semaphore_mem>>) src(%dma_wait3A_80 : memref<10000x128xf32, #tpu.memory_space<hbm>>) dst(%arg14 : memref<200x128xf32, #tpu.memory_space<vmem>>)
      %scan3A_81 = arith.constant 0 : i32
      %scan3A_82 = arith.constant 200 : i32
      %scan3A_83 = arith.addi %scan3A_81, %scan3A_82 : i32
      %scan3A_84 = arith.constant 1 : i32
      scf.for %scan3A_130 = %scan3A_81 to %scan3A_83 step %scan3A_84  : i32 {
        %mul3A_131 = arith.constant 1 : i32
        %mul3A_132 = arith.muli %scan3A_130, %mul3A_131 : i32
        %add3A_133 = arith.constant 0 : i32
        %add3A_134 = arith.addi %add3A_133, %mul3A_132 : i32
        %get3A = arith.index_cast %add3A_134 : i32 to index
        %get3A_135 = arith.constant 0 : index
        %get3A_136 = tpu.vector_load %arg12[%get3A, %get3A_135] {strides = array<i32>} : memref<200x128xf32, #tpu.memory_space<vmem>>, vector<1x16xf32>,
        %get3A_137 = vector.shape_cast %get3A_136 : vector<1x16xf32> to vector<16xf32>
        %get3A_138 = arith.index_cast %add3A_134 : i32 to index
        %get3A_139 = arith.constant 0 : index
        %get3A_140 = tpu.vector_load %arg14[%get3A_138, %get3A_139] {strides = array<i32>} : memref<200x128xf32, #tpu.memory_space<vmem>>, vector<1x16xf32>,
        %get3A_141 = vector.shape_cast %get3A_140 : vector<1x16xf32> to vector<16xf32>
        %add3A_142 = arith.addf %get3A_137, %get3A_141 : vector<16xf32>
        %swap3A = arith.index_cast %add3A_134 : i32 to index
        %swap3A_143 = arith.constant 0 : index
        %swap3A_144 = tpu.vector_load %arg12[%swap3A, %swap3A_143] {strides = array<i32>} : memref<200x128xf32, #tpu.memory_space<vmem>>, vector<1x16xf32>,
        %swap3A_145 = vector.shape_cast %swap3A_144 : vector<1x16xf32> to vector<16xf32>
        %swap3A_146 = vector.shape_cast %add3A_142 : vector<16xf32> to vector<1x16xf32>
        tpu.vector_store %arg12[%swap3A, %swap3A_143], %swap3A_146 {strides = array<i32>} : memref<200x128xf32, #tpu.memory_space<vmem>>, vector<1x16xf32>,
        %get3A_147 = arith.index_cast %add3A_134 : i32 to index
        %get3A_148 = arith.constant 16 : index
        %get3A_149 = tpu.vector_load %arg12[%get3A_147, %get3A_148] {strides = array<i32>} : memref<200x128xf32, #tpu.memory_space<vmem>>, vector<1x16xf32>,
        %get3A_150 = vector.shape_cast %get3A_149 : vector<1x16xf32> to vector<16xf32>
        %get3A_151 = arith.index_cast %add3A_134 : i32 to index
        %get3A_152 = arith.constant 16 : index
        %get3A_153 = tpu.vector_load %arg14[%get3A_151, %get3A_152] {strides = array<i32>} : memref<200x128xf32, #tpu.memory_space<vmem>>, vector<1x16xf32>,
        %get3A_154 = vector.shape_cast %get3A_153 : vector<1x16xf32> to vector<16xf32>
        %add3A_155 = arith.addf %get3A_150, %get3A_154 : vector<16xf32>
        %swap3A_156 = arith.index_cast %add3A_134 : i32 to index
        %swap3A_157 = arith.constant 16 : index
        %swap3A_158 = tpu.vector_load %arg12[%swap3A_156, %swap3A_157] {strides = array<i32>} : memref<200x128xf32, #tpu.memory_space<vmem>>, vector<1x16xf32>,
        %swap3A_159 = vector.shape_cast %swap3A_158 : vector<1x16xf32> to vector<16xf32>
        %swap3A_160 = vector.shape_cast %add3A_155 : vector<16xf32> to vector<1x16xf32>
        tpu.vector_store %arg12[%swap3A_156, %swap3A_157], %swap3A_160 {strides = array<i32>} : memref<200x128xf32, #tpu.memory_space<vmem>>, vector<1x16xf32>,
        %get3A_161 = arith.index_cast %add3A_134 : i32 to index
        %get3A_162 = arith.constant 32 : index
        %get3A_163 = tpu.vector_load %arg12[%get3A_161, %get3A_162] {strides = array<i32>} : memref<200x128xf32, #tpu.memory_space<vmem>>, vector<1x16xf32>,
        %get3A_164 = vector.shape_cast %get3A_163 : vector<1x16xf32> to vector<16xf32>
        %get3A_165 = arith.index_cast %add3A_134 : i32 to index
        %get3A_166 = arith.constant 32 : index
        %get3A_167 = tpu.vector_load %arg14[%get3A_165, %get3A_166] {strides = array<i32>} : memref<200x128xf32, #tpu.memory_space<vmem>>, vector<1x16xf32>,
        %get3A_168 = vector.shape_cast %get3A_167 : vector<1x16xf32> to vector<16xf32>
        %add3A_169 = arith.addf %get3A_164, %get3A_168 : vector<16xf32>
        %swap3A_170 = arith.index_cast %add3A_134 : i32 to index
        %swap3A_171 = arith.constant 32 : index
        %swap3A_172 = tpu.vector_load %arg12[%swap3A_170, %swap3A_171] {strides = array<i32>} : memref<200x128xf32, #tpu.memory_space<vmem>>, vector<1x16xf32>,
        %swap3A_173 = vector.shape_cast %swap3A_172 : vector<1x16xf32> to vector<16xf32>
        %swap3A_174 = vector.shape_cast %add3A_169 : vector<16xf32> to vector<1x16xf32>
        tpu.vector_store %arg12[%swap3A_170, %swap3A_171], %swap3A_174 {strides = array<i32>} : memref<200x128xf32, #tpu.memory_space<vmem>>, vector<1x16xf32>,
        %get3A_175 = arith.index_cast %add3A_134 : i32 to index
        %get3A_176 = arith.constant 48 : index
        %get3A_177 = tpu.vector_load %arg12[%get3A_175, %get3A_176] {strides = array<i32>} : memref<200x128xf32, #tpu.memory_space<vmem>>, vector<1x16xf32>,
        %get3A_178 = vector.shape_cast %get3A_177 : vector<1x16xf32> to vector<16xf32>
        %get3A_179 = arith.index_cast %add3A_134 : i32 to index
        %get3A_180 = arith.constant 48 : index
        %get3A_181 = tpu.vector_load %arg14[%get3A_179, %get3A_180] {strides = array<i32>} : memref<200x128xf32, #tpu.memory_space<vmem>>, vector<1x16xf32>,
        %get3A_182 = vector.shape_cast %get3A_181 : vector<1x16xf32> to vector<16xf32>
        %add3A_183 = arith.addf %get3A_178, %get3A_182 : vector<16xf32>
        %swap3A_184 = arith.index_cast %add3A_134 : i32 to index
        %swap3A_185 = arith.constant 48 : index
        %swap3A_186 = tpu.vector_load %arg12[%swap3A_184, %swap3A_185] {strides = array<i32>} : memref<200x128xf32, #tpu.memory_space<vmem>>, vector<1x16xf32>,
        %swap3A_187 = vector.shape_cast %swap3A_186 : vector<1x16xf32> to vector<16xf32>
        %swap3A_188 = vector.shape_cast %add3A_183 : vector<16xf32> to vector<1x16xf32>
        tpu.vector_store %arg12[%swap3A_184, %swap3A_185], %swap3A_188 {strides = array<i32>} : memref<200x128xf32, #tpu.memory_space<vmem>>, vector<1x16xf32>,
        %get3A_189 = arith.index_cast %add3A_134 : i32 to index
        %get3A_190 = arith.constant 64 : index
        %get3A_191 = tpu.vector_load %arg12[%get3A_189, %get3A_190] {strides = array<i32>} : memref<200x128xf32, #tpu.memory_space<vmem>>, vector<1x16xf32>,
        %get3A_192 = vector.shape_cast %get3A_191 : vector<1x16xf32> to vector<16xf32>
        %get3A_193 = arith.index_cast %add3A_134 : i32 to index
        %get3A_194 = arith.constant 64 : index
        %get3A_195 = tpu.vector_load %arg14[%get3A_193, %get3A_194] {strides = array<i32>} : memref<200x128xf32, #tpu.memory_space<vmem>>, vector<1x16xf32>,
        %get3A_196 = vector.shape_cast %get3A_195 : vector<1x16xf32> to vector<16xf32>
        %add3A_197 = arith.addf %get3A_192, %get3A_196 : vector<16xf32>
        %swap3A_198 = arith.index_cast %add3A_134 : i32 to index
        %swap3A_199 = arith.constant 64 : index
        %swap3A_200 = tpu.vector_load %arg12[%swap3A_198, %swap3A_199] {strides = array<i32>} : memref<200x128xf32, #tpu.memory_space<vmem>>, vector<1x16xf32>,
        %swap3A_201 = vector.shape_cast %swap3A_200 : vector<1x16xf32> to vector<16xf32>
        %swap3A_202 = vector.shape_cast %add3A_197 : vector<16xf32> to vector<1x16xf32>
        tpu.vector_store %arg12[%swap3A_198, %swap3A_199], %swap3A_202 {strides = array<i32>} : memref<200x128xf32, #tpu.memory_space<vmem>>, vector<1x16xf32>,
        %get3A_203 = arith.index_cast %add3A_134 : i32 to index
        %get3A_204 = arith.constant 80 : index
        %get3A_205 = tpu.vector_load %arg12[%get3A_203, %get3A_204] {strides = array<i32>} : memref<200x128xf32, #tpu.memory_space<vmem>>, vector<1x16xf32>,
        %get3A_206 = vector.shape_cast %get3A_205 : vector<1x16xf32> to vector<16xf32>
        %get3A_207 = arith.index_cast %add3A_134 : i32 to index
        %get3A_208 = arith.constant 80 : index
        %get3A_209 = tpu.vector_load %arg14[%get3A_207, %get3A_208] {strides = array<i32>} : memref<200x128xf32, #tpu.memory_space<vmem>>, vector<1x16xf32>,
        %get3A_210 = vector.shape_cast %get3A_209 : vector<1x16xf32> to vector<16xf32>
        %add3A_211 = arith.addf %get3A_206, %get3A_210 : vector<16xf32>
        %swap3A_212 = arith.index_cast %add3A_134 : i32 to index
        %swap3A_213 = arith.constant 80 : index
        %swap3A_214 = tpu.vector_load %arg12[%swap3A_212, %swap3A_213] {strides = array<i32>} : memref<200x128xf32, #tpu.memory_space<vmem>>, vector<1x16xf32>,
        %swap3A_215 = vector.shape_cast %swap3A_214 : vector<1x16xf32> to vector<16xf32>
        %swap3A_216 = vector.shape_cast %add3A_211 : vector<16xf32> to vector<1x16xf32>
        tpu.vector_store %arg12[%swap3A_212, %swap3A_213], %swap3A_216 {strides = array<i32>} : memref<200x128xf32, #tpu.memory_space<vmem>>, vector<1x16xf32>,
        %get3A_217 = arith.index_cast %add3A_134 : i32 to index
        %get3A_218 = arith.constant 96 : index
        %get3A_219 = tpu.vector_load %arg12[%get3A_217, %get3A_218] {strides = array<i32>} : memref<200x128xf32, #tpu.memory_space<vmem>>, vector<1x16xf32>,
        %get3A_220 = vector.shape_cast %get3A_219 : vector<1x16xf32> to vector<16xf32>
        %get3A_221 = arith.index_cast %add3A_134 : i32 to index
        %get3A_222 = arith.constant 96 : index
        %get3A_223 = tpu.vector_load %arg14[%get3A_221, %get3A_222] {strides = array<i32>} : memref<200x128xf32, #tpu.memory_space<vmem>>, vector<1x16xf32>,
        %get3A_224 = vector.shape_cast %get3A_223 : vector<1x16xf32> to vector<16xf32>
        %add3A_225 = arith.addf %get3A_220, %get3A_224 : vector<16xf32>
        %swap3A_226 = arith.index_cast %add3A_134 : i32 to index
        %swap3A_227 = arith.constant 96 : index
        %swap3A_228 = tpu.vector_load %arg12[%swap3A_226, %swap3A_227] {strides = array<i32>} : memref<200x128xf32, #tpu.memory_space<vmem>>, vector<1x16xf32>,
        %swap3A_229 = vector.shape_cast %swap3A_228 : vector<1x16xf32> to vector<16xf32>
        %swap3A_230 = vector.shape_cast %add3A_225 : vector<16xf32> to vector<1x16xf32>
        tpu.vector_store %arg12[%swap3A_226, %swap3A_227], %swap3A_230 {strides = array<i32>} : memref<200x128xf32, #tpu.memory_space<vmem>>, vector<1x16xf32>,
        %get3A_231 = arith.index_cast %add3A_134 : i32 to index
        %get3A_232 = arith.constant 112 : index
        %get3A_233 = tpu.vector_load %arg12[%get3A_231, %get3A_232] {strides = array<i32>} : memref<200x128xf32, #tpu.memory_space<vmem>>, vector<1x16xf32>,
        %get3A_234 = vector.shape_cast %get3A_233 : vector<1x16xf32> to vector<16xf32>
        %get3A_235 = arith.index_cast %add3A_134 : i32 to index
        %get3A_236 = arith.constant 112 : index
        %get3A_237 = tpu.vector_load %arg14[%get3A_235, %get3A_236] {strides = array<i32>} : memref<200x128xf32, #tpu.memory_space<vmem>>, vector<1x16xf32>,
        %get3A_238 = vector.shape_cast %get3A_237 : vector<1x16xf32> to vector<16xf32>
        %add3A_239 = arith.addf %get3A_234, %get3A_238 : vector<16xf32>
        %swap3A_240 = arith.index_cast %add3A_134 : i32 to index
        %swap3A_241 = arith.constant 112 : index
        %swap3A_242 = tpu.vector_load %arg12[%swap3A_240, %swap3A_241] {strides = array<i32>} : memref<200x128xf32, #tpu.memory_space<vmem>>, vector<1x16xf32>,
        %swap3A_243 = vector.shape_cast %swap3A_242 : vector<1x16xf32> to vector<16xf32>
        %swap3A_244 = vector.shape_cast %add3A_239 : vector<16xf32> to vector<1x16xf32>
        tpu.vector_store %arg12[%swap3A_240, %swap3A_241], %swap3A_244 {strides = array<i32>} : memref<200x128xf32, #tpu.memory_space<vmem>>, vector<1x16xf32>,
      }
      %scan3A_85 = arith.constant 200 : i32
      %add3A_86 = arith.constant 1 : i32
      %add3A_87 = arith.addi %add3A_56, %add3A_86 : i32
      %mul3A_88 = arith.constant 200 : i32
      %mul3A_89 = arith.muli %add3A_87, %mul3A_88 : i32
      %add3A_90 = arith.addi %mul3A_2, %mul3A_89 : i32
      %dma_start3A_91 = arith.constant 0 : i32
      %dma_start3A_92 = tpu.memref_slice %arg6[%add3A_90, %dma_start3A_91] : memref<160000x128xf32, #tpu.memory_space<hbm>> -> memref<200x128xf32, #tpu.memory_space<hbm>>
      %dma_start3A_93 = arith.constant 0 : i32
      %dma_start3A_94 = tpu.memref_slice %arg6[%add3A_90, %dma_start3A_93] : memref<160000x128xf32, #tpu.memory_space<hbm>> -> memref<200x128xf32, #tpu.memory_space<hbm>>
      tpu.enqueue_dma source(%arg12 : memref<200x128xf32, #tpu.memory_space<vmem>>) target(%dma_start3A_94 : memref<200x128xf32, #tpu.memory_space<hbm>>) target_semaphore(%arg16 : memref<!tpu.dma_semaphore, #tpu.memory_space<semaphore_mem>>)
      %mul3A_95 = arith.constant 200 : i32
      %mul3A_96 = arith.muli %add3A_56, %mul3A_95 : i32
      %add3A_97 = arith.addi %mul3A_2, %mul3A_96 : i32
      %dma_wait3A_98 = arith.constant 0 : i32
      %dma_wait3A_99 = tpu.memref_slice %arg6[%add3A_97, %dma_wait3A_98] : memref<160000x128xf32, #tpu.memory_space<hbm>> -> memref<200x128xf32, #tpu.memory_space<hbm>>
      %dma_wait3A_100 = arith.constant 0 : i32
      %dma_wait3A_101 = tpu.memref_slice %arg6[%add3A_97, %dma_wait3A_100] : memref<160000x128xf32, #tpu.memory_space<hbm>> -> memref<200x128xf32, #tpu.memory_space<hbm>>
      tpu.wait_dma2 semaphore(%arg16 : memref<!tpu.dma_semaphore, #tpu.memory_space<semaphore_mem>>) src(%arg11 : memref<200x128xf32, #tpu.memory_space<vmem>>) dst(%dma_wait3A_101 : memref<200x128xf32, #tpu.memory_space<hbm>>)
      %add3A_102 = arith.constant 2 : i32
      %add3A_103 = arith.addi %add3A_56, %add3A_102 : i32
      %mul3A_104 = arith.constant 200 : i32
      %mul3A_105 = arith.muli %add3A_103, %mul3A_104 : i32
      %add3A_106 = arith.addi %mul3A_2, %mul3A_105 : i32
      %add3A_107 = arith.constant 0 : i32
      %add3A_108 = arith.addi %add3A_107, %add3A_106 : i32
      "tpu.region"() ({
        %run_scoped3A = tpu.sem_alloc : memref<!tpu.dma_semaphore, #tpu.memory_space<semaphore_mem>>
        %dma_start3A_130 = tpu.memref_slice %arg4[%add3A_108] : memref<320000xi32, #tpu.memory_space<hbm>> -> memref<200xi32, #tpu.memory_space<hbm>>
        %dma_start3A_131 = tpu.memref_slice %arg4[%add3A_108] : memref<320000xi32, #tpu.memory_space<hbm>> -> memref<200xi32, #tpu.memory_space<hbm>>
        tpu.enqueue_dma source(%dma_start3A_131 : memref<200xi32, #tpu.memory_space<hbm>>) target(%arg7 : memref<200xi32, #tpu.memory_space<vmem>>) target_semaphore(%run_scoped3A : memref<!tpu.dma_semaphore, #tpu.memory_space<semaphore_mem>>)
        %dma_wait3A_132 = tpu.memref_slice %arg4[%add3A_108] : memref<320000xi32, #tpu.memory_space<hbm>> -> memref<200xi32, #tpu.memory_space<hbm>>
        %dma_wait3A_133 = tpu.memref_slice %arg4[%add3A_108] : memref<320000xi32, #tpu.memory_space<hbm>> -> memref<200xi32, #tpu.memory_space<hbm>>
        tpu.wait_dma2 semaphore(%run_scoped3A : memref<!tpu.dma_semaphore, #tpu.memory_space<semaphore_mem>>) src(%dma_wait3A_133 : memref<200xi32, #tpu.memory_space<hbm>>) dst(%arg7 : memref<200xi32, #tpu.memory_space<vmem>>)
        tpu.yield
      }) : () -> ()
      %add3A_109 = arith.constant 0 : i32
      %add3A_110 = arith.addi %add3A_109, %add3A_106 : i32
      "tpu.region"() ({
        %run_scoped3A = tpu.sem_alloc : memref<!tpu.dma_semaphore, #tpu.memory_space<semaphore_mem>>
        %dma_start3A_130 = tpu.memref_slice %arg5[%add3A_110] : memref<320000xi32, #tpu.memory_space<hbm>> -> memref<200xi32, #tpu.memory_space<hbm>>
        %dma_start3A_131 = tpu.memref_slice %arg5[%add3A_110] : memref<320000xi32, #tpu.memory_space<hbm>> -> memref<200xi32, #tpu.memory_space<hbm>>
        tpu.enqueue_dma source(%dma_start3A_131 : memref<200xi32, #tpu.memory_space<hbm>>) target(%arg9 : memref<200xi32, #tpu.memory_space<vmem>>) target_semaphore(%run_scoped3A : memref<!tpu.dma_semaphore, #tpu.memory_space<semaphore_mem>>)
        %dma_wait3A_132 = tpu.memref_slice %arg5[%add3A_110] : memref<320000xi32, #tpu.memory_space<hbm>> -> memref<200xi32, #tpu.memory_space<hbm>>
        %dma_wait3A_133 = tpu.memref_slice %arg5[%add3A_110] : memref<320000xi32, #tpu.memory_space<hbm>> -> memref<200xi32, #tpu.memory_space<hbm>>
        tpu.wait_dma2 semaphore(%run_scoped3A : memref<!tpu.dma_semaphore, #tpu.memory_space<semaphore_mem>>) src(%dma_wait3A_133 : memref<200xi32, #tpu.memory_space<hbm>>) dst(%arg9 : memref<200xi32, #tpu.memory_space<vmem>>)
        tpu.yield
      }) : () -> ()
      %dma_start3A_111 = arith.constant 0 : i32
      %dma_start3A_112 = arith.constant 0 : i32
      %dma_start3A_113 = tpu.memref_slice %arg2[%dma_start3A_111, %dma_start3A_112] : memref<10000x128xf32, #tpu.memory_space<hbm>> -> memref<10000x128xf32, #tpu.memory_space<hbm>>
      tpu.enqueue_indirect_dma source(%dma_start3A_113 : memref<10000x128xf32, #tpu.memory_space<hbm>>) target(%arg11 : memref<200x128xf32, #tpu.memory_space<vmem>>) offsets(%arg7 : memref<200xi32, #tpu.memory_space<vmem>>) semaphore(%arg15 : memref<!tpu.dma_semaphore, #tpu.memory_space<semaphore_mem>>)
      %dma_start3A_114 = arith.constant 0 : i32
      %dma_start3A_115 = arith.constant 0 : i32
      %dma_start3A_116 = tpu.memref_slice %arg3[%dma_start3A_114, %dma_start3A_115] : memref<10000x128xf32, #tpu.memory_space<hbm>> -> memref<10000x128xf32, #tpu.memory_space<hbm>>
      tpu.enqueue_indirect_dma source(%dma_start3A_116 : memref<10000x128xf32, #tpu.memory_space<hbm>>) target(%arg13 : memref<200x128xf32, #tpu.memory_space<vmem>>) offsets(%arg9 : memref<200xi32, #tpu.memory_space<vmem>>) semaphore(%arg15 : memref<!tpu.dma_semaphore, #tpu.memory_space<semaphore_mem>>)
      %add3A_117 = arith.constant 1 : i32
      %add3A_118 = arith.addi %add3A_56, %add3A_117 : i32
      %mul3A_119 = arith.constant 200 : i32
      %mul3A_120 = arith.muli %add3A_118, %mul3A_119 : i32
      %add3A_121 = arith.addi %mul3A_2, %mul3A_120 : i32
      %dma_wait3A_122 = arith.constant 0 : i32
      %dma_wait3A_123 = tpu.memref_slice %arg6[%add3A_121, %dma_wait3A_122] : memref<160000x128xf32, #tpu.memory_space<hbm>> -> memref<200x128xf32, #tpu.memory_space<hbm>>
      %dma_wait3A_124 = arith.constant 0 : i32
      %dma_wait3A_125 = tpu.memref_slice %arg6[%add3A_121, %dma_wait3A_124] : memref<160000x128xf32, #tpu.memory_space<hbm>> -> memref<200x128xf32, #tpu.memory_space<hbm>>
      tpu.wait_dma2 semaphore(%arg16 : memref<!tpu.dma_semaphore, #tpu.memory_space<semaphore_mem>>) src(%arg12 : memref<200x128xf32, #tpu.memory_space<vmem>>) dst(%dma_wait3A_125 : memref<200x128xf32, #tpu.memory_space<hbm>>)
      %add3A_126 = arith.constant 3 : i32
      %add3A_127 = arith.addi %add3A_56, %add3A_126 : i32
      %lt3A = arith.constant 25 : i32
      %lt3A_128 = arith.cmpi slt, %add3A_127, %lt3A : i32
      %convert_element_type3A = arith.extui %lt3A_128 : i1 to i32
      %cond3A = arith.constant 0 : i32
      %cond3A_129 = arith.cmpi ne, %convert_element_type3A, %cond3A : i32
      scf.if %cond3A_129 {
        %add3A_130 = arith.constant 3 : i32
        %add3A_131 = arith.addi %add3A_56, %add3A_130 : i32
        %mul3A_132 = arith.constant 200 : i32
        %mul3A_133 = arith.muli %add3A_131, %mul3A_132 : i32
        %add3A_134 = arith.addi %mul3A_2, %mul3A_133 : i32
        %add3A_135 = arith.constant 0 : i32
        %add3A_136 = arith.addi %add3A_135, %add3A_134 : i32
        "tpu.region"() ({
          %run_scoped3A = tpu.sem_alloc : memref<!tpu.dma_semaphore, #tpu.memory_space<semaphore_mem>>
          %dma_start3A_145 = tpu.memref_slice %arg4[%add3A_136] : memref<320000xi32, #tpu.memory_space<hbm>> -> memref<200xi32, #tpu.memory_space<hbm>>
          %dma_start3A_146 = tpu.memref_slice %arg4[%add3A_136] : memref<320000xi32, #tpu.memory_space<hbm>> -> memref<200xi32, #tpu.memory_space<hbm>>
          tpu.enqueue_dma source(%dma_start3A_146 : memref<200xi32, #tpu.memory_space<hbm>>) target(%arg8 : memref<200xi32, #tpu.memory_space<vmem>>) target_semaphore(%run_scoped3A : memref<!tpu.dma_semaphore, #tpu.memory_space<semaphore_mem>>)
          %dma_wait3A_147 = tpu.memref_slice %arg4[%add3A_136] : memref<320000xi32, #tpu.memory_space<hbm>> -> memref<200xi32, #tpu.memory_space<hbm>>
          %dma_wait3A_148 = tpu.memref_slice %arg4[%add3A_136] : memref<320000xi32, #tpu.memory_space<hbm>> -> memref<200xi32, #tpu.memory_space<hbm>>
          tpu.wait_dma2 semaphore(%run_scoped3A : memref<!tpu.dma_semaphore, #tpu.memory_space<semaphore_mem>>) src(%dma_wait3A_148 : memref<200xi32, #tpu.memory_space<hbm>>) dst(%arg8 : memref<200xi32, #tpu.memory_space<vmem>>)
          tpu.yield
        }) : () -> ()
        %add3A_137 = arith.constant 0 : i32
        %add3A_138 = arith.addi %add3A_137, %add3A_134 : i32
        "tpu.region"() ({
          %run_scoped3A = tpu.sem_alloc : memref<!tpu.dma_semaphore, #tpu.memory_space<semaphore_mem>>
          %dma_start3A_145 = tpu.memref_slice %arg5[%add3A_138] : memref<320000xi32, #tpu.memory_space<hbm>> -> memref<200xi32, #tpu.memory_space<hbm>>
          %dma_start3A_146 = tpu.memref_slice %arg5[%add3A_138] : memref<320000xi32, #tpu.memory_space<hbm>> -> memref<200xi32, #tpu.memory_space<hbm>>
          tpu.enqueue_dma source(%dma_start3A_146 : memref<200xi32, #tpu.memory_space<hbm>>) target(%arg10 : memref<200xi32, #tpu.memory_space<vmem>>) target_semaphore(%run_scoped3A : memref<!tpu.dma_semaphore, #tpu.memory_space<semaphore_mem>>)
          %dma_wait3A_147 = tpu.memref_slice %arg5[%add3A_138] : memref<320000xi32, #tpu.memory_space<hbm>> -> memref<200xi32, #tpu.memory_space<hbm>>
          %dma_wait3A_148 = tpu.memref_slice %arg5[%add3A_138] : memref<320000xi32, #tpu.memory_space<hbm>> -> memref<200xi32, #tpu.memory_space<hbm>>
          tpu.wait_dma2 semaphore(%run_scoped3A : memref<!tpu.dma_semaphore, #tpu.memory_space<semaphore_mem>>) src(%dma_wait3A_148 : memref<200xi32, #tpu.memory_space<hbm>>) dst(%arg10 : memref<200xi32, #tpu.memory_space<vmem>>)
          tpu.yield
        }) : () -> ()
        %dma_start3A_139 = arith.constant 0 : i32
        %dma_start3A_140 = arith.constant 0 : i32
        %dma_start3A_141 = tpu.memref_slice %arg2[%dma_start3A_139, %dma_start3A_140] : memref<10000x128xf32, #tpu.memory_space<hbm>> -> memref<10000x128xf32, #tpu.memory_space<hbm>>
        tpu.enqueue_indirect_dma source(%dma_start3A_141 : memref<10000x128xf32, #tpu.memory_space<hbm>>) target(%arg12 : memref<200x128xf32, #tpu.memory_space<vmem>>) offsets(%arg8 : memref<200xi32, #tpu.memory_space<vmem>>) semaphore(%arg15 : memref<!tpu.dma_semaphore, #tpu.memory_space<semaphore_mem>>)
        %dma_start3A_142 = arith.constant 0 : i32
        %dma_start3A_143 = arith.constant 0 : i32
        %dma_start3A_144 = tpu.memref_slice %arg3[%dma_start3A_142, %dma_start3A_143] : memref<10000x128xf32, #tpu.memory_space<hbm>> -> memref<10000x128xf32, #tpu.memory_space<hbm>>
        tpu.enqueue_indirect_dma source(%dma_start3A_144 : memref<10000x128xf32, #tpu.memory_space<hbm>>) target(%arg14 : memref<200x128xf32, #tpu.memory_space<vmem>>) offsets(%arg10 : memref<200xi32, #tpu.memory_space<vmem>>) semaphore(%arg15 : memref<!tpu.dma_semaphore, #tpu.memory_space<semaphore_mem>>)
      } else {
      }
    }
    %scan3A_29 = arith.constant 12 : i32
    %dma_wait3A = arith.constant 0 : i32
    %dma_wait3A_30 = arith.constant 0 : i32
    %dma_wait3A_31 = tpu.memref_slice %arg2[%dma_wait3A, %dma_wait3A_30] : memref<10000x128xf32, #tpu.memory_space<hbm>> -> memref<10000x128xf32, #tpu.memory_space<hbm>>
    tpu.wait_indirect_dma semaphore(%arg15 : memref<!tpu.dma_semaphore, #tpu.memory_space<semaphore_mem>>) src(%dma_wait3A_31 : memref<10000x128xf32, #tpu.memory_space<hbm>>) dst(%arg11 : memref<200x128xf32, #tpu.memory_space<vmem>>)
    %dma_wait3A_32 = arith.constant 0 : i32
    %dma_wait3A_33 = arith.constant 0 : i32
    %dma_wait3A_34 = tpu.memref_slice %arg3[%dma_wait3A_32, %dma_wait3A_33] : memref<10000x128xf32, #tpu.memory_space<hbm>> -> memref<10000x128xf32, #tpu.memory_space<hbm>>
    tpu.wait_indirect_dma semaphore(%arg15 : memref<!tpu.dma_semaphore, #tpu.memory_space<semaphore_mem>>) src(%dma_wait3A_34 : memref<10000x128xf32, #tpu.memory_space<hbm>>) dst(%arg13 : memref<200x128xf32, #tpu.memory_space<vmem>>)
    %scan3A_35 = arith.constant 0 : i32
    %scan3A_36 = arith.constant 200 : i32
    %scan3A_37 = arith.addi %scan3A_35, %scan3A_36 : i32
    %scan3A_38 = arith.constant 1 : i32
    scf.for %scan3A_52 = %scan3A_35 to %scan3A_37 step %scan3A_38  : i32 {
      %mul3A_53 = arith.constant 1 : i32
      %mul3A_54 = arith.muli %scan3A_52, %mul3A_53 : i32
      %add3A_55 = arith.constant 0 : i32
      %add3A_56 = arith.addi %add3A_55, %mul3A_54 : i32
      %get3A = arith.index_cast %add3A_56 : i32 to index
      %get3A_57 = arith.constant 0 : index
      %get3A_58 = tpu.vector_load %arg11[%get3A, %get3A_57] {strides = array<i32>} : memref<200x128xf32, #tpu.memory_space<vmem>>, vector<1x16xf32>,
      %get3A_59 = vector.shape_cast %get3A_58 : vector<1x16xf32> to vector<16xf32>
      %get3A_60 = arith.index_cast %add3A_56 : i32 to index
      %get3A_61 = arith.constant 0 : index
      %get3A_62 = tpu.vector_load %arg13[%get3A_60, %get3A_61] {strides = array<i32>} : memref<200x128xf32, #tpu.memory_space<vmem>>, vector<1x16xf32>,
      %get3A_63 = vector.shape_cast %get3A_62 : vector<1x16xf32> to vector<16xf32>
      %add3A_64 = arith.addf %get3A_59, %get3A_63 : vector<16xf32>
      %swap3A = arith.index_cast %add3A_56 : i32 to index
      %swap3A_65 = arith.constant 0 : index
      %swap3A_66 = tpu.vector_load %arg11[%swap3A, %swap3A_65] {strides = array<i32>} : memref<200x128xf32, #tpu.memory_space<vmem>>, vector<1x16xf32>,
      %swap3A_67 = vector.shape_cast %swap3A_66 : vector<1x16xf32> to vector<16xf32>
      %swap3A_68 = vector.shape_cast %add3A_64 : vector<16xf32> to vector<1x16xf32>
      tpu.vector_store %arg11[%swap3A, %swap3A_65], %swap3A_68 {strides = array<i32>} : memref<200x128xf32, #tpu.memory_space<vmem>>, vector<1x16xf32>,
      %get3A_69 = arith.index_cast %add3A_56 : i32 to index
      %get3A_70 = arith.constant 16 : index
      %get3A_71 = tpu.vector_load %arg11[%get3A_69, %get3A_70] {strides = array<i32>} : memref<200x128xf32, #tpu.memory_space<vmem>>, vector<1x16xf32>,
      %get3A_72 = vector.shape_cast %get3A_71 : vector<1x16xf32> to vector<16xf32>
      %get3A_73 = arith.index_cast %add3A_56 : i32 to index
      %get3A_74 = arith.constant 16 : index
      %get3A_75 = tpu.vector_load %arg13[%get3A_73, %get3A_74] {strides = array<i32>} : memref<200x128xf32, #tpu.memory_space<vmem>>, vector<1x16xf32>,
      %get3A_76 = vector.shape_cast %get3A_75 : vector<1x16xf32> to vector<16xf32>
      %add3A_77 = arith.addf %get3A_72, %get3A_76 : vector<16xf32>
      %swap3A_78 = arith.index_cast %add3A_56 : i32 to index
      %swap3A_79 = arith.constant 16 : index
      %swap3A_80 = tpu.vector_load %arg11[%swap3A_78, %swap3A_79] {strides = array<i32>} : memref<200x128xf32, #tpu.memory_space<vmem>>, vector<1x16xf32>,
      %swap3A_81 = vector.shape_cast %swap3A_80 : vector<1x16xf32> to vector<16xf32>
      %swap3A_82 = vector.shape_cast %add3A_77 : vector<16xf32> to vector<1x16xf32>
      tpu.vector_store %arg11[%swap3A_78, %swap3A_79], %swap3A_82 {strides = array<i32>} : memref<200x128xf32, #tpu.memory_space<vmem>>, vector<1x16xf32>,
      %get3A_83 = arith.index_cast %add3A_56 : i32 to index
      %get3A_84 = arith.constant 32 : index
      %get3A_85 = tpu.vector_load %arg11[%get3A_83, %get3A_84] {strides = array<i32>} : memref<200x128xf32, #tpu.memory_space<vmem>>, vector<1x16xf32>,
      %get3A_86 = vector.shape_cast %get3A_85 : vector<1x16xf32> to vector<16xf32>
      %get3A_87 = arith.index_cast %add3A_56 : i32 to index
      %get3A_88 = arith.constant 32 : index
      %get3A_89 = tpu.vector_load %arg13[%get3A_87, %get3A_88] {strides = array<i32>} : memref<200x128xf32, #tpu.memory_space<vmem>>, vector<1x16xf32>,
      %get3A_90 = vector.shape_cast %get3A_89 : vector<1x16xf32> to vector<16xf32>
      %add3A_91 = arith.addf %get3A_86, %get3A_90 : vector<16xf32>
      %swap3A_92 = arith.index_cast %add3A_56 : i32 to index
      %swap3A_93 = arith.constant 32 : index
      %swap3A_94 = tpu.vector_load %arg11[%swap3A_92, %swap3A_93] {strides = array<i32>} : memref<200x128xf32, #tpu.memory_space<vmem>>, vector<1x16xf32>,
      %swap3A_95 = vector.shape_cast %swap3A_94 : vector<1x16xf32> to vector<16xf32>
      %swap3A_96 = vector.shape_cast %add3A_91 : vector<16xf32> to vector<1x16xf32>
      tpu.vector_store %arg11[%swap3A_92, %swap3A_93], %swap3A_96 {strides = array<i32>} : memref<200x128xf32, #tpu.memory_space<vmem>>, vector<1x16xf32>,
      %get3A_97 = arith.index_cast %add3A_56 : i32 to index
      %get3A_98 = arith.constant 48 : index
      %get3A_99 = tpu.vector_load %arg11[%get3A_97, %get3A_98] {strides = array<i32>} : memref<200x128xf32, #tpu.memory_space<vmem>>, vector<1x16xf32>,
      %get3A_100 = vector.shape_cast %get3A_99 : vector<1x16xf32> to vector<16xf32>
      %get3A_101 = arith.index_cast %add3A_56 : i32 to index
      %get3A_102 = arith.constant 48 : index
      %get3A_103 = tpu.vector_load %arg13[%get3A_101, %get3A_102] {strides = array<i32>} : memref<200x128xf32, #tpu.memory_space<vmem>>, vector<1x16xf32>,
      %get3A_104 = vector.shape_cast %get3A_103 : vector<1x16xf32> to vector<16xf32>
      %add3A_105 = arith.addf %get3A_100, %get3A_104 : vector<16xf32>
      %swap3A_106 = arith.index_cast %add3A_56 : i32 to index
      %swap3A_107 = arith.constant 48 : index
      %swap3A_108 = tpu.vector_load %arg11[%swap3A_106, %swap3A_107] {strides = array<i32>} : memref<200x128xf32, #tpu.memory_space<vmem>>, vector<1x16xf32>,
      %swap3A_109 = vector.shape_cast %swap3A_108 : vector<1x16xf32> to vector<16xf32>
      %swap3A_110 = vector.shape_cast %add3A_105 : vector<16xf32> to vector<1x16xf32>
      tpu.vector_store %arg11[%swap3A_106, %swap3A_107], %swap3A_110 {strides = array<i32>} : memref<200x128xf32, #tpu.memory_space<vmem>>, vector<1x16xf32>,
      %get3A_111 = arith.index_cast %add3A_56 : i32 to index
      %get3A_112 = arith.constant 64 : index
      %get3A_113 = tpu.vector_load %arg11[%get3A_111, %get3A_112] {strides = array<i32>} : memref<200x128xf32, #tpu.memory_space<vmem>>, vector<1x16xf32>,
      %get3A_114 = vector.shape_cast %get3A_113 : vector<1x16xf32> to vector<16xf32>
      %get3A_115 = arith.index_cast %add3A_56 : i32 to index
      %get3A_116 = arith.constant 64 : index
      %get3A_117 = tpu.vector_load %arg13[%get3A_115, %get3A_116] {strides = array<i32>} : memref<200x128xf32, #tpu.memory_space<vmem>>, vector<1x16xf32>,
      %get3A_118 = vector.shape_cast %get3A_117 : vector<1x16xf32> to vector<16xf32>
      %add3A_119 = arith.addf %get3A_114, %get3A_118 : vector<16xf32>
      %swap3A_120 = arith.index_cast %add3A_56 : i32 to index
      %swap3A_121 = arith.constant 64 : index
      %swap3A_122 = tpu.vector_load %arg11[%swap3A_120, %swap3A_121] {strides = array<i32>} : memref<200x128xf32, #tpu.memory_space<vmem>>, vector<1x16xf32>,
      %swap3A_123 = vector.shape_cast %swap3A_122 : vector<1x16xf32> to vector<16xf32>
      %swap3A_124 = vector.shape_cast %add3A_119 : vector<16xf32> to vector<1x16xf32>
      tpu.vector_store %arg11[%swap3A_120, %swap3A_121], %swap3A_124 {strides = array<i32>} : memref<200x128xf32, #tpu.memory_space<vmem>>, vector<1x16xf32>,
      %get3A_125 = arith.index_cast %add3A_56 : i32 to index
      %get3A_126 = arith.constant 80 : index
      %get3A_127 = tpu.vector_load %arg11[%get3A_125, %get3A_126] {strides = array<i32>} : memref<200x128xf32, #tpu.memory_space<vmem>>, vector<1x16xf32>,
      %get3A_128 = vector.shape_cast %get3A_127 : vector<1x16xf32> to vector<16xf32>
      %get3A_129 = arith.index_cast %add3A_56 : i32 to index
      %get3A_130 = arith.constant 80 : index
      %get3A_131 = tpu.vector_load %arg13[%get3A_129, %get3A_130] {strides = array<i32>} : memref<200x128xf32, #tpu.memory_space<vmem>>, vector<1x16xf32>,
      %get3A_132 = vector.shape_cast %get3A_131 : vector<1x16xf32> to vector<16xf32>
      %add3A_133 = arith.addf %get3A_128, %get3A_132 : vector<16xf32>
      %swap3A_134 = arith.index_cast %add3A_56 : i32 to index
      %swap3A_135 = arith.constant 80 : index
      %swap3A_136 = tpu.vector_load %arg11[%swap3A_134, %swap3A_135] {strides = array<i32>} : memref<200x128xf32, #tpu.memory_space<vmem>>, vector<1x16xf32>,
      %swap3A_137 = vector.shape_cast %swap3A_136 : vector<1x16xf32> to vector<16xf32>
      %swap3A_138 = vector.shape_cast %add3A_133 : vector<16xf32> to vector<1x16xf32>
      tpu.vector_store %arg11[%swap3A_134, %swap3A_135], %swap3A_138 {strides = array<i32>} : memref<200x128xf32, #tpu.memory_space<vmem>>, vector<1x16xf32>,
      %get3A_139 = arith.index_cast %add3A_56 : i32 to index
      %get3A_140 = arith.constant 96 : index
      %get3A_141 = tpu.vector_load %arg11[%get3A_139, %get3A_140] {strides = array<i32>} : memref<200x128xf32, #tpu.memory_space<vmem>>, vector<1x16xf32>,
      %get3A_142 = vector.shape_cast %get3A_141 : vector<1x16xf32> to vector<16xf32>
      %get3A_143 = arith.index_cast %add3A_56 : i32 to index
      %get3A_144 = arith.constant 96 : index
      %get3A_145 = tpu.vector_load %arg13[%get3A_143, %get3A_144] {strides = array<i32>} : memref<200x128xf32, #tpu.memory_space<vmem>>, vector<1x16xf32>,
      %get3A_146 = vector.shape_cast %get3A_145 : vector<1x16xf32> to vector<16xf32>
      %add3A_147 = arith.addf %get3A_142, %get3A_146 : vector<16xf32>
      %swap3A_148 = arith.index_cast %add3A_56 : i32 to index
      %swap3A_149 = arith.constant 96 : index
      %swap3A_150 = tpu.vector_load %arg11[%swap3A_148, %swap3A_149] {strides = array<i32>} : memref<200x128xf32, #tpu.memory_space<vmem>>, vector<1x16xf32>,
      %swap3A_151 = vector.shape_cast %swap3A_150 : vector<1x16xf32> to vector<16xf32>
      %swap3A_152 = vector.shape_cast %add3A_147 : vector<16xf32> to vector<1x16xf32>
      tpu.vector_store %arg11[%swap3A_148, %swap3A_149], %swap3A_152 {strides = array<i32>} : memref<200x128xf32, #tpu.memory_space<vmem>>, vector<1x16xf32>,
      %get3A_153 = arith.index_cast %add3A_56 : i32 to index
      %get3A_154 = arith.constant 112 : index
      %get3A_155 = tpu.vector_load %arg11[%get3A_153, %get3A_154] {strides = array<i32>} : memref<200x128xf32, #tpu.memory_space<vmem>>, vector<1x16xf32>,
      %get3A_156 = vector.shape_cast %get3A_155 : vector<1x16xf32> to vector<16xf32>
      %get3A_157 = arith.index_cast %add3A_56 : i32 to index
      %get3A_158 = arith.constant 112 : index
      %get3A_159 = tpu.vector_load %arg13[%get3A_157, %get3A_158] {strides = array<i32>} : memref<200x128xf32, #tpu.memory_space<vmem>>, vector<1x16xf32>,
      %get3A_160 = vector.shape_cast %get3A_159 : vector<1x16xf32> to vector<16xf32>
      %add3A_161 = arith.addf %get3A_156, %get3A_160 : vector<16xf32>
      %swap3A_162 = arith.index_cast %add3A_56 : i32 to index
      %swap3A_163 = arith.constant 112 : index
      %swap3A_164 = tpu.vector_load %arg11[%swap3A_162, %swap3A_163] {strides = array<i32>} : memref<200x128xf32, #tpu.memory_space<vmem>>, vector<1x16xf32>,
      %swap3A_165 = vector.shape_cast %swap3A_164 : vector<1x16xf32> to vector<16xf32>
      %swap3A_166 = vector.shape_cast %add3A_161 : vector<16xf32> to vector<1x16xf32>
      tpu.vector_store %arg11[%swap3A_162, %swap3A_163], %swap3A_166 {strides = array<i32>} : memref<200x128xf32, #tpu.memory_space<vmem>>, vector<1x16xf32>,
    }
    %scan3A_39 = arith.constant 200 : i32
    %add3A_40 = arith.constant 4800 : i32
    %add3A_41 = arith.addi %mul3A_2, %add3A_40 : i32
    %dma_start3A_42 = arith.constant 0 : i32
    %dma_start3A_43 = tpu.memref_slice %arg6[%add3A_41, %dma_start3A_42] : memref<160000x128xf32, #tpu.memory_space<hbm>> -> memref<200x128xf32, #tpu.memory_space<hbm>>
    %dma_start3A_44 = arith.constant 0 : i32
    %dma_start3A_45 = tpu.memref_slice %arg6[%add3A_41, %dma_start3A_44] : memref<160000x128xf32, #tpu.memory_space<hbm>> -> memref<200x128xf32, #tpu.memory_space<hbm>>
    tpu.enqueue_dma source(%arg11 : memref<200x128xf32, #tpu.memory_space<vmem>>) target(%dma_start3A_45 : memref<200x128xf32, #tpu.memory_space<hbm>>) target_semaphore(%arg16 : memref<!tpu.dma_semaphore, #tpu.memory_space<semaphore_mem>>)
    %add3A_46 = arith.constant 4800 : i32
    %add3A_47 = arith.addi %mul3A_2, %add3A_46 : i32
    %dma_wait3A_48 = arith.constant 0 : i32
    %dma_wait3A_49 = tpu.memref_slice %arg6[%add3A_47, %dma_wait3A_48] : memref<160000x128xf32, #tpu.memory_space<hbm>> -> memref<200x128xf32, #tpu.memory_space<hbm>>
    %dma_wait3A_50 = arith.constant 0 : i32
    %dma_wait3A_51 = tpu.memref_slice %arg6[%add3A_47, %dma_wait3A_50] : memref<160000x128xf32, #tpu.memory_space<hbm>> -> memref<200x128xf32, #tpu.memory_space<hbm>>
    tpu.wait_dma2 semaphore(%arg16 : memref<!tpu.dma_semaphore, #tpu.memory_space<semaphore_mem>>) src(%arg11 : memref<200x128xf32, #tpu.memory_space<vmem>>) dst(%dma_wait3A_51 : memref<200x128xf32, #tpu.memory_space<hbm>>)
    return
  }
}

#map = affine_map<(d0, d1) -> (0, 0)>
#map1 = affine_map<(d0, d1) -> (0)>
module attributes {stable_mosaic.version = 14 : i64} {
  func.func @k(%arg0: i32, %arg1: i32, %arg2: memref<10000x128xf32, #tpu.memory_space<hbm>>, %arg3: memref<10000x128xf32, #tpu.memory_space<hbm>>, %arg4: memref<320000xi32, #tpu.memory_space<hbm>>, %arg5: memref<320000xi32, #tpu.memory_space<hbm>>, %arg6: memref<160000x128xf32, #tpu.memory_space<hbm>>, %arg7: memref<200xi32, #tpu.memory_space<vmem>>, %arg8: memref<200xi32, #tpu.memory_space<vmem>>, %arg9: memref<200xi32, #tpu.memory_space<vmem>>, %arg10: memref<200xi32, #tpu.memory_space<vmem>>, %arg11: memref<200x128xf32, #tpu.memory_space<vmem>>, %arg12: memref<200x128xf32, #tpu.memory_space<vmem>>, %arg13: memref<200x128xf32, #tpu.memory_space<vmem>>, %arg14: memref<200x128xf32, #tpu.memory_space<vmem>>, %arg15: memref<!tpu.dma_semaphore, #tpu.memory_space<semaphore_mem>>, %arg16: memref<!tpu.dma_semaphore, #tpu.memory_space<semaphore_mem>>) attributes {dimension_semantics = [#tpu.dimension_semantics<core_parallel>, #tpu.dimension_semantics<subcore_parallel>], iteration_bounds = array<i64: 2, 16>, scalar_prefetch = 0 : i64, scratch_operands = 10 : i64, tpu.core_type = #tpu.core_type<sc_vector_subcore>, window_params = [{transform_indices = #map}, {transform_indices = #map}, {transform_indices = #map1}, {transform_indices = #map1}, {transform_indices = #map}]} {
    %mul3A = arith.constant 2 : i32
    %mul3A_0 = arith.muli %arg1, %mul3A : i32
    %add3A = arith.addi %mul3A_0, %arg0 : i32
    %mul3A_1 = arith.constant 5000 : i32
    %mul3A_2 = arith.muli %add3A, %mul3A_1 : i32
    %add3A_3 = arith.constant 0 : i32
    %add3A_4 = arith.addi %mul3A_2, %add3A_3 : i32
    %add3A_5 = arith.constant 160000 : i32
    %add3A_6 = arith.addi %add3A_5, %add3A_4 : i32
    "tpu.region"() ({
      %run_scoped3A = tpu.sem_alloc : memref<!tpu.dma_semaphore, #tpu.memory_space<semaphore_mem>>
      %dma_start3A_52 = tpu.memref_slice %arg4[%add3A_6] : memref<320000xi32, #tpu.memory_space<hbm>> -> memref<200xi32, #tpu.memory_space<hbm>>
      %dma_start3A_53 = tpu.memref_slice %arg4[%add3A_6] : memref<320000xi32, #tpu.memory_space<hbm>> -> memref<200xi32, #tpu.memory_space<hbm>>
      tpu.enqueue_dma source(%dma_start3A_53 : memref<200xi32, #tpu.memory_space<hbm>>) target(%arg7 : memref<200xi32, #tpu.memory_space<vmem>>) target_semaphore(%run_scoped3A : memref<!tpu.dma_semaphore, #tpu.memory_space<semaphore_mem>>)
      %dma_wait3A_54 = tpu.memref_slice %arg4[%add3A_6] : memref<320000xi32, #tpu.memory_space<hbm>> -> memref<200xi32, #tpu.memory_space<hbm>>
      %dma_wait3A_55 = tpu.memref_slice %arg4[%add3A_6] : memref<320000xi32, #tpu.memory_space<hbm>> -> memref<200xi32, #tpu.memory_space<hbm>>
      tpu.wait_dma2 semaphore(%run_scoped3A : memref<!tpu.dma_semaphore, #tpu.memory_space<semaphore_mem>>) src(%dma_wait3A_55 : memref<200xi32, #tpu.memory_space<hbm>>) dst(%arg7 : memref<200xi32, #tpu.memory_space<vmem>>)
      tpu.yield
    }) : () -> ()
    %add3A_7 = arith.constant 160000 : i32
    %add3A_8 = arith.addi %add3A_7, %add3A_4 : i32
    "tpu.region"() ({
      %run_scoped3A = tpu.sem_alloc : memref<!tpu.dma_semaphore, #tpu.memory_space<semaphore_mem>>
      %dma_start3A_52 = tpu.memref_slice %arg5[%add3A_8] : memref<320000xi32, #tpu.memory_space<hbm>> -> memref<200xi32, #tpu.memory_space<hbm>>
      %dma_start3A_53 = tpu.memref_slice %arg5[%add3A_8] : memref<320000xi32, #tpu.memory_space<hbm>> -> memref<200xi32, #tpu.memory_space<hbm>>
      tpu.enqueue_dma source(%dma_start3A_53 : memref<200xi32, #tpu.memory_space<hbm>>) target(%arg9 : memref<200xi32, #tpu.memory_space<vmem>>) target_semaphore(%run_scoped3A : memref<!tpu.dma_semaphore, #tpu.memory_space<semaphore_mem>>)
      %dma_wait3A_54 = tpu.memref_slice %arg5[%add3A_8] : memref<320000xi32, #tpu.memory_space<hbm>> -> memref<200xi32, #tpu.memory_space<hbm>>
      %dma_wait3A_55 = tpu.memref_slice %arg5[%add3A_8] : memref<320000xi32, #tpu.memory_space<hbm>> -> memref<200xi32, #tpu.memory_space<hbm>>
      tpu.wait_dma2 semaphore(%run_scoped3A : memref<!tpu.dma_semaphore, #tpu.memory_space<semaphore_mem>>) src(%dma_wait3A_55 : memref<200xi32, #tpu.memory_space<hbm>>) dst(%arg9 : memref<200xi32, #tpu.memory_space<vmem>>)
      tpu.yield
    }) : () -> ()
    %dma_start3A = arith.constant 0 : i32
    %dma_start3A_9 = arith.constant 0 : i32
    %dma_start3A_10 = tpu.memref_slice %arg2[%dma_start3A, %dma_start3A_9] : memref<10000x128xf32, #tpu.memory_space<hbm>> -> memref<10000x128xf32, #tpu.memory_space<hbm>>
    tpu.enqueue_indirect_dma source(%dma_start3A_10 : memref<10000x128xf32, #tpu.memory_space<hbm>>) target(%arg11 : memref<200x128xf32, #tpu.memory_space<vmem>>) offsets(%arg7 : memref<200xi32, #tpu.memory_space<vmem>>) semaphore(%arg15 : memref<!tpu.dma_semaphore, #tpu.memory_space<semaphore_mem>>)
    %dma_start3A_11 = arith.constant 0 : i32
    %dma_start3A_12 = arith.constant 0 : i32
    %dma_start3A_13 = tpu.memref_slice %arg3[%dma_start3A_11, %dma_start3A_12] : memref<10000x128xf32, #tpu.memory_space<hbm>> -> memref<10000x128xf32, #tpu.memory_space<hbm>>
    tpu.enqueue_indirect_dma source(%dma_start3A_13 : memref<10000x128xf32, #tpu.memory_space<hbm>>) target(%arg13 : memref<200x128xf32, #tpu.memory_space<vmem>>) offsets(%arg9 : memref<200xi32, #tpu.memory_space<vmem>>) semaphore(%arg15 : memref<!tpu.dma_semaphore, #tpu.memory_space<semaphore_mem>>)
    %add3A_14 = arith.constant 200 : i32
    %add3A_15 = arith.addi %mul3A_2, %add3A_14 : i32
    %add3A_16 = arith.constant 160000 : i32
    %add3A_17 = arith.addi %add3A_16, %add3A_15 : i32
    "tpu.region"() ({
      %run_scoped3A = tpu.sem_alloc : memref<!tpu.dma_semaphore, #tpu.memory_space<semaphore_mem>>
      %dma_start3A_52 = tpu.memref_slice %arg4[%add3A_17] : memref<320000xi32, #tpu.memory_space<hbm>> -> memref<200xi32, #tpu.memory_space<hbm>>
      %dma_start3A_53 = tpu.memref_slice %arg4[%add3A_17] : memref<320000xi32, #tpu.memory_space<hbm>> -> memref<200xi32, #tpu.memory_space<hbm>>
      tpu.enqueue_dma source(%dma_start3A_53 : memref<200xi32, #tpu.memory_space<hbm>>) target(%arg8 : memref<200xi32, #tpu.memory_space<vmem>>) target_semaphore(%run_scoped3A : memref<!tpu.dma_semaphore, #tpu.memory_space<semaphore_mem>>)
      %dma_wait3A_54 = tpu.memref_slice %arg4[%add3A_17] : memref<320000xi32, #tpu.memory_space<hbm>> -> memref<200xi32, #tpu.memory_space<hbm>>
      %dma_wait3A_55 = tpu.memref_slice %arg4[%add3A_17] : memref<320000xi32, #tpu.memory_space<hbm>> -> memref<200xi32, #tpu.memory_space<hbm>>
      tpu.wait_dma2 semaphore(%run_scoped3A : memref<!tpu.dma_semaphore, #tpu.memory_space<semaphore_mem>>) src(%dma_wait3A_55 : memref<200xi32, #tpu.memory_space<hbm>>) dst(%arg8 : memref<200xi32, #tpu.memory_space<vmem>>)
      tpu.yield
    }) : () -> ()
    %add3A_18 = arith.constant 160000 : i32
    %add3A_19 = arith.addi %add3A_18, %add3A_15 : i32
    "tpu.region"() ({
      %run_scoped3A = tpu.sem_alloc : memref<!tpu.dma_semaphore, #tpu.memory_space<semaphore_mem>>
      %dma_start3A_52 = tpu.memref_slice %arg5[%add3A_19] : memref<320000xi32, #tpu.memory_space<hbm>> -> memref<200xi32, #tpu.memory_space<hbm>>
      %dma_start3A_53 = tpu.memref_slice %arg5[%add3A_19] : memref<320000xi32, #tpu.memory_space<hbm>> -> memref<200xi32, #tpu.memory_space<hbm>>
      tpu.enqueue_dma source(%dma_start3A_53 : memref<200xi32, #tpu.memory_space<hbm>>) target(%arg10 : memref<200xi32, #tpu.memory_space<vmem>>) target_semaphore(%run_scoped3A : memref<!tpu.dma_semaphore, #tpu.memory_space<semaphore_mem>>)
      %dma_wait3A_54 = tpu.memref_slice %arg5[%add3A_19] : memref<320000xi32, #tpu.memory_space<hbm>> -> memref<200xi32, #tpu.memory_space<hbm>>
      %dma_wait3A_55 = tpu.memref_slice %arg5[%add3A_19] : memref<320000xi32, #tpu.memory_space<hbm>> -> memref<200xi32, #tpu.memory_space<hbm>>
      tpu.wait_dma2 semaphore(%run_scoped3A : memref<!tpu.dma_semaphore, #tpu.memory_space<semaphore_mem>>) src(%dma_wait3A_55 : memref<200xi32, #tpu.memory_space<hbm>>) dst(%arg10 : memref<200xi32, #tpu.memory_space<vmem>>)
      tpu.yield
    }) : () -> ()
    %dma_start3A_20 = arith.constant 0 : i32
    %dma_start3A_21 = arith.constant 0 : i32
    %dma_start3A_22 = tpu.memref_slice %arg2[%dma_start3A_20, %dma_start3A_21] : memref<10000x128xf32, #tpu.memory_space<hbm>> -> memref<10000x128xf32, #tpu.memory_space<hbm>>
    tpu.enqueue_indirect_dma source(%dma_start3A_22 : memref<10000x128xf32, #tpu.memory_space<hbm>>) target(%arg12 : memref<200x128xf32, #tpu.memory_space<vmem>>) offsets(%arg8 : memref<200xi32, #tpu.memory_space<vmem>>) semaphore(%arg15 : memref<!tpu.dma_semaphore, #tpu.memory_space<semaphore_mem>>)
    %dma_start3A_23 = arith.constant 0 : i32
    %dma_start3A_24 = arith.constant 0 : i32
    %dma_start3A_25 = tpu.memref_slice %arg3[%dma_start3A_23, %dma_start3A_24] : memref<10000x128xf32, #tpu.memory_space<hbm>> -> memref<10000x128xf32, #tpu.memory_space<hbm>>
    tpu.enqueue_indirect_dma source(%dma_start3A_25 : memref<10000x128xf32, #tpu.memory_space<hbm>>) target(%arg14 : memref<200x128xf32, #tpu.memory_space<vmem>>) offsets(%arg10 : memref<200xi32, #tpu.memory_space<vmem>>) semaphore(%arg15 : memref<!tpu.dma_semaphore, #tpu.memory_space<semaphore_mem>>)
    %scan3A = arith.constant 0 : i32
    %scan3A_26 = arith.constant 12 : i32
    %scan3A_27 = arith.addi %scan3A, %scan3A_26 : i32
    %scan3A_28 = arith.constant 1 : i32
    scf.for %scan3A_52 = %scan3A to %scan3A_27 step %scan3A_28  : i32 {
      %mul3A_53 = arith.constant 2 : i32
      %mul3A_54 = arith.muli %scan3A_52, %mul3A_53 : i32
      %add3A_55 = arith.constant 0 : i32
      %add3A_56 = arith.addi %add3A_55, %mul3A_54 : i32
      %dma_wait3A_57 = arith.constant 0 : i32
      %dma_wait3A_58 = arith.constant 0 : i32
      %dma_wait3A_59 = tpu.memref_slice %arg2[%dma_wait3A_57, %dma_wait3A_58] : memref<10000x128xf32, #tpu.memory_space<hbm>> -> memref<10000x128xf32, #tpu.memory_space<hbm>>
      tpu.wait_indirect_dma semaphore(%arg15 : memref<!tpu.dma_semaphore, #tpu.memory_space<semaphore_mem>>) src(%dma_wait3A_59 : memref<10000x128xf32, #tpu.memory_space<hbm>>) dst(%arg11 : memref<200x128xf32, #tpu.memory_space<vmem>>)
      %dma_wait3A_60 = arith.constant 0 : i32
      %dma_wait3A_61 = arith.constant 0 : i32
      %dma_wait3A_62 = tpu.memref_slice %arg3[%dma_wait3A_60, %dma_wait3A_61] : memref<10000x128xf32, #tpu.memory_space<hbm>> -> memref<10000x128xf32, #tpu.memory_space<hbm>>
      tpu.wait_indirect_dma semaphore(%arg15 : memref<!tpu.dma_semaphore, #tpu.memory_space<semaphore_mem>>) src(%dma_wait3A_62 : memref<10000x128xf32, #tpu.memory_space<hbm>>) dst(%arg13 : memref<200x128xf32, #tpu.memory_space<vmem>>)
      %scan3A_63 = arith.constant 0 : i32
      %scan3A_64 = arith.constant 200 : i32
      %scan3A_65 = arith.addi %scan3A_63, %scan3A_64 : i32
      %scan3A_66 = arith.constant 1 : i32
      scf.for %scan3A_130 = %scan3A_63 to %scan3A_65 step %scan3A_66  : i32 {
        %mul3A_131 = arith.constant 1 : i32
        %mul3A_132 = arith.muli %scan3A_130, %mul3A_131 : i32
        %add3A_133 = arith.constant 0 : i32
        %add3A_134 = arith.addi %add3A_133, %mul3A_132 : i32
        %get3A = arith.index_cast %add3A_134 : i32 to index
        %get3A_135 = arith.constant 0 : index
        %get3A_136 = tpu.vector_load %arg11[%get3A, %get3A_135] {strides = array<i32>} : memref<200x128xf32, #tpu.memory_space<vmem>>, vector<1x16xf32>,
        %get3A_137 = vector.shape_cast %get3A_136 : vector<1x16xf32> to vector<16xf32>
        %get3A_138 = arith.index_cast %add3A_134 : i32 to index
        %get3A_139 = arith.constant 0 : index
        %get3A_140 = tpu.vector_load %arg13[%get3A_138, %get3A_139] {strides = array<i32>} : memref<200x128xf32, #tpu.memory_space<vmem>>, vector<1x16xf32>,
        %get3A_141 = vector.shape_cast %get3A_140 : vector<1x16xf32> to vector<16xf32>
        %add3A_142 = arith.addf %get3A_137, %get3A_141 : vector<16xf32>
        %swap3A = arith.index_cast %add3A_134 : i32 to index
        %swap3A_143 = arith.constant 0 : index
        %swap3A_144 = tpu.vector_load %arg11[%swap3A, %swap3A_143] {strides = array<i32>} : memref<200x128xf32, #tpu.memory_space<vmem>>, vector<1x16xf32>,
        %swap3A_145 = vector.shape_cast %swap3A_144 : vector<1x16xf32> to vector<16xf32>
        %swap3A_146 = vector.shape_cast %add3A_142 : vector<16xf32> to vector<1x16xf32>
        tpu.vector_store %arg11[%swap3A, %swap3A_143], %swap3A_146 {strides = array<i32>} : memref<200x128xf32, #tpu.memory_space<vmem>>, vector<1x16xf32>,
        %get3A_147 = arith.index_cast %add3A_134 : i32 to index
        %get3A_148 = arith.constant 16 : index
        %get3A_149 = tpu.vector_load %arg11[%get3A_147, %get3A_148] {strides = array<i32>} : memref<200x128xf32, #tpu.memory_space<vmem>>, vector<1x16xf32>,
        %get3A_150 = vector.shape_cast %get3A_149 : vector<1x16xf32> to vector<16xf32>
        %get3A_151 = arith.index_cast %add3A_134 : i32 to index
        %get3A_152 = arith.constant 16 : index
        %get3A_153 = tpu.vector_load %arg13[%get3A_151, %get3A_152] {strides = array<i32>} : memref<200x128xf32, #tpu.memory_space<vmem>>, vector<1x16xf32>,
        %get3A_154 = vector.shape_cast %get3A_153 : vector<1x16xf32> to vector<16xf32>
        %add3A_155 = arith.addf %get3A_150, %get3A_154 : vector<16xf32>
        %swap3A_156 = arith.index_cast %add3A_134 : i32 to index
        %swap3A_157 = arith.constant 16 : index
        %swap3A_158 = tpu.vector_load %arg11[%swap3A_156, %swap3A_157] {strides = array<i32>} : memref<200x128xf32, #tpu.memory_space<vmem>>, vector<1x16xf32>,
        %swap3A_159 = vector.shape_cast %swap3A_158 : vector<1x16xf32> to vector<16xf32>
        %swap3A_160 = vector.shape_cast %add3A_155 : vector<16xf32> to vector<1x16xf32>
        tpu.vector_store %arg11[%swap3A_156, %swap3A_157], %swap3A_160 {strides = array<i32>} : memref<200x128xf32, #tpu.memory_space<vmem>>, vector<1x16xf32>,
        %get3A_161 = arith.index_cast %add3A_134 : i32 to index
        %get3A_162 = arith.constant 32 : index
        %get3A_163 = tpu.vector_load %arg11[%get3A_161, %get3A_162] {strides = array<i32>} : memref<200x128xf32, #tpu.memory_space<vmem>>, vector<1x16xf32>,
        %get3A_164 = vector.shape_cast %get3A_163 : vector<1x16xf32> to vector<16xf32>
        %get3A_165 = arith.index_cast %add3A_134 : i32 to index
        %get3A_166 = arith.constant 32 : index
        %get3A_167 = tpu.vector_load %arg13[%get3A_165, %get3A_166] {strides = array<i32>} : memref<200x128xf32, #tpu.memory_space<vmem>>, vector<1x16xf32>,
        %get3A_168 = vector.shape_cast %get3A_167 : vector<1x16xf32> to vector<16xf32>
        %add3A_169 = arith.addf %get3A_164, %get3A_168 : vector<16xf32>
        %swap3A_170 = arith.index_cast %add3A_134 : i32 to index
        %swap3A_171 = arith.constant 32 : index
        %swap3A_172 = tpu.vector_load %arg11[%swap3A_170, %swap3A_171] {strides = array<i32>} : memref<200x128xf32, #tpu.memory_space<vmem>>, vector<1x16xf32>,
        %swap3A_173 = vector.shape_cast %swap3A_172 : vector<1x16xf32> to vector<16xf32>
        %swap3A_174 = vector.shape_cast %add3A_169 : vector<16xf32> to vector<1x16xf32>
        tpu.vector_store %arg11[%swap3A_170, %swap3A_171], %swap3A_174 {strides = array<i32>} : memref<200x128xf32, #tpu.memory_space<vmem>>, vector<1x16xf32>,
        %get3A_175 = arith.index_cast %add3A_134 : i32 to index
        %get3A_176 = arith.constant 48 : index
        %get3A_177 = tpu.vector_load %arg11[%get3A_175, %get3A_176] {strides = array<i32>} : memref<200x128xf32, #tpu.memory_space<vmem>>, vector<1x16xf32>,
        %get3A_178 = vector.shape_cast %get3A_177 : vector<1x16xf32> to vector<16xf32>
        %get3A_179 = arith.index_cast %add3A_134 : i32 to index
        %get3A_180 = arith.constant 48 : index
        %get3A_181 = tpu.vector_load %arg13[%get3A_179, %get3A_180] {strides = array<i32>} : memref<200x128xf32, #tpu.memory_space<vmem>>, vector<1x16xf32>,
        %get3A_182 = vector.shape_cast %get3A_181 : vector<1x16xf32> to vector<16xf32>
        %add3A_183 = arith.addf %get3A_178, %get3A_182 : vector<16xf32>
        %swap3A_184 = arith.index_cast %add3A_134 : i32 to index
        %swap3A_185 = arith.constant 48 : index
        %swap3A_186 = tpu.vector_load %arg11[%swap3A_184, %swap3A_185] {strides = array<i32>} : memref<200x128xf32, #tpu.memory_space<vmem>>, vector<1x16xf32>,
        %swap3A_187 = vector.shape_cast %swap3A_186 : vector<1x16xf32> to vector<16xf32>
        %swap3A_188 = vector.shape_cast %add3A_183 : vector<16xf32> to vector<1x16xf32>
        tpu.vector_store %arg11[%swap3A_184, %swap3A_185], %swap3A_188 {strides = array<i32>} : memref<200x128xf32, #tpu.memory_space<vmem>>, vector<1x16xf32>,
        %get3A_189 = arith.index_cast %add3A_134 : i32 to index
        %get3A_190 = arith.constant 64 : index
        %get3A_191 = tpu.vector_load %arg11[%get3A_189, %get3A_190] {strides = array<i32>} : memref<200x128xf32, #tpu.memory_space<vmem>>, vector<1x16xf32>,
        %get3A_192 = vector.shape_cast %get3A_191 : vector<1x16xf32> to vector<16xf32>
        %get3A_193 = arith.index_cast %add3A_134 : i32 to index
        %get3A_194 = arith.constant 64 : index
        %get3A_195 = tpu.vector_load %arg13[%get3A_193, %get3A_194] {strides = array<i32>} : memref<200x128xf32, #tpu.memory_space<vmem>>, vector<1x16xf32>,
        %get3A_196 = vector.shape_cast %get3A_195 : vector<1x16xf32> to vector<16xf32>
        %add3A_197 = arith.addf %get3A_192, %get3A_196 : vector<16xf32>
        %swap3A_198 = arith.index_cast %add3A_134 : i32 to index
        %swap3A_199 = arith.constant 64 : index
        %swap3A_200 = tpu.vector_load %arg11[%swap3A_198, %swap3A_199] {strides = array<i32>} : memref<200x128xf32, #tpu.memory_space<vmem>>, vector<1x16xf32>,
        %swap3A_201 = vector.shape_cast %swap3A_200 : vector<1x16xf32> to vector<16xf32>
        %swap3A_202 = vector.shape_cast %add3A_197 : vector<16xf32> to vector<1x16xf32>
        tpu.vector_store %arg11[%swap3A_198, %swap3A_199], %swap3A_202 {strides = array<i32>} : memref<200x128xf32, #tpu.memory_space<vmem>>, vector<1x16xf32>,
        %get3A_203 = arith.index_cast %add3A_134 : i32 to index
        %get3A_204 = arith.constant 80 : index
        %get3A_205 = tpu.vector_load %arg11[%get3A_203, %get3A_204] {strides = array<i32>} : memref<200x128xf32, #tpu.memory_space<vmem>>, vector<1x16xf32>,
        %get3A_206 = vector.shape_cast %get3A_205 : vector<1x16xf32> to vector<16xf32>
        %get3A_207 = arith.index_cast %add3A_134 : i32 to index
        %get3A_208 = arith.constant 80 : index
        %get3A_209 = tpu.vector_load %arg13[%get3A_207, %get3A_208] {strides = array<i32>} : memref<200x128xf32, #tpu.memory_space<vmem>>, vector<1x16xf32>,
        %get3A_210 = vector.shape_cast %get3A_209 : vector<1x16xf32> to vector<16xf32>
        %add3A_211 = arith.addf %get3A_206, %get3A_210 : vector<16xf32>
        %swap3A_212 = arith.index_cast %add3A_134 : i32 to index
        %swap3A_213 = arith.constant 80 : index
        %swap3A_214 = tpu.vector_load %arg11[%swap3A_212, %swap3A_213] {strides = array<i32>} : memref<200x128xf32, #tpu.memory_space<vmem>>, vector<1x16xf32>,
        %swap3A_215 = vector.shape_cast %swap3A_214 : vector<1x16xf32> to vector<16xf32>
        %swap3A_216 = vector.shape_cast %add3A_211 : vector<16xf32> to vector<1x16xf32>
        tpu.vector_store %arg11[%swap3A_212, %swap3A_213], %swap3A_216 {strides = array<i32>} : memref<200x128xf32, #tpu.memory_space<vmem>>, vector<1x16xf32>,
        %get3A_217 = arith.index_cast %add3A_134 : i32 to index
        %get3A_218 = arith.constant 96 : index
        %get3A_219 = tpu.vector_load %arg11[%get3A_217, %get3A_218] {strides = array<i32>} : memref<200x128xf32, #tpu.memory_space<vmem>>, vector<1x16xf32>,
        %get3A_220 = vector.shape_cast %get3A_219 : vector<1x16xf32> to vector<16xf32>
        %get3A_221 = arith.index_cast %add3A_134 : i32 to index
        %get3A_222 = arith.constant 96 : index
        %get3A_223 = tpu.vector_load %arg13[%get3A_221, %get3A_222] {strides = array<i32>} : memref<200x128xf32, #tpu.memory_space<vmem>>, vector<1x16xf32>,
        %get3A_224 = vector.shape_cast %get3A_223 : vector<1x16xf32> to vector<16xf32>
        %add3A_225 = arith.addf %get3A_220, %get3A_224 : vector<16xf32>
        %swap3A_226 = arith.index_cast %add3A_134 : i32 to index
        %swap3A_227 = arith.constant 96 : index
        %swap3A_228 = tpu.vector_load %arg11[%swap3A_226, %swap3A_227] {strides = array<i32>} : memref<200x128xf32, #tpu.memory_space<vmem>>, vector<1x16xf32>,
        %swap3A_229 = vector.shape_cast %swap3A_228 : vector<1x16xf32> to vector<16xf32>
        %swap3A_230 = vector.shape_cast %add3A_225 : vector<16xf32> to vector<1x16xf32>
        tpu.vector_store %arg11[%swap3A_226, %swap3A_227], %swap3A_230 {strides = array<i32>} : memref<200x128xf32, #tpu.memory_space<vmem>>, vector<1x16xf32>,
        %get3A_231 = arith.index_cast %add3A_134 : i32 to index
        %get3A_232 = arith.constant 112 : index
        %get3A_233 = tpu.vector_load %arg11[%get3A_231, %get3A_232] {strides = array<i32>} : memref<200x128xf32, #tpu.memory_space<vmem>>, vector<1x16xf32>,
        %get3A_234 = vector.shape_cast %get3A_233 : vector<1x16xf32> to vector<16xf32>
        %get3A_235 = arith.index_cast %add3A_134 : i32 to index
        %get3A_236 = arith.constant 112 : index
        %get3A_237 = tpu.vector_load %arg13[%get3A_235, %get3A_236] {strides = array<i32>} : memref<200x128xf32, #tpu.memory_space<vmem>>, vector<1x16xf32>,
        %get3A_238 = vector.shape_cast %get3A_237 : vector<1x16xf32> to vector<16xf32>
        %add3A_239 = arith.addf %get3A_234, %get3A_238 : vector<16xf32>
        %swap3A_240 = arith.index_cast %add3A_134 : i32 to index
        %swap3A_241 = arith.constant 112 : index
        %swap3A_242 = tpu.vector_load %arg11[%swap3A_240, %swap3A_241] {strides = array<i32>} : memref<200x128xf32, #tpu.memory_space<vmem>>, vector<1x16xf32>,
        %swap3A_243 = vector.shape_cast %swap3A_242 : vector<1x16xf32> to vector<16xf32>
        %swap3A_244 = vector.shape_cast %add3A_239 : vector<16xf32> to vector<1x16xf32>
        tpu.vector_store %arg11[%swap3A_240, %swap3A_241], %swap3A_244 {strides = array<i32>} : memref<200x128xf32, #tpu.memory_space<vmem>>, vector<1x16xf32>,
      }
      %scan3A_67 = arith.constant 200 : i32
      %mul3A_68 = arith.constant 200 : i32
      %mul3A_69 = arith.muli %add3A_56, %mul3A_68 : i32
      %add3A_70 = arith.addi %mul3A_2, %mul3A_69 : i32
      %dma_start3A_71 = arith.constant 0 : i32
      %dma_start3A_72 = tpu.memref_slice %arg6[%add3A_70, %dma_start3A_71] : memref<160000x128xf32, #tpu.memory_space<hbm>> -> memref<200x128xf32, #tpu.memory_space<hbm>>
      %dma_start3A_73 = arith.constant 0 : i32
      %dma_start3A_74 = tpu.memref_slice %arg6[%add3A_70, %dma_start3A_73] : memref<160000x128xf32, #tpu.memory_space<hbm>> -> memref<200x128xf32, #tpu.memory_space<hbm>>
      tpu.enqueue_dma source(%arg11 : memref<200x128xf32, #tpu.memory_space<vmem>>) target(%dma_start3A_74 : memref<200x128xf32, #tpu.memory_space<hbm>>) target_semaphore(%arg16 : memref<!tpu.dma_semaphore, #tpu.memory_space<semaphore_mem>>)
      %dma_wait3A_75 = arith.constant 0 : i32
      %dma_wait3A_76 = arith.constant 0 : i32
      %dma_wait3A_77 = tpu.memref_slice %arg2[%dma_wait3A_75, %dma_wait3A_76] : memref<10000x128xf32, #tpu.memory_space<hbm>> -> memref<10000x128xf32, #tpu.memory_space<hbm>>
      tpu.wait_indirect_dma semaphore(%arg15 : memref<!tpu.dma_semaphore, #tpu.memory_space<semaphore_mem>>) src(%dma_wait3A_77 : memref<10000x128xf32, #tpu.memory_space<hbm>>) dst(%arg12 : memref<200x128xf32, #tpu.memory_space<vmem>>)
      %dma_wait3A_78 = arith.constant 0 : i32
      %dma_wait3A_79 = arith.constant 0 : i32
      %dma_wait3A_80 = tpu.memref_slice %arg3[%dma_wait3A_78, %dma_wait3A_79] : memref<10000x128xf32, #tpu.memory_space<hbm>> -> memref<10000x128xf32, #tpu.memory_space<hbm>>
      tpu.wait_indirect_dma semaphore(%arg15 : memref<!tpu.dma_semaphore, #tpu.memory_space<semaphore_mem>>) src(%dma_wait3A_80 : memref<10000x128xf32, #tpu.memory_space<hbm>>) dst(%arg14 : memref<200x128xf32, #tpu.memory_space<vmem>>)
      %scan3A_81 = arith.constant 0 : i32
      %scan3A_82 = arith.constant 200 : i32
      %scan3A_83 = arith.addi %scan3A_81, %scan3A_82 : i32
      %scan3A_84 = arith.constant 1 : i32
      scf.for %scan3A_130 = %scan3A_81 to %scan3A_83 step %scan3A_84  : i32 {
        %mul3A_131 = arith.constant 1 : i32
        %mul3A_132 = arith.muli %scan3A_130, %mul3A_131 : i32
        %add3A_133 = arith.constant 0 : i32
        %add3A_134 = arith.addi %add3A_133, %mul3A_132 : i32
        %get3A = arith.index_cast %add3A_134 : i32 to index
        %get3A_135 = arith.constant 0 : index
        %get3A_136 = tpu.vector_load %arg12[%get3A, %get3A_135] {strides = array<i32>} : memref<200x128xf32, #tpu.memory_space<vmem>>, vector<1x16xf32>,
        %get3A_137 = vector.shape_cast %get3A_136 : vector<1x16xf32> to vector<16xf32>
        %get3A_138 = arith.index_cast %add3A_134 : i32 to index
        %get3A_139 = arith.constant 0 : index
        %get3A_140 = tpu.vector_load %arg14[%get3A_138, %get3A_139] {strides = array<i32>} : memref<200x128xf32, #tpu.memory_space<vmem>>, vector<1x16xf32>,
        %get3A_141 = vector.shape_cast %get3A_140 : vector<1x16xf32> to vector<16xf32>
        %add3A_142 = arith.addf %get3A_137, %get3A_141 : vector<16xf32>
        %swap3A = arith.index_cast %add3A_134 : i32 to index
        %swap3A_143 = arith.constant 0 : index
        %swap3A_144 = tpu.vector_load %arg12[%swap3A, %swap3A_143] {strides = array<i32>} : memref<200x128xf32, #tpu.memory_space<vmem>>, vector<1x16xf32>,
        %swap3A_145 = vector.shape_cast %swap3A_144 : vector<1x16xf32> to vector<16xf32>
        %swap3A_146 = vector.shape_cast %add3A_142 : vector<16xf32> to vector<1x16xf32>
        tpu.vector_store %arg12[%swap3A, %swap3A_143], %swap3A_146 {strides = array<i32>} : memref<200x128xf32, #tpu.memory_space<vmem>>, vector<1x16xf32>,
        %get3A_147 = arith.index_cast %add3A_134 : i32 to index
        %get3A_148 = arith.constant 16 : index
        %get3A_149 = tpu.vector_load %arg12[%get3A_147, %get3A_148] {strides = array<i32>} : memref<200x128xf32, #tpu.memory_space<vmem>>, vector<1x16xf32>,
        %get3A_150 = vector.shape_cast %get3A_149 : vector<1x16xf32> to vector<16xf32>
        %get3A_151 = arith.index_cast %add3A_134 : i32 to index
        %get3A_152 = arith.constant 16 : index
        %get3A_153 = tpu.vector_load %arg14[%get3A_151, %get3A_152] {strides = array<i32>} : memref<200x128xf32, #tpu.memory_space<vmem>>, vector<1x16xf32>,
        %get3A_154 = vector.shape_cast %get3A_153 : vector<1x16xf32> to vector<16xf32>
        %add3A_155 = arith.addf %get3A_150, %get3A_154 : vector<16xf32>
        %swap3A_156 = arith.index_cast %add3A_134 : i32 to index
        %swap3A_157 = arith.constant 16 : index
        %swap3A_158 = tpu.vector_load %arg12[%swap3A_156, %swap3A_157] {strides = array<i32>} : memref<200x128xf32, #tpu.memory_space<vmem>>, vector<1x16xf32>,
        %swap3A_159 = vector.shape_cast %swap3A_158 : vector<1x16xf32> to vector<16xf32>
        %swap3A_160 = vector.shape_cast %add3A_155 : vector<16xf32> to vector<1x16xf32>
        tpu.vector_store %arg12[%swap3A_156, %swap3A_157], %swap3A_160 {strides = array<i32>} : memref<200x128xf32, #tpu.memory_space<vmem>>, vector<1x16xf32>,
        %get3A_161 = arith.index_cast %add3A_134 : i32 to index
        %get3A_162 = arith.constant 32 : index
        %get3A_163 = tpu.vector_load %arg12[%get3A_161, %get3A_162] {strides = array<i32>} : memref<200x128xf32, #tpu.memory_space<vmem>>, vector<1x16xf32>,
        %get3A_164 = vector.shape_cast %get3A_163 : vector<1x16xf32> to vector<16xf32>
        %get3A_165 = arith.index_cast %add3A_134 : i32 to index
        %get3A_166 = arith.constant 32 : index
        %get3A_167 = tpu.vector_load %arg14[%get3A_165, %get3A_166] {strides = array<i32>} : memref<200x128xf32, #tpu.memory_space<vmem>>, vector<1x16xf32>,
        %get3A_168 = vector.shape_cast %get3A_167 : vector<1x16xf32> to vector<16xf32>
        %add3A_169 = arith.addf %get3A_164, %get3A_168 : vector<16xf32>
        %swap3A_170 = arith.index_cast %add3A_134 : i32 to index
        %swap3A_171 = arith.constant 32 : index
        %swap3A_172 = tpu.vector_load %arg12[%swap3A_170, %swap3A_171] {strides = array<i32>} : memref<200x128xf32, #tpu.memory_space<vmem>>, vector<1x16xf32>,
        %swap3A_173 = vector.shape_cast %swap3A_172 : vector<1x16xf32> to vector<16xf32>
        %swap3A_174 = vector.shape_cast %add3A_169 : vector<16xf32> to vector<1x16xf32>
        tpu.vector_store %arg12[%swap3A_170, %swap3A_171], %swap3A_174 {strides = array<i32>} : memref<200x128xf32, #tpu.memory_space<vmem>>, vector<1x16xf32>,
        %get3A_175 = arith.index_cast %add3A_134 : i32 to index
        %get3A_176 = arith.constant 48 : index
        %get3A_177 = tpu.vector_load %arg12[%get3A_175, %get3A_176] {strides = array<i32>} : memref<200x128xf32, #tpu.memory_space<vmem>>, vector<1x16xf32>,
        %get3A_178 = vector.shape_cast %get3A_177 : vector<1x16xf32> to vector<16xf32>
        %get3A_179 = arith.index_cast %add3A_134 : i32 to index
        %get3A_180 = arith.constant 48 : index
        %get3A_181 = tpu.vector_load %arg14[%get3A_179, %get3A_180] {strides = array<i32>} : memref<200x128xf32, #tpu.memory_space<vmem>>, vector<1x16xf32>,
        %get3A_182 = vector.shape_cast %get3A_181 : vector<1x16xf32> to vector<16xf32>
        %add3A_183 = arith.addf %get3A_178, %get3A_182 : vector<16xf32>
        %swap3A_184 = arith.index_cast %add3A_134 : i32 to index
        %swap3A_185 = arith.constant 48 : index
        %swap3A_186 = tpu.vector_load %arg12[%swap3A_184, %swap3A_185] {strides = array<i32>} : memref<200x128xf32, #tpu.memory_space<vmem>>, vector<1x16xf32>,
        %swap3A_187 = vector.shape_cast %swap3A_186 : vector<1x16xf32> to vector<16xf32>
        %swap3A_188 = vector.shape_cast %add3A_183 : vector<16xf32> to vector<1x16xf32>
        tpu.vector_store %arg12[%swap3A_184, %swap3A_185], %swap3A_188 {strides = array<i32>} : memref<200x128xf32, #tpu.memory_space<vmem>>, vector<1x16xf32>,
        %get3A_189 = arith.index_cast %add3A_134 : i32 to index
        %get3A_190 = arith.constant 64 : index
        %get3A_191 = tpu.vector_load %arg12[%get3A_189, %get3A_190] {strides = array<i32>} : memref<200x128xf32, #tpu.memory_space<vmem>>, vector<1x16xf32>,
        %get3A_192 = vector.shape_cast %get3A_191 : vector<1x16xf32> to vector<16xf32>
        %get3A_193 = arith.index_cast %add3A_134 : i32 to index
        %get3A_194 = arith.constant 64 : index
        %get3A_195 = tpu.vector_load %arg14[%get3A_193, %get3A_194] {strides = array<i32>} : memref<200x128xf32, #tpu.memory_space<vmem>>, vector<1x16xf32>,
        %get3A_196 = vector.shape_cast %get3A_195 : vector<1x16xf32> to vector<16xf32>
        %add3A_197 = arith.addf %get3A_192, %get3A_196 : vector<16xf32>
        %swap3A_198 = arith.index_cast %add3A_134 : i32 to index
        %swap3A_199 = arith.constant 64 : index
        %swap3A_200 = tpu.vector_load %arg12[%swap3A_198, %swap3A_199] {strides = array<i32>} : memref<200x128xf32, #tpu.memory_space<vmem>>, vector<1x16xf32>,
        %swap3A_201 = vector.shape_cast %swap3A_200 : vector<1x16xf32> to vector<16xf32>
        %swap3A_202 = vector.shape_cast %add3A_197 : vector<16xf32> to vector<1x16xf32>
        tpu.vector_store %arg12[%swap3A_198, %swap3A_199], %swap3A_202 {strides = array<i32>} : memref<200x128xf32, #tpu.memory_space<vmem>>, vector<1x16xf32>,
        %get3A_203 = arith.index_cast %add3A_134 : i32 to index
        %get3A_204 = arith.constant 80 : index
        %get3A_205 = tpu.vector_load %arg12[%get3A_203, %get3A_204] {strides = array<i32>} : memref<200x128xf32, #tpu.memory_space<vmem>>, vector<1x16xf32>,
        %get3A_206 = vector.shape_cast %get3A_205 : vector<1x16xf32> to vector<16xf32>
        %get3A_207 = arith.index_cast %add3A_134 : i32 to index
        %get3A_208 = arith.constant 80 : index
        %get3A_209 = tpu.vector_load %arg14[%get3A_207, %get3A_208] {strides = array<i32>} : memref<200x128xf32, #tpu.memory_space<vmem>>, vector<1x16xf32>,
        %get3A_210 = vector.shape_cast %get3A_209 : vector<1x16xf32> to vector<16xf32>
        %add3A_211 = arith.addf %get3A_206, %get3A_210 : vector<16xf32>
        %swap3A_212 = arith.index_cast %add3A_134 : i32 to index
        %swap3A_213 = arith.constant 80 : index
        %swap3A_214 = tpu.vector_load %arg12[%swap3A_212, %swap3A_213] {strides = array<i32>} : memref<200x128xf32, #tpu.memory_space<vmem>>, vector<1x16xf32>,
        %swap3A_215 = vector.shape_cast %swap3A_214 : vector<1x16xf32> to vector<16xf32>
        %swap3A_216 = vector.shape_cast %add3A_211 : vector<16xf32> to vector<1x16xf32>
        tpu.vector_store %arg12[%swap3A_212, %swap3A_213], %swap3A_216 {strides = array<i32>} : memref<200x128xf32, #tpu.memory_space<vmem>>, vector<1x16xf32>,
        %get3A_217 = arith.index_cast %add3A_134 : i32 to index
        %get3A_218 = arith.constant 96 : index
        %get3A_219 = tpu.vector_load %arg12[%get3A_217, %get3A_218] {strides = array<i32>} : memref<200x128xf32, #tpu.memory_space<vmem>>, vector<1x16xf32>,
        %get3A_220 = vector.shape_cast %get3A_219 : vector<1x16xf32> to vector<16xf32>
        %get3A_221 = arith.index_cast %add3A_134 : i32 to index
        %get3A_222 = arith.constant 96 : index
        %get3A_223 = tpu.vector_load %arg14[%get3A_221, %get3A_222] {strides = array<i32>} : memref<200x128xf32, #tpu.memory_space<vmem>>, vector<1x16xf32>,
        %get3A_224 = vector.shape_cast %get3A_223 : vector<1x16xf32> to vector<16xf32>
        %add3A_225 = arith.addf %get3A_220, %get3A_224 : vector<16xf32>
        %swap3A_226 = arith.index_cast %add3A_134 : i32 to index
        %swap3A_227 = arith.constant 96 : index
        %swap3A_228 = tpu.vector_load %arg12[%swap3A_226, %swap3A_227] {strides = array<i32>} : memref<200x128xf32, #tpu.memory_space<vmem>>, vector<1x16xf32>,
        %swap3A_229 = vector.shape_cast %swap3A_228 : vector<1x16xf32> to vector<16xf32>
        %swap3A_230 = vector.shape_cast %add3A_225 : vector<16xf32> to vector<1x16xf32>
        tpu.vector_store %arg12[%swap3A_226, %swap3A_227], %swap3A_230 {strides = array<i32>} : memref<200x128xf32, #tpu.memory_space<vmem>>, vector<1x16xf32>,
        %get3A_231 = arith.index_cast %add3A_134 : i32 to index
        %get3A_232 = arith.constant 112 : index
        %get3A_233 = tpu.vector_load %arg12[%get3A_231, %get3A_232] {strides = array<i32>} : memref<200x128xf32, #tpu.memory_space<vmem>>, vector<1x16xf32>,
        %get3A_234 = vector.shape_cast %get3A_233 : vector<1x16xf32> to vector<16xf32>
        %get3A_235 = arith.index_cast %add3A_134 : i32 to index
        %get3A_236 = arith.constant 112 : index
        %get3A_237 = tpu.vector_load %arg14[%get3A_235, %get3A_236] {strides = array<i32>} : memref<200x128xf32, #tpu.memory_space<vmem>>, vector<1x16xf32>,
        %get3A_238 = vector.shape_cast %get3A_237 : vector<1x16xf32> to vector<16xf32>
        %add3A_239 = arith.addf %get3A_234, %get3A_238 : vector<16xf32>
        %swap3A_240 = arith.index_cast %add3A_134 : i32 to index
        %swap3A_241 = arith.constant 112 : index
        %swap3A_242 = tpu.vector_load %arg12[%swap3A_240, %swap3A_241] {strides = array<i32>} : memref<200x128xf32, #tpu.memory_space<vmem>>, vector<1x16xf32>,
        %swap3A_243 = vector.shape_cast %swap3A_242 : vector<1x16xf32> to vector<16xf32>
        %swap3A_244 = vector.shape_cast %add3A_239 : vector<16xf32> to vector<1x16xf32>
        tpu.vector_store %arg12[%swap3A_240, %swap3A_241], %swap3A_244 {strides = array<i32>} : memref<200x128xf32, #tpu.memory_space<vmem>>, vector<1x16xf32>,
      }
      %scan3A_85 = arith.constant 200 : i32
      %add3A_86 = arith.constant 1 : i32
      %add3A_87 = arith.addi %add3A_56, %add3A_86 : i32
      %mul3A_88 = arith.constant 200 : i32
      %mul3A_89 = arith.muli %add3A_87, %mul3A_88 : i32
      %add3A_90 = arith.addi %mul3A_2, %mul3A_89 : i32
      %dma_start3A_91 = arith.constant 0 : i32
      %dma_start3A_92 = tpu.memref_slice %arg6[%add3A_90, %dma_start3A_91] : memref<160000x128xf32, #tpu.memory_space<hbm>> -> memref<200x128xf32, #tpu.memory_space<hbm>>
      %dma_start3A_93 = arith.constant 0 : i32
      %dma_start3A_94 = tpu.memref_slice %arg6[%add3A_90, %dma_start3A_93] : memref<160000x128xf32, #tpu.memory_space<hbm>> -> memref<200x128xf32, #tpu.memory_space<hbm>>
      tpu.enqueue_dma source(%arg12 : memref<200x128xf32, #tpu.memory_space<vmem>>) target(%dma_start3A_94 : memref<200x128xf32, #tpu.memory_space<hbm>>) target_semaphore(%arg16 : memref<!tpu.dma_semaphore, #tpu.memory_space<semaphore_mem>>)
      %mul3A_95 = arith.constant 200 : i32
      %mul3A_96 = arith.muli %add3A_56, %mul3A_95 : i32
      %add3A_97 = arith.addi %mul3A_2, %mul3A_96 : i32
      %dma_wait3A_98 = arith.constant 0 : i32
      %dma_wait3A_99 = tpu.memref_slice %arg6[%add3A_97, %dma_wait3A_98] : memref<160000x128xf32, #tpu.memory_space<hbm>> -> memref<200x128xf32, #tpu.memory_space<hbm>>
      %dma_wait3A_100 = arith.constant 0 : i32
      %dma_wait3A_101 = tpu.memref_slice %arg6[%add3A_97, %dma_wait3A_100] : memref<160000x128xf32, #tpu.memory_space<hbm>> -> memref<200x128xf32, #tpu.memory_space<hbm>>
      tpu.wait_dma2 semaphore(%arg16 : memref<!tpu.dma_semaphore, #tpu.memory_space<semaphore_mem>>) src(%arg11 : memref<200x128xf32, #tpu.memory_space<vmem>>) dst(%dma_wait3A_101 : memref<200x128xf32, #tpu.memory_space<hbm>>)
      %add3A_102 = arith.constant 2 : i32
      %add3A_103 = arith.addi %add3A_56, %add3A_102 : i32
      %mul3A_104 = arith.constant 200 : i32
      %mul3A_105 = arith.muli %add3A_103, %mul3A_104 : i32
      %add3A_106 = arith.addi %mul3A_2, %mul3A_105 : i32
      %add3A_107 = arith.constant 160000 : i32
      %add3A_108 = arith.addi %add3A_107, %add3A_106 : i32
      "tpu.region"() ({
        %run_scoped3A = tpu.sem_alloc : memref<!tpu.dma_semaphore, #tpu.memory_space<semaphore_mem>>
        %dma_start3A_130 = tpu.memref_slice %arg4[%add3A_108] : memref<320000xi32, #tpu.memory_space<hbm>> -> memref<200xi32, #tpu.memory_space<hbm>>
        %dma_start3A_131 = tpu.memref_slice %arg4[%add3A_108] : memref<320000xi32, #tpu.memory_space<hbm>> -> memref<200xi32, #tpu.memory_space<hbm>>
        tpu.enqueue_dma source(%dma_start3A_131 : memref<200xi32, #tpu.memory_space<hbm>>) target(%arg7 : memref<200xi32, #tpu.memory_space<vmem>>) target_semaphore(%run_scoped3A : memref<!tpu.dma_semaphore, #tpu.memory_space<semaphore_mem>>)
        %dma_wait3A_132 = tpu.memref_slice %arg4[%add3A_108] : memref<320000xi32, #tpu.memory_space<hbm>> -> memref<200xi32, #tpu.memory_space<hbm>>
        %dma_wait3A_133 = tpu.memref_slice %arg4[%add3A_108] : memref<320000xi32, #tpu.memory_space<hbm>> -> memref<200xi32, #tpu.memory_space<hbm>>
        tpu.wait_dma2 semaphore(%run_scoped3A : memref<!tpu.dma_semaphore, #tpu.memory_space<semaphore_mem>>) src(%dma_wait3A_133 : memref<200xi32, #tpu.memory_space<hbm>>) dst(%arg7 : memref<200xi32, #tpu.memory_space<vmem>>)
        tpu.yield
      }) : () -> ()
      %add3A_109 = arith.constant 160000 : i32
      %add3A_110 = arith.addi %add3A_109, %add3A_106 : i32
      "tpu.region"() ({
        %run_scoped3A = tpu.sem_alloc : memref<!tpu.dma_semaphore, #tpu.memory_space<semaphore_mem>>
        %dma_start3A_130 = tpu.memref_slice %arg5[%add3A_110] : memref<320000xi32, #tpu.memory_space<hbm>> -> memref<200xi32, #tpu.memory_space<hbm>>
        %dma_start3A_131 = tpu.memref_slice %arg5[%add3A_110] : memref<320000xi32, #tpu.memory_space<hbm>> -> memref<200xi32, #tpu.memory_space<hbm>>
        tpu.enqueue_dma source(%dma_start3A_131 : memref<200xi32, #tpu.memory_space<hbm>>) target(%arg9 : memref<200xi32, #tpu.memory_space<vmem>>) target_semaphore(%run_scoped3A : memref<!tpu.dma_semaphore, #tpu.memory_space<semaphore_mem>>)
        %dma_wait3A_132 = tpu.memref_slice %arg5[%add3A_110] : memref<320000xi32, #tpu.memory_space<hbm>> -> memref<200xi32, #tpu.memory_space<hbm>>
        %dma_wait3A_133 = tpu.memref_slice %arg5[%add3A_110] : memref<320000xi32, #tpu.memory_space<hbm>> -> memref<200xi32, #tpu.memory_space<hbm>>
        tpu.wait_dma2 semaphore(%run_scoped3A : memref<!tpu.dma_semaphore, #tpu.memory_space<semaphore_mem>>) src(%dma_wait3A_133 : memref<200xi32, #tpu.memory_space<hbm>>) dst(%arg9 : memref<200xi32, #tpu.memory_space<vmem>>)
        tpu.yield
      }) : () -> ()
      %dma_start3A_111 = arith.constant 0 : i32
      %dma_start3A_112 = arith.constant 0 : i32
      %dma_start3A_113 = tpu.memref_slice %arg2[%dma_start3A_111, %dma_start3A_112] : memref<10000x128xf32, #tpu.memory_space<hbm>> -> memref<10000x128xf32, #tpu.memory_space<hbm>>
      tpu.enqueue_indirect_dma source(%dma_start3A_113 : memref<10000x128xf32, #tpu.memory_space<hbm>>) target(%arg11 : memref<200x128xf32, #tpu.memory_space<vmem>>) offsets(%arg7 : memref<200xi32, #tpu.memory_space<vmem>>) semaphore(%arg15 : memref<!tpu.dma_semaphore, #tpu.memory_space<semaphore_mem>>)
      %dma_start3A_114 = arith.constant 0 : i32
      %dma_start3A_115 = arith.constant 0 : i32
      %dma_start3A_116 = tpu.memref_slice %arg3[%dma_start3A_114, %dma_start3A_115] : memref<10000x128xf32, #tpu.memory_space<hbm>> -> memref<10000x128xf32, #tpu.memory_space<hbm>>
      tpu.enqueue_indirect_dma source(%dma_start3A_116 : memref<10000x128xf32, #tpu.memory_space<hbm>>) target(%arg13 : memref<200x128xf32, #tpu.memory_space<vmem>>) offsets(%arg9 : memref<200xi32, #tpu.memory_space<vmem>>) semaphore(%arg15 : memref<!tpu.dma_semaphore, #tpu.memory_space<semaphore_mem>>)
      %add3A_117 = arith.constant 1 : i32
      %add3A_118 = arith.addi %add3A_56, %add3A_117 : i32
      %mul3A_119 = arith.constant 200 : i32
      %mul3A_120 = arith.muli %add3A_118, %mul3A_119 : i32
      %add3A_121 = arith.addi %mul3A_2, %mul3A_120 : i32
      %dma_wait3A_122 = arith.constant 0 : i32
      %dma_wait3A_123 = tpu.memref_slice %arg6[%add3A_121, %dma_wait3A_122] : memref<160000x128xf32, #tpu.memory_space<hbm>> -> memref<200x128xf32, #tpu.memory_space<hbm>>
      %dma_wait3A_124 = arith.constant 0 : i32
      %dma_wait3A_125 = tpu.memref_slice %arg6[%add3A_121, %dma_wait3A_124] : memref<160000x128xf32, #tpu.memory_space<hbm>> -> memref<200x128xf32, #tpu.memory_space<hbm>>
      tpu.wait_dma2 semaphore(%arg16 : memref<!tpu.dma_semaphore, #tpu.memory_space<semaphore_mem>>) src(%arg12 : memref<200x128xf32, #tpu.memory_space<vmem>>) dst(%dma_wait3A_125 : memref<200x128xf32, #tpu.memory_space<hbm>>)
      %add3A_126 = arith.constant 3 : i32
      %add3A_127 = arith.addi %add3A_56, %add3A_126 : i32
      %lt3A = arith.constant 25 : i32
      %lt3A_128 = arith.cmpi slt, %add3A_127, %lt3A : i32
      %convert_element_type3A = arith.extui %lt3A_128 : i1 to i32
      %cond3A = arith.constant 0 : i32
      %cond3A_129 = arith.cmpi ne, %convert_element_type3A, %cond3A : i32
      scf.if %cond3A_129 {
        %add3A_130 = arith.constant 3 : i32
        %add3A_131 = arith.addi %add3A_56, %add3A_130 : i32
        %mul3A_132 = arith.constant 200 : i32
        %mul3A_133 = arith.muli %add3A_131, %mul3A_132 : i32
        %add3A_134 = arith.addi %mul3A_2, %mul3A_133 : i32
        %add3A_135 = arith.constant 160000 : i32
        %add3A_136 = arith.addi %add3A_135, %add3A_134 : i32
        "tpu.region"() ({
          %run_scoped3A = tpu.sem_alloc : memref<!tpu.dma_semaphore, #tpu.memory_space<semaphore_mem>>
          %dma_start3A_145 = tpu.memref_slice %arg4[%add3A_136] : memref<320000xi32, #tpu.memory_space<hbm>> -> memref<200xi32, #tpu.memory_space<hbm>>
          %dma_start3A_146 = tpu.memref_slice %arg4[%add3A_136] : memref<320000xi32, #tpu.memory_space<hbm>> -> memref<200xi32, #tpu.memory_space<hbm>>
          tpu.enqueue_dma source(%dma_start3A_146 : memref<200xi32, #tpu.memory_space<hbm>>) target(%arg8 : memref<200xi32, #tpu.memory_space<vmem>>) target_semaphore(%run_scoped3A : memref<!tpu.dma_semaphore, #tpu.memory_space<semaphore_mem>>)
          %dma_wait3A_147 = tpu.memref_slice %arg4[%add3A_136] : memref<320000xi32, #tpu.memory_space<hbm>> -> memref<200xi32, #tpu.memory_space<hbm>>
          %dma_wait3A_148 = tpu.memref_slice %arg4[%add3A_136] : memref<320000xi32, #tpu.memory_space<hbm>> -> memref<200xi32, #tpu.memory_space<hbm>>
          tpu.wait_dma2 semaphore(%run_scoped3A : memref<!tpu.dma_semaphore, #tpu.memory_space<semaphore_mem>>) src(%dma_wait3A_148 : memref<200xi32, #tpu.memory_space<hbm>>) dst(%arg8 : memref<200xi32, #tpu.memory_space<vmem>>)
          tpu.yield
        }) : () -> ()
        %add3A_137 = arith.constant 160000 : i32
        %add3A_138 = arith.addi %add3A_137, %add3A_134 : i32
        "tpu.region"() ({
          %run_scoped3A = tpu.sem_alloc : memref<!tpu.dma_semaphore, #tpu.memory_space<semaphore_mem>>
          %dma_start3A_145 = tpu.memref_slice %arg5[%add3A_138] : memref<320000xi32, #tpu.memory_space<hbm>> -> memref<200xi32, #tpu.memory_space<hbm>>
          %dma_start3A_146 = tpu.memref_slice %arg5[%add3A_138] : memref<320000xi32, #tpu.memory_space<hbm>> -> memref<200xi32, #tpu.memory_space<hbm>>
          tpu.enqueue_dma source(%dma_start3A_146 : memref<200xi32, #tpu.memory_space<hbm>>) target(%arg10 : memref<200xi32, #tpu.memory_space<vmem>>) target_semaphore(%run_scoped3A : memref<!tpu.dma_semaphore, #tpu.memory_space<semaphore_mem>>)
          %dma_wait3A_147 = tpu.memref_slice %arg5[%add3A_138] : memref<320000xi32, #tpu.memory_space<hbm>> -> memref<200xi32, #tpu.memory_space<hbm>>
          %dma_wait3A_148 = tpu.memref_slice %arg5[%add3A_138] : memref<320000xi32, #tpu.memory_space<hbm>> -> memref<200xi32, #tpu.memory_space<hbm>>
          tpu.wait_dma2 semaphore(%run_scoped3A : memref<!tpu.dma_semaphore, #tpu.memory_space<semaphore_mem>>) src(%dma_wait3A_148 : memref<200xi32, #tpu.memory_space<hbm>>) dst(%arg10 : memref<200xi32, #tpu.memory_space<vmem>>)
          tpu.yield
        }) : () -> ()
        %dma_start3A_139 = arith.constant 0 : i32
        %dma_start3A_140 = arith.constant 0 : i32
        %dma_start3A_141 = tpu.memref_slice %arg2[%dma_start3A_139, %dma_start3A_140] : memref<10000x128xf32, #tpu.memory_space<hbm>> -> memref<10000x128xf32, #tpu.memory_space<hbm>>
        tpu.enqueue_indirect_dma source(%dma_start3A_141 : memref<10000x128xf32, #tpu.memory_space<hbm>>) target(%arg12 : memref<200x128xf32, #tpu.memory_space<vmem>>) offsets(%arg8 : memref<200xi32, #tpu.memory_space<vmem>>) semaphore(%arg15 : memref<!tpu.dma_semaphore, #tpu.memory_space<semaphore_mem>>)
        %dma_start3A_142 = arith.constant 0 : i32
        %dma_start3A_143 = arith.constant 0 : i32
        %dma_start3A_144 = tpu.memref_slice %arg3[%dma_start3A_142, %dma_start3A_143] : memref<10000x128xf32, #tpu.memory_space<hbm>> -> memref<10000x128xf32, #tpu.memory_space<hbm>>
        tpu.enqueue_indirect_dma source(%dma_start3A_144 : memref<10000x128xf32, #tpu.memory_space<hbm>>) target(%arg14 : memref<200x128xf32, #tpu.memory_space<vmem>>) offsets(%arg10 : memref<200xi32, #tpu.memory_space<vmem>>) semaphore(%arg15 : memref<!tpu.dma_semaphore, #tpu.memory_space<semaphore_mem>>)
      } else {
      }
    }
    %scan3A_29 = arith.constant 12 : i32
    %dma_wait3A = arith.constant 0 : i32
    %dma_wait3A_30 = arith.constant 0 : i32
    %dma_wait3A_31 = tpu.memref_slice %arg2[%dma_wait3A, %dma_wait3A_30] : memref<10000x128xf32, #tpu.memory_space<hbm>> -> memref<10000x128xf32, #tpu.memory_space<hbm>>
    tpu.wait_indirect_dma semaphore(%arg15 : memref<!tpu.dma_semaphore, #tpu.memory_space<semaphore_mem>>) src(%dma_wait3A_31 : memref<10000x128xf32, #tpu.memory_space<hbm>>) dst(%arg11 : memref<200x128xf32, #tpu.memory_space<vmem>>)
    %dma_wait3A_32 = arith.constant 0 : i32
    %dma_wait3A_33 = arith.constant 0 : i32
    %dma_wait3A_34 = tpu.memref_slice %arg3[%dma_wait3A_32, %dma_wait3A_33] : memref<10000x128xf32, #tpu.memory_space<hbm>> -> memref<10000x128xf32, #tpu.memory_space<hbm>>
    tpu.wait_indirect_dma semaphore(%arg15 : memref<!tpu.dma_semaphore, #tpu.memory_space<semaphore_mem>>) src(%dma_wait3A_34 : memref<10000x128xf32, #tpu.memory_space<hbm>>) dst(%arg13 : memref<200x128xf32, #tpu.memory_space<vmem>>)
    %scan3A_35 = arith.constant 0 : i32
    %scan3A_36 = arith.constant 200 : i32
    %scan3A_37 = arith.addi %scan3A_35, %scan3A_36 : i32
    %scan3A_38 = arith.constant 1 : i32
    scf.for %scan3A_52 = %scan3A_35 to %scan3A_37 step %scan3A_38  : i32 {
      %mul3A_53 = arith.constant 1 : i32
      %mul3A_54 = arith.muli %scan3A_52, %mul3A_53 : i32
      %add3A_55 = arith.constant 0 : i32
      %add3A_56 = arith.addi %add3A_55, %mul3A_54 : i32
      %get3A = arith.index_cast %add3A_56 : i32 to index
      %get3A_57 = arith.constant 0 : index
      %get3A_58 = tpu.vector_load %arg11[%get3A, %get3A_57] {strides = array<i32>} : memref<200x128xf32, #tpu.memory_space<vmem>>, vector<1x16xf32>,
      %get3A_59 = vector.shape_cast %get3A_58 : vector<1x16xf32> to vector<16xf32>
      %get3A_60 = arith.index_cast %add3A_56 : i32 to index
      %get3A_61 = arith.constant 0 : index
      %get3A_62 = tpu.vector_load %arg13[%get3A_60, %get3A_61] {strides = array<i32>} : memref<200x128xf32, #tpu.memory_space<vmem>>, vector<1x16xf32>,
      %get3A_63 = vector.shape_cast %get3A_62 : vector<1x16xf32> to vector<16xf32>
      %add3A_64 = arith.addf %get3A_59, %get3A_63 : vector<16xf32>
      %swap3A = arith.index_cast %add3A_56 : i32 to index
      %swap3A_65 = arith.constant 0 : index
      %swap3A_66 = tpu.vector_load %arg11[%swap3A, %swap3A_65] {strides = array<i32>} : memref<200x128xf32, #tpu.memory_space<vmem>>, vector<1x16xf32>,
      %swap3A_67 = vector.shape_cast %swap3A_66 : vector<1x16xf32> to vector<16xf32>
      %swap3A_68 = vector.shape_cast %add3A_64 : vector<16xf32> to vector<1x16xf32>
      tpu.vector_store %arg11[%swap3A, %swap3A_65], %swap3A_68 {strides = array<i32>} : memref<200x128xf32, #tpu.memory_space<vmem>>, vector<1x16xf32>,
      %get3A_69 = arith.index_cast %add3A_56 : i32 to index
      %get3A_70 = arith.constant 16 : index
      %get3A_71 = tpu.vector_load %arg11[%get3A_69, %get3A_70] {strides = array<i32>} : memref<200x128xf32, #tpu.memory_space<vmem>>, vector<1x16xf32>,
      %get3A_72 = vector.shape_cast %get3A_71 : vector<1x16xf32> to vector<16xf32>
      %get3A_73 = arith.index_cast %add3A_56 : i32 to index
      %get3A_74 = arith.constant 16 : index
      %get3A_75 = tpu.vector_load %arg13[%get3A_73, %get3A_74] {strides = array<i32>} : memref<200x128xf32, #tpu.memory_space<vmem>>, vector<1x16xf32>,
      %get3A_76 = vector.shape_cast %get3A_75 : vector<1x16xf32> to vector<16xf32>
      %add3A_77 = arith.addf %get3A_72, %get3A_76 : vector<16xf32>
      %swap3A_78 = arith.index_cast %add3A_56 : i32 to index
      %swap3A_79 = arith.constant 16 : index
      %swap3A_80 = tpu.vector_load %arg11[%swap3A_78, %swap3A_79] {strides = array<i32>} : memref<200x128xf32, #tpu.memory_space<vmem>>, vector<1x16xf32>,
      %swap3A_81 = vector.shape_cast %swap3A_80 : vector<1x16xf32> to vector<16xf32>
      %swap3A_82 = vector.shape_cast %add3A_77 : vector<16xf32> to vector<1x16xf32>
      tpu.vector_store %arg11[%swap3A_78, %swap3A_79], %swap3A_82 {strides = array<i32>} : memref<200x128xf32, #tpu.memory_space<vmem>>, vector<1x16xf32>,
      %get3A_83 = arith.index_cast %add3A_56 : i32 to index
      %get3A_84 = arith.constant 32 : index
      %get3A_85 = tpu.vector_load %arg11[%get3A_83, %get3A_84] {strides = array<i32>} : memref<200x128xf32, #tpu.memory_space<vmem>>, vector<1x16xf32>,
      %get3A_86 = vector.shape_cast %get3A_85 : vector<1x16xf32> to vector<16xf32>
      %get3A_87 = arith.index_cast %add3A_56 : i32 to index
      %get3A_88 = arith.constant 32 : index
      %get3A_89 = tpu.vector_load %arg13[%get3A_87, %get3A_88] {strides = array<i32>} : memref<200x128xf32, #tpu.memory_space<vmem>>, vector<1x16xf32>,
      %get3A_90 = vector.shape_cast %get3A_89 : vector<1x16xf32> to vector<16xf32>
      %add3A_91 = arith.addf %get3A_86, %get3A_90 : vector<16xf32>
      %swap3A_92 = arith.index_cast %add3A_56 : i32 to index
      %swap3A_93 = arith.constant 32 : index
      %swap3A_94 = tpu.vector_load %arg11[%swap3A_92, %swap3A_93] {strides = array<i32>} : memref<200x128xf32, #tpu.memory_space<vmem>>, vector<1x16xf32>,
      %swap3A_95 = vector.shape_cast %swap3A_94 : vector<1x16xf32> to vector<16xf32>
      %swap3A_96 = vector.shape_cast %add3A_91 : vector<16xf32> to vector<1x16xf32>
      tpu.vector_store %arg11[%swap3A_92, %swap3A_93], %swap3A_96 {strides = array<i32>} : memref<200x128xf32, #tpu.memory_space<vmem>>, vector<1x16xf32>,
      %get3A_97 = arith.index_cast %add3A_56 : i32 to index
      %get3A_98 = arith.constant 48 : index
      %get3A_99 = tpu.vector_load %arg11[%get3A_97, %get3A_98] {strides = array<i32>} : memref<200x128xf32, #tpu.memory_space<vmem>>, vector<1x16xf32>,
      %get3A_100 = vector.shape_cast %get3A_99 : vector<1x16xf32> to vector<16xf32>
      %get3A_101 = arith.index_cast %add3A_56 : i32 to index
      %get3A_102 = arith.constant 48 : index
      %get3A_103 = tpu.vector_load %arg13[%get3A_101, %get3A_102] {strides = array<i32>} : memref<200x128xf32, #tpu.memory_space<vmem>>, vector<1x16xf32>,
      %get3A_104 = vector.shape_cast %get3A_103 : vector<1x16xf32> to vector<16xf32>
      %add3A_105 = arith.addf %get3A_100, %get3A_104 : vector<16xf32>
      %swap3A_106 = arith.index_cast %add3A_56 : i32 to index
      %swap3A_107 = arith.constant 48 : index
      %swap3A_108 = tpu.vector_load %arg11[%swap3A_106, %swap3A_107] {strides = array<i32>} : memref<200x128xf32, #tpu.memory_space<vmem>>, vector<1x16xf32>,
      %swap3A_109 = vector.shape_cast %swap3A_108 : vector<1x16xf32> to vector<16xf32>
      %swap3A_110 = vector.shape_cast %add3A_105 : vector<16xf32> to vector<1x16xf32>
      tpu.vector_store %arg11[%swap3A_106, %swap3A_107], %swap3A_110 {strides = array<i32>} : memref<200x128xf32, #tpu.memory_space<vmem>>, vector<1x16xf32>,
      %get3A_111 = arith.index_cast %add3A_56 : i32 to index
      %get3A_112 = arith.constant 64 : index
      %get3A_113 = tpu.vector_load %arg11[%get3A_111, %get3A_112] {strides = array<i32>} : memref<200x128xf32, #tpu.memory_space<vmem>>, vector<1x16xf32>,
      %get3A_114 = vector.shape_cast %get3A_113 : vector<1x16xf32> to vector<16xf32>
      %get3A_115 = arith.index_cast %add3A_56 : i32 to index
      %get3A_116 = arith.constant 64 : index
      %get3A_117 = tpu.vector_load %arg13[%get3A_115, %get3A_116] {strides = array<i32>} : memref<200x128xf32, #tpu.memory_space<vmem>>, vector<1x16xf32>,
      %get3A_118 = vector.shape_cast %get3A_117 : vector<1x16xf32> to vector<16xf32>
      %add3A_119 = arith.addf %get3A_114, %get3A_118 : vector<16xf32>
      %swap3A_120 = arith.index_cast %add3A_56 : i32 to index
      %swap3A_121 = arith.constant 64 : index
      %swap3A_122 = tpu.vector_load %arg11[%swap3A_120, %swap3A_121] {strides = array<i32>} : memref<200x128xf32, #tpu.memory_space<vmem>>, vector<1x16xf32>,
      %swap3A_123 = vector.shape_cast %swap3A_122 : vector<1x16xf32> to vector<16xf32>
      %swap3A_124 = vector.shape_cast %add3A_119 : vector<16xf32> to vector<1x16xf32>
      tpu.vector_store %arg11[%swap3A_120, %swap3A_121], %swap3A_124 {strides = array<i32>} : memref<200x128xf32, #tpu.memory_space<vmem>>, vector<1x16xf32>,
      %get3A_125 = arith.index_cast %add3A_56 : i32 to index
      %get3A_126 = arith.constant 80 : index
      %get3A_127 = tpu.vector_load %arg11[%get3A_125, %get3A_126] {strides = array<i32>} : memref<200x128xf32, #tpu.memory_space<vmem>>, vector<1x16xf32>,
      %get3A_128 = vector.shape_cast %get3A_127 : vector<1x16xf32> to vector<16xf32>
      %get3A_129 = arith.index_cast %add3A_56 : i32 to index
      %get3A_130 = arith.constant 80 : index
      %get3A_131 = tpu.vector_load %arg13[%get3A_129, %get3A_130] {strides = array<i32>} : memref<200x128xf32, #tpu.memory_space<vmem>>, vector<1x16xf32>,
      %get3A_132 = vector.shape_cast %get3A_131 : vector<1x16xf32> to vector<16xf32>
      %add3A_133 = arith.addf %get3A_128, %get3A_132 : vector<16xf32>
      %swap3A_134 = arith.index_cast %add3A_56 : i32 to index
      %swap3A_135 = arith.constant 80 : index
      %swap3A_136 = tpu.vector_load %arg11[%swap3A_134, %swap3A_135] {strides = array<i32>} : memref<200x128xf32, #tpu.memory_space<vmem>>, vector<1x16xf32>,
      %swap3A_137 = vector.shape_cast %swap3A_136 : vector<1x16xf32> to vector<16xf32>
      %swap3A_138 = vector.shape_cast %add3A_133 : vector<16xf32> to vector<1x16xf32>
      tpu.vector_store %arg11[%swap3A_134, %swap3A_135], %swap3A_138 {strides = array<i32>} : memref<200x128xf32, #tpu.memory_space<vmem>>, vector<1x16xf32>,
      %get3A_139 = arith.index_cast %add3A_56 : i32 to index
      %get3A_140 = arith.constant 96 : index
      %get3A_141 = tpu.vector_load %arg11[%get3A_139, %get3A_140] {strides = array<i32>} : memref<200x128xf32, #tpu.memory_space<vmem>>, vector<1x16xf32>,
      %get3A_142 = vector.shape_cast %get3A_141 : vector<1x16xf32> to vector<16xf32>
      %get3A_143 = arith.index_cast %add3A_56 : i32 to index
      %get3A_144 = arith.constant 96 : index
      %get3A_145 = tpu.vector_load %arg13[%get3A_143, %get3A_144] {strides = array<i32>} : memref<200x128xf32, #tpu.memory_space<vmem>>, vector<1x16xf32>,
      %get3A_146 = vector.shape_cast %get3A_145 : vector<1x16xf32> to vector<16xf32>
      %add3A_147 = arith.addf %get3A_142, %get3A_146 : vector<16xf32>
      %swap3A_148 = arith.index_cast %add3A_56 : i32 to index
      %swap3A_149 = arith.constant 96 : index
      %swap3A_150 = tpu.vector_load %arg11[%swap3A_148, %swap3A_149] {strides = array<i32>} : memref<200x128xf32, #tpu.memory_space<vmem>>, vector<1x16xf32>,
      %swap3A_151 = vector.shape_cast %swap3A_150 : vector<1x16xf32> to vector<16xf32>
      %swap3A_152 = vector.shape_cast %add3A_147 : vector<16xf32> to vector<1x16xf32>
      tpu.vector_store %arg11[%swap3A_148, %swap3A_149], %swap3A_152 {strides = array<i32>} : memref<200x128xf32, #tpu.memory_space<vmem>>, vector<1x16xf32>,
      %get3A_153 = arith.index_cast %add3A_56 : i32 to index
      %get3A_154 = arith.constant 112 : index
      %get3A_155 = tpu.vector_load %arg11[%get3A_153, %get3A_154] {strides = array<i32>} : memref<200x128xf32, #tpu.memory_space<vmem>>, vector<1x16xf32>,
      %get3A_156 = vector.shape_cast %get3A_155 : vector<1x16xf32> to vector<16xf32>
      %get3A_157 = arith.index_cast %add3A_56 : i32 to index
      %get3A_158 = arith.constant 112 : index
      %get3A_159 = tpu.vector_load %arg13[%get3A_157, %get3A_158] {strides = array<i32>} : memref<200x128xf32, #tpu.memory_space<vmem>>, vector<1x16xf32>,
      %get3A_160 = vector.shape_cast %get3A_159 : vector<1x16xf32> to vector<16xf32>
      %add3A_161 = arith.addf %get3A_156, %get3A_160 : vector<16xf32>
      %swap3A_162 = arith.index_cast %add3A_56 : i32 to index
      %swap3A_163 = arith.constant 112 : index
      %swap3A_164 = tpu.vector_load %arg11[%swap3A_162, %swap3A_163] {strides = array<i32>} : memref<200x128xf32, #tpu.memory_space<vmem>>, vector<1x16xf32>,
      %swap3A_165 = vector.shape_cast %swap3A_164 : vector<1x16xf32> to vector<16xf32>
      %swap3A_166 = vector.shape_cast %add3A_161 : vector<16xf32> to vector<1x16xf32>
      tpu.vector_store %arg11[%swap3A_162, %swap3A_163], %swap3A_166 {strides = array<i32>} : memref<200x128xf32, #tpu.memory_space<vmem>>, vector<1x16xf32>,
    }
    %scan3A_39 = arith.constant 200 : i32
    %add3A_40 = arith.constant 4800 : i32
    %add3A_41 = arith.addi %mul3A_2, %add3A_40 : i32
    %dma_start3A_42 = arith.constant 0 : i32
    %dma_start3A_43 = tpu.memref_slice %arg6[%add3A_41, %dma_start3A_42] : memref<160000x128xf32, #tpu.memory_space<hbm>> -> memref<200x128xf32, #tpu.memory_space<hbm>>
    %dma_start3A_44 = arith.constant 0 : i32
    %dma_start3A_45 = tpu.memref_slice %arg6[%add3A_41, %dma_start3A_44] : memref<160000x128xf32, #tpu.memory_space<hbm>> -> memref<200x128xf32, #tpu.memory_space<hbm>>
    tpu.enqueue_dma source(%arg11 : memref<200x128xf32, #tpu.memory_space<vmem>>) target(%dma_start3A_45 : memref<200x128xf32, #tpu.memory_space<hbm>>) target_semaphore(%arg16 : memref<!tpu.dma_semaphore, #tpu.memory_space<semaphore_mem>>)
    %add3A_46 = arith.constant 4800 : i32
    %add3A_47 = arith.addi %mul3A_2, %add3A_46 : i32
    %dma_wait3A_48 = arith.constant 0 : i32
    %dma_wait3A_49 = tpu.memref_slice %arg6[%add3A_47, %dma_wait3A_48] : memref<160000x128xf32, #tpu.memory_space<hbm>> -> memref<200x128xf32, #tpu.memory_space<hbm>>
    %dma_wait3A_50 = arith.constant 0 : i32
    %dma_wait3A_51 = tpu.memref_slice %arg6[%add3A_47, %dma_wait3A_50] : memref<160000x128xf32, #tpu.memory_space<hbm>> -> memref<200x128xf32, #tpu.memory_space<hbm>>
    tpu.wait_dma2 semaphore(%arg16 : memref<!tpu.dma_semaphore, #tpu.memory_space<semaphore_mem>>) src(%arg11 : memref<200x128xf32, #tpu.memory_space<vmem>>) dst(%dma_wait3A_51 : memref<200x128xf32, #tpu.memory_space<hbm>>)
    return
  }
}

#map = affine_map<(d0, d1) -> (0, 0)>
#map1 = affine_map<(d0, d1) -> (0)>
module attributes {stable_mosaic.version = 14 : i64} {
  func.func @k(%arg0: i32, %arg1: i32, %arg2: memref<320000x128xf32, #tpu.memory_space<hbm>>, %arg3: memref<320000xi32, #tpu.memory_space<hbm>>, %arg4: memref<10112x128xf32, #tpu.memory_space<hbm>>, %arg5: memref<10112x128xf32, #tpu.memory_space<hbm>>, %arg6: memref<10112x128xf32, #tpu.memory_space<hbm>>, %arg7: memref<10112x128xf32, #tpu.memory_space<vmem_shared>>, %arg8: memref<80xi32, #tpu.memory_space<vmem>>, %arg9: memref<80xi32, #tpu.memory_space<vmem>>, %arg10: memref<80x128xf32, #tpu.memory_space<vmem>>, %arg11: memref<80x128xf32, #tpu.memory_space<vmem>>, %arg12: memref<!tpu.dma_semaphore, #tpu.memory_space<semaphore_mem>>, %arg13: memref<!tpu.dma_semaphore, #tpu.memory_space<semaphore_mem>>) attributes {dimension_semantics = [#tpu.dimension_semantics<core_parallel>, #tpu.dimension_semantics<subcore_parallel>], iteration_bounds = array<i64: 2, 16>, scalar_prefetch = 0 : i64, scratch_operands = 7 : i64, tpu.core_type = #tpu.core_type<sc_vector_subcore>, window_params = [{transform_indices = #map}, {transform_indices = #map1}, {transform_indices = #map}, {transform_indices = #map}, {transform_indices = #map}]} {
    %mul3A = arith.constant 632 : i32
    %mul3A_0 = arith.muli %arg1, %mul3A : i32
    "tpu.region"() ({
      %run_scoped3A = tpu.sem_alloc : memref<!tpu.dma_semaphore, #tpu.memory_space<semaphore_mem>>
      %dma_start3A_45 = arith.constant 0 : i32
      %dma_start3A_46 = tpu.memref_slice %arg7[%mul3A_0, %dma_start3A_45] : memref<10112x128xf32, #tpu.memory_space<vmem_shared>> -> memref<632x128xf32, #tpu.memory_space<vmem_shared>>
      %dma_start3A_47 = arith.constant 0 : i32
      %dma_start3A_48 = tpu.memref_slice %arg4[%mul3A_0, %dma_start3A_47] : memref<10112x128xf32, #tpu.memory_space<hbm>> -> memref<632x128xf32, #tpu.memory_space<hbm>>
      tpu.enqueue_dma source(%dma_start3A_48 : memref<632x128xf32, #tpu.memory_space<hbm>>) target(%dma_start3A_46 : memref<632x128xf32, #tpu.memory_space<vmem_shared>>) target_semaphore(%run_scoped3A : memref<!tpu.dma_semaphore, #tpu.memory_space<semaphore_mem>>)
      %dma_wait3A_49 = arith.constant 0 : i32
      %dma_wait3A_50 = tpu.memref_slice %arg7[%mul3A_0, %dma_wait3A_49] : memref<10112x128xf32, #tpu.memory_space<vmem_shared>> -> memref<632x128xf32, #tpu.memory_space<vmem_shared>>
      %dma_wait3A_51 = arith.constant 0 : i32
      %dma_wait3A_52 = tpu.memref_slice %arg4[%mul3A_0, %dma_wait3A_51] : memref<10112x128xf32, #tpu.memory_space<hbm>> -> memref<632x128xf32, #tpu.memory_space<hbm>>
      tpu.wait_dma2 semaphore(%run_scoped3A : memref<!tpu.dma_semaphore, #tpu.memory_space<semaphore_mem>>) src(%dma_wait3A_52 : memref<632x128xf32, #tpu.memory_space<hbm>>) dst(%dma_wait3A_50 : memref<632x128xf32, #tpu.memory_space<vmem_shared>>)
      tpu.yield
    }) : () -> ()
    %barrier3A = arith.constant 0 : index
    tpu.barrier barrier_id(%barrier3A)
    %mul3A_1 = arith.constant 160000 : i32
    %mul3A_2 = arith.muli %arg0, %mul3A_1 : i32
    %mul3A_3 = arith.constant 10000 : i32
    %mul3A_4 = arith.muli %arg1, %mul3A_3 : i32
    %add3A = arith.addi %mul3A_2, %mul3A_4 : i32
    %add3A_5 = arith.constant 0 : i32
    %add3A_6 = arith.addi %add3A, %add3A_5 : i32
    %dma_start3A = tpu.memref_slice %arg3[%add3A_6] : memref<320000xi32, #tpu.memory_space<hbm>> -> memref<80xi32, #tpu.memory_space<hbm>>
    %dma_start3A_7 = tpu.memref_slice %arg3[%add3A_6] : memref<320000xi32, #tpu.memory_space<hbm>> -> memref<80xi32, #tpu.memory_space<hbm>>
    tpu.enqueue_dma source(%dma_start3A_7 : memref<80xi32, #tpu.memory_space<hbm>>) target(%arg8 : memref<80xi32, #tpu.memory_space<vmem>>) target_semaphore(%arg12 : memref<!tpu.dma_semaphore, #tpu.memory_space<semaphore_mem>>)
    %dma_start3A_8 = arith.constant 0 : i32
    %dma_start3A_9 = tpu.memref_slice %arg2[%add3A_6, %dma_start3A_8] : memref<320000x128xf32, #tpu.memory_space<hbm>> -> memref<80x128xf32, #tpu.memory_space<hbm>>
    %dma_start3A_10 = arith.constant 0 : i32
    %dma_start3A_11 = tpu.memref_slice %arg2[%add3A_6, %dma_start3A_10] : memref<320000x128xf32, #tpu.memory_space<hbm>> -> memref<80x128xf32, #tpu.memory_space<hbm>>
    tpu.enqueue_dma source(%dma_start3A_11 : memref<80x128xf32, #tpu.memory_space<hbm>>) target(%arg10 : memref<80x128xf32, #tpu.memory_space<vmem>>) target_semaphore(%arg12 : memref<!tpu.dma_semaphore, #tpu.memory_space<semaphore_mem>>)
    %add3A_12 = arith.constant 80 : i32
    %add3A_13 = arith.addi %add3A, %add3A_12 : i32
    %dma_start3A_14 = tpu.memref_slice %arg3[%add3A_13] : memref<320000xi32, #tpu.memory_space<hbm>> -> memref<80xi32, #tpu.memory_space<hbm>>
    %dma_start3A_15 = tpu.memref_slice %arg3[%add3A_13] : memref<320000xi32, #tpu.memory_space<hbm>> -> memref<80xi32, #tpu.memory_space<hbm>>
    tpu.enqueue_dma source(%dma_start3A_15 : memref<80xi32, #tpu.memory_space<hbm>>) target(%arg9 : memref<80xi32, #tpu.memory_space<vmem>>) target_semaphore(%arg12 : memref<!tpu.dma_semaphore, #tpu.memory_space<semaphore_mem>>)
    %dma_start3A_16 = arith.constant 0 : i32
    %dma_start3A_17 = tpu.memref_slice %arg2[%add3A_13, %dma_start3A_16] : memref<320000x128xf32, #tpu.memory_space<hbm>> -> memref<80x128xf32, #tpu.memory_space<hbm>>
    %dma_start3A_18 = arith.constant 0 : i32
    %dma_start3A_19 = tpu.memref_slice %arg2[%add3A_13, %dma_start3A_18] : memref<320000x128xf32, #tpu.memory_space<hbm>> -> memref<80x128xf32, #tpu.memory_space<hbm>>
    tpu.enqueue_dma source(%dma_start3A_19 : memref<80x128xf32, #tpu.memory_space<hbm>>) target(%arg11 : memref<80x128xf32, #tpu.memory_space<vmem>>) target_semaphore(%arg12 : memref<!tpu.dma_semaphore, #tpu.memory_space<semaphore_mem>>)
    %scan3A = arith.constant 0 : i32
    %scan3A_20 = arith.constant 62 : i32
    %scan3A_21 = arith.addi %scan3A, %scan3A_20 : i32
    %scan3A_22 = arith.constant 1 : i32
    scf.for %scan3A_45 = %scan3A to %scan3A_21 step %scan3A_22  : i32 {
      %mul3A_46 = arith.constant 2 : i32
      %mul3A_47 = arith.muli %scan3A_45, %mul3A_46 : i32
      %add3A_48 = arith.constant 0 : i32
      %add3A_49 = arith.addi %add3A_48, %mul3A_47 : i32
      %mul3A_50 = arith.constant 80 : i32
      %mul3A_51 = arith.muli %add3A_49, %mul3A_50 : i32
      %add3A_52 = arith.addi %add3A, %mul3A_51 : i32
      %dma_wait3A_53 = tpu.memref_slice %arg3[%add3A_52] : memref<320000xi32, #tpu.memory_space<hbm>> -> memref<80xi32, #tpu.memory_space<hbm>>
      %dma_wait3A_54 = tpu.memref_slice %arg3[%add3A_52] : memref<320000xi32, #tpu.memory_space<hbm>> -> memref<80xi32, #tpu.memory_space<hbm>>
      tpu.wait_dma2 semaphore(%arg12 : memref<!tpu.dma_semaphore, #tpu.memory_space<semaphore_mem>>) src(%dma_wait3A_54 : memref<80xi32, #tpu.memory_space<hbm>>) dst(%arg8 : memref<80xi32, #tpu.memory_space<vmem>>)
      %dma_wait3A_55 = arith.constant 0 : i32
      %dma_wait3A_56 = tpu.memref_slice %arg2[%add3A_52, %dma_wait3A_55] : memref<320000x128xf32, #tpu.memory_space<hbm>> -> memref<80x128xf32, #tpu.memory_space<hbm>>
      %dma_wait3A_57 = arith.constant 0 : i32
      %dma_wait3A_58 = tpu.memref_slice %arg2[%add3A_52, %dma_wait3A_57] : memref<320000x128xf32, #tpu.memory_space<hbm>> -> memref<80x128xf32, #tpu.memory_space<hbm>>
      tpu.wait_dma2 semaphore(%arg12 : memref<!tpu.dma_semaphore, #tpu.memory_space<semaphore_mem>>) src(%dma_wait3A_58 : memref<80x128xf32, #tpu.memory_space<hbm>>) dst(%arg10 : memref<80x128xf32, #tpu.memory_space<vmem>>)
      %dma_start3A_59 = arith.constant 0 : i32
      %dma_start3A_60 = arith.constant 0 : i32
      %dma_start3A_61 = tpu.memref_slice %arg7[%dma_start3A_59, %dma_start3A_60] : memref<10112x128xf32, #tpu.memory_space<vmem_shared>> -> memref<10112x128xf32, #tpu.memory_space<vmem_shared>>
      tpu.enqueue_indirect_dma source(%arg10 : memref<80x128xf32, #tpu.memory_space<vmem>>) target(%dma_start3A_61 : memref<10112x128xf32, #tpu.memory_space<vmem_shared>>) offsets(%arg8 : memref<80xi32, #tpu.memory_space<vmem>>) semaphore(%arg13 : memref<!tpu.dma_semaphore, #tpu.memory_space<semaphore_mem>>) {add = true}
      %add3A_62 = arith.constant 1 : i32
      %add3A_63 = arith.addi %add3A_49, %add3A_62 : i32
      %mul3A_64 = arith.constant 80 : i32
      %mul3A_65 = arith.muli %add3A_63, %mul3A_64 : i32
      %add3A_66 = arith.addi %add3A, %mul3A_65 : i32
      %dma_wait3A_67 = tpu.memref_slice %arg3[%add3A_66] : memref<320000xi32, #tpu.memory_space<hbm>> -> memref<80xi32, #tpu.memory_space<hbm>>
      %dma_wait3A_68 = tpu.memref_slice %arg3[%add3A_66] : memref<320000xi32, #tpu.memory_space<hbm>> -> memref<80xi32, #tpu.memory_space<hbm>>
      tpu.wait_dma2 semaphore(%arg12 : memref<!tpu.dma_semaphore, #tpu.memory_space<semaphore_mem>>) src(%dma_wait3A_68 : memref<80xi32, #tpu.memory_space<hbm>>) dst(%arg9 : memref<80xi32, #tpu.memory_space<vmem>>)
      %dma_wait3A_69 = arith.constant 0 : i32
      %dma_wait3A_70 = tpu.memref_slice %arg2[%add3A_66, %dma_wait3A_69] : memref<320000x128xf32, #tpu.memory_space<hbm>> -> memref<80x128xf32, #tpu.memory_space<hbm>>
      %dma_wait3A_71 = arith.constant 0 : i32
      %dma_wait3A_72 = tpu.memref_slice %arg2[%add3A_66, %dma_wait3A_71] : memref<320000x128xf32, #tpu.memory_space<hbm>> -> memref<80x128xf32, #tpu.memory_space<hbm>>
      tpu.wait_dma2 semaphore(%arg12 : memref<!tpu.dma_semaphore, #tpu.memory_space<semaphore_mem>>) src(%dma_wait3A_72 : memref<80x128xf32, #tpu.memory_space<hbm>>) dst(%arg11 : memref<80x128xf32, #tpu.memory_space<vmem>>)
      %dma_start3A_73 = arith.constant 0 : i32
      %dma_start3A_74 = arith.constant 0 : i32
      %dma_start3A_75 = tpu.memref_slice %arg7[%dma_start3A_73, %dma_start3A_74] : memref<10112x128xf32, #tpu.memory_space<vmem_shared>> -> memref<10112x128xf32, #tpu.memory_space<vmem_shared>>
      tpu.enqueue_indirect_dma source(%arg11 : memref<80x128xf32, #tpu.memory_space<vmem>>) target(%dma_start3A_75 : memref<10112x128xf32, #tpu.memory_space<vmem_shared>>) offsets(%arg9 : memref<80xi32, #tpu.memory_space<vmem>>) semaphore(%arg13 : memref<!tpu.dma_semaphore, #tpu.memory_space<semaphore_mem>>) {add = true}
      %dma_wait3A_76 = arith.constant 0 : i32
      %dma_wait3A_77 = arith.constant 0 : i32
      %dma_wait3A_78 = tpu.memref_slice %arg7[%dma_wait3A_76, %dma_wait3A_77] : memref<10112x128xf32, #tpu.memory_space<vmem_shared>> -> memref<10112x128xf32, #tpu.memory_space<vmem_shared>>
      tpu.wait_indirect_dma semaphore(%arg13 : memref<!tpu.dma_semaphore, #tpu.memory_space<semaphore_mem>>) src(%arg10 : memref<80x128xf32, #tpu.memory_space<vmem>>) dst(%dma_wait3A_78 : memref<10112x128xf32, #tpu.memory_space<vmem_shared>>)
      %add3A_79 = arith.constant 2 : i32
      %add3A_80 = arith.addi %add3A_49, %add3A_79 : i32
      %mul3A_81 = arith.constant 80 : i32
      %mul3A_82 = arith.muli %add3A_80, %mul3A_81 : i32
      %add3A_83 = arith.addi %add3A, %mul3A_82 : i32
      %dma_start3A_84 = tpu.memref_slice %arg3[%add3A_83] : memref<320000xi32, #tpu.memory_space<hbm>> -> memref<80xi32, #tpu.memory_space<hbm>>
      %dma_start3A_85 = tpu.memref_slice %arg3[%add3A_83] : memref<320000xi32, #tpu.memory_space<hbm>> -> memref<80xi32, #tpu.memory_space<hbm>>
      tpu.enqueue_dma source(%dma_start3A_85 : memref<80xi32, #tpu.memory_space<hbm>>) target(%arg8 : memref<80xi32, #tpu.memory_space<vmem>>) target_semaphore(%arg12 : memref<!tpu.dma_semaphore, #tpu.memory_space<semaphore_mem>>)
      %dma_start3A_86 = arith.constant 0 : i32
      %dma_start3A_87 = tpu.memref_slice %arg2[%add3A_83, %dma_start3A_86] : memref<320000x128xf32, #tpu.memory_space<hbm>> -> memref<80x128xf32, #tpu.memory_space<hbm>>
      %dma_start3A_88 = arith.constant 0 : i32
      %dma_start3A_89 = tpu.memref_slice %arg2[%add3A_83, %dma_start3A_88] : memref<320000x128xf32, #tpu.memory_space<hbm>> -> memref<80x128xf32, #tpu.memory_space<hbm>>
      tpu.enqueue_dma source(%dma_start3A_89 : memref<80x128xf32, #tpu.memory_space<hbm>>) target(%arg10 : memref<80x128xf32, #tpu.memory_space<vmem>>) target_semaphore(%arg12 : memref<!tpu.dma_semaphore, #tpu.memory_space<semaphore_mem>>)
      %dma_wait3A_90 = arith.constant 0 : i32
      %dma_wait3A_91 = arith.constant 0 : i32
      %dma_wait3A_92 = tpu.memref_slice %arg7[%dma_wait3A_90, %dma_wait3A_91] : memref<10112x128xf32, #tpu.memory_space<vmem_shared>> -> memref<10112x128xf32, #tpu.memory_space<vmem_shared>>
      tpu.wait_indirect_dma semaphore(%arg13 : memref<!tpu.dma_semaphore, #tpu.memory_space<semaphore_mem>>) src(%arg11 : memref<80x128xf32, #tpu.memory_space<vmem>>) dst(%dma_wait3A_92 : memref<10112x128xf32, #tpu.memory_space<vmem_shared>>)
      %add3A_93 = arith.constant 3 : i32
      %add3A_94 = arith.addi %add3A_49, %add3A_93 : i32
      %lt3A = arith.constant 125 : i32
      %lt3A_95 = arith.cmpi slt, %add3A_94, %lt3A : i32
      %convert_element_type3A_96 = arith.extui %lt3A_95 : i1 to i32
      %cond3A_97 = arith.constant 0 : i32
      %cond3A_98 = arith.cmpi ne, %convert_element_type3A_96, %cond3A_97 : i32
      scf.if %cond3A_98 {
        %add3A_99 = arith.constant 3 : i32
        %add3A_100 = arith.addi %add3A_49, %add3A_99 : i32
        %mul3A_101 = arith.constant 80 : i32
        %mul3A_102 = arith.muli %add3A_100, %mul3A_101 : i32
        %add3A_103 = arith.addi %add3A, %mul3A_102 : i32
        %dma_start3A_104 = tpu.memref_slice %arg3[%add3A_103] : memref<320000xi32, #tpu.memory_space<hbm>> -> memref<80xi32, #tpu.memory_space<hbm>>
        %dma_start3A_105 = tpu.memref_slice %arg3[%add3A_103] : memref<320000xi32, #tpu.memory_space<hbm>> -> memref<80xi32, #tpu.memory_space<hbm>>
        tpu.enqueue_dma source(%dma_start3A_105 : memref<80xi32, #tpu.memory_space<hbm>>) target(%arg9 : memref<80xi32, #tpu.memory_space<vmem>>) target_semaphore(%arg12 : memref<!tpu.dma_semaphore, #tpu.memory_space<semaphore_mem>>)
        %dma_start3A_106 = arith.constant 0 : i32
        %dma_start3A_107 = tpu.memref_slice %arg2[%add3A_103, %dma_start3A_106] : memref<320000x128xf32, #tpu.memory_space<hbm>> -> memref<80x128xf32, #tpu.memory_space<hbm>>
        %dma_start3A_108 = arith.constant 0 : i32
        %dma_start3A_109 = tpu.memref_slice %arg2[%add3A_103, %dma_start3A_108] : memref<320000x128xf32, #tpu.memory_space<hbm>> -> memref<80x128xf32, #tpu.memory_space<hbm>>
        tpu.enqueue_dma source(%dma_start3A_109 : memref<80x128xf32, #tpu.memory_space<hbm>>) target(%arg11 : memref<80x128xf32, #tpu.memory_space<vmem>>) target_semaphore(%arg12 : memref<!tpu.dma_semaphore, #tpu.memory_space<semaphore_mem>>)
      } else {
      }
    }
    %scan3A_23 = arith.constant 62 : i32
    %add3A_24 = arith.constant 9920 : i32
    %add3A_25 = arith.addi %add3A, %add3A_24 : i32
    %dma_wait3A = tpu.memref_slice %arg3[%add3A_25] : memref<320000xi32, #tpu.memory_space<hbm>> -> memref<80xi32, #tpu.memory_space<hbm>>
    %dma_wait3A_26 = tpu.memref_slice %arg3[%add3A_25] : memref<320000xi32, #tpu.memory_space<hbm>> -> memref<80xi32, #tpu.memory_space<hbm>>
    tpu.wait_dma2 semaphore(%arg12 : memref<!tpu.dma_semaphore, #tpu.memory_space<semaphore_mem>>) src(%dma_wait3A_26 : memref<80xi32, #tpu.memory_space<hbm>>) dst(%arg8 : memref<80xi32, #tpu.memory_space<vmem>>)
    %dma_wait3A_27 = arith.constant 0 : i32
    %dma_wait3A_28 = tpu.memref_slice %arg2[%add3A_25, %dma_wait3A_27] : memref<320000x128xf32, #tpu.memory_space<hbm>> -> memref<80x128xf32, #tpu.memory_space<hbm>>
    %dma_wait3A_29 = arith.constant 0 : i32
    %dma_wait3A_30 = tpu.memref_slice %arg2[%add3A_25, %dma_wait3A_29] : memref<320000x128xf32, #tpu.memory_space<hbm>> -> memref<80x128xf32, #tpu.memory_space<hbm>>
    tpu.wait_dma2 semaphore(%arg12 : memref<!tpu.dma_semaphore, #tpu.memory_space<semaphore_mem>>) src(%dma_wait3A_30 : memref<80x128xf32, #tpu.memory_space<hbm>>) dst(%arg10 : memref<80x128xf32, #tpu.memory_space<vmem>>)
    %dma_start3A_31 = arith.constant 0 : i32
    %dma_start3A_32 = arith.constant 0 : i32
    %dma_start3A_33 = tpu.memref_slice %arg7[%dma_start3A_31, %dma_start3A_32] : memref<10112x128xf32, #tpu.memory_space<vmem_shared>> -> memref<10112x128xf32, #tpu.memory_space<vmem_shared>>
    tpu.enqueue_indirect_dma source(%arg10 : memref<80x128xf32, #tpu.memory_space<vmem>>) target(%dma_start3A_33 : memref<10112x128xf32, #tpu.memory_space<vmem_shared>>) offsets(%arg8 : memref<80xi32, #tpu.memory_space<vmem>>) semaphore(%arg13 : memref<!tpu.dma_semaphore, #tpu.memory_space<semaphore_mem>>) {add = true}
    %dma_wait3A_34 = arith.constant 0 : i32
    %dma_wait3A_35 = arith.constant 0 : i32
    %dma_wait3A_36 = tpu.memref_slice %arg7[%dma_wait3A_34, %dma_wait3A_35] : memref<10112x128xf32, #tpu.memory_space<vmem_shared>> -> memref<10112x128xf32, #tpu.memory_space<vmem_shared>>
    tpu.wait_indirect_dma semaphore(%arg13 : memref<!tpu.dma_semaphore, #tpu.memory_space<semaphore_mem>>) src(%arg10 : memref<80x128xf32, #tpu.memory_space<vmem>>) dst(%dma_wait3A_36 : memref<10112x128xf32, #tpu.memory_space<vmem_shared>>)
    %barrier3A_37 = arith.constant 0 : index
    tpu.barrier barrier_id(%barrier3A_37)
    %eq3A = arith.constant 0 : i32
    %eq3A_38 = arith.cmpi eq, %arg0, %eq3A : i32
    %convert_element_type3A = arith.extui %eq3A_38 : i1 to i32
    %cond3A = arith.constant 0 : i32
    %cond3A_39 = arith.cmpi ne, %convert_element_type3A, %cond3A : i32
    scf.if %cond3A_39 {
      "tpu.region"() ({
        %run_scoped3A = tpu.sem_alloc : memref<!tpu.dma_semaphore, #tpu.memory_space<semaphore_mem>>
        %dma_start3A_45 = arith.constant 0 : i32
        %dma_start3A_46 = tpu.memref_slice %arg5[%mul3A_0, %dma_start3A_45] : memref<10112x128xf32, #tpu.memory_space<hbm>> -> memref<632x128xf32, #tpu.memory_space<hbm>>
        %dma_start3A_47 = arith.constant 0 : i32
        %dma_start3A_48 = tpu.memref_slice %arg7[%mul3A_0, %dma_start3A_47] : memref<10112x128xf32, #tpu.memory_space<vmem_shared>> -> memref<632x128xf32, #tpu.memory_space<vmem_shared>>
        tpu.enqueue_dma source(%dma_start3A_48 : memref<632x128xf32, #tpu.memory_space<vmem_shared>>) target(%dma_start3A_46 : memref<632x128xf32, #tpu.memory_space<hbm>>) target_semaphore(%run_scoped3A : memref<!tpu.dma_semaphore, #tpu.memory_space<semaphore_mem>>)
        %dma_wait3A_49 = arith.constant 0 : i32
        %dma_wait3A_50 = tpu.memref_slice %arg5[%mul3A_0, %dma_wait3A_49] : memref<10112x128xf32, #tpu.memory_space<hbm>> -> memref<632x128xf32, #tpu.memory_space<hbm>>
        %dma_wait3A_51 = arith.constant 0 : i32
        %dma_wait3A_52 = tpu.memref_slice %arg7[%mul3A_0, %dma_wait3A_51] : memref<10112x128xf32, #tpu.memory_space<vmem_shared>> -> memref<632x128xf32, #tpu.memory_space<vmem_shared>>
        tpu.wait_dma2 semaphore(%run_scoped3A : memref<!tpu.dma_semaphore, #tpu.memory_space<semaphore_mem>>) src(%dma_wait3A_52 : memref<632x128xf32, #tpu.memory_space<vmem_shared>>) dst(%dma_wait3A_50 : memref<632x128xf32, #tpu.memory_space<hbm>>)
        tpu.yield
      }) : () -> ()
    } else {
    }
    %eq3A_40 = arith.constant 1 : i32
    %eq3A_41 = arith.cmpi eq, %arg0, %eq3A_40 : i32
    %convert_element_type3A_42 = arith.extui %eq3A_41 : i1 to i32
    %cond3A_43 = arith.constant 0 : i32
    %cond3A_44 = arith.cmpi ne, %convert_element_type3A_42, %cond3A_43 : i32
    scf.if %cond3A_44 {
      "tpu.region"() ({
        %run_scoped3A = tpu.sem_alloc : memref<!tpu.dma_semaphore, #tpu.memory_space<semaphore_mem>>
        %dma_start3A_45 = arith.constant 0 : i32
        %dma_start3A_46 = tpu.memref_slice %arg6[%mul3A_0, %dma_start3A_45] : memref<10112x128xf32, #tpu.memory_space<hbm>> -> memref<632x128xf32, #tpu.memory_space<hbm>>
        %dma_start3A_47 = arith.constant 0 : i32
        %dma_start3A_48 = tpu.memref_slice %arg7[%mul3A_0, %dma_start3A_47] : memref<10112x128xf32, #tpu.memory_space<vmem_shared>> -> memref<632x128xf32, #tpu.memory_space<vmem_shared>>
        tpu.enqueue_dma source(%dma_start3A_48 : memref<632x128xf32, #tpu.memory_space<vmem_shared>>) target(%dma_start3A_46 : memref<632x128xf32, #tpu.memory_space<hbm>>) target_semaphore(%run_scoped3A : memref<!tpu.dma_semaphore, #tpu.memory_space<semaphore_mem>>)
        %dma_wait3A_49 = arith.constant 0 : i32
        %dma_wait3A_50 = tpu.memref_slice %arg6[%mul3A_0, %dma_wait3A_49] : memref<10112x128xf32, #tpu.memory_space<hbm>> -> memref<632x128xf32, #tpu.memory_space<hbm>>
        %dma_wait3A_51 = arith.constant 0 : i32
        %dma_wait3A_52 = tpu.memref_slice %arg7[%mul3A_0, %dma_wait3A_51] : memref<10112x128xf32, #tpu.memory_space<vmem_shared>> -> memref<632x128xf32, #tpu.memory_space<vmem_shared>>
        tpu.wait_dma2 semaphore(%run_scoped3A : memref<!tpu.dma_semaphore, #tpu.memory_space<semaphore_mem>>) src(%dma_wait3A_52 : memref<632x128xf32, #tpu.memory_space<vmem_shared>>) dst(%dma_wait3A_50 : memref<632x128xf32, #tpu.memory_space<hbm>>)
        tpu.yield
      }) : () -> ()
    } else {
    }
    return
  }
}

module attributes {stable_mosaic.version = 14 : i64} {
  func.func @_pre_body(%arg0: memref<10000x128xf32, #tpu.memory_space<vmem>>, %arg1: memref<128x128xf32, #tpu.memory_space<vmem>>, %arg2: memref<128x128xf32, #tpu.memory_space<vmem>>, %arg3: memref<10000x128xf32, #tpu.memory_space<vmem>>, %arg4: memref<10000x128xf32, #tpu.memory_space<vmem>>) attributes {dimension_semantics = [], scalar_prefetch = 0 : i64, scratch_operands = 0 : i64, tpu.core_type = #tpu.core_type<tc>} {
    %get3A = arith.constant 0 : index
    %get3A_0 = arith.constant 0 : index
    %get3A_1 = vector.load %arg0[%get3A, %get3A_0] : memref<10000x128xf32, #tpu.memory_space<vmem>>, vector<10000x128xf32>
    %get3A_2 = arith.constant 0 : index
    %get3A_3 = arith.constant 0 : index
    %get3A_4 = vector.load %arg1[%get3A_2, %get3A_3] : memref<128x128xf32, #tpu.memory_space<vmem>>, vector<128x128xf32>
    %dot_general3A = arith.constant dense<0.000000e+00> : vector<10000x128xf32>
    %dot_general3A_5 = tpu.matmul %get3A_1, %get3A_4, %dot_general3A {dimension_numbers = #tpu.dot_dimension_numbers<[1], [0], [0], [1], [0, 0, 1, 1], [], []>, transpose_lhs_hint = false} : vector<10000x128xf32>, vector<128x128xf32>, vector<10000x128xf32> -> vector<10000x128xf32>
    %swap3A = arith.constant 0 : index
    %swap3A_6 = arith.constant 0 : index
    %swap3A_7 = vector.load %arg3[%swap3A, %swap3A_6] : memref<10000x128xf32, #tpu.memory_space<vmem>>, vector<10000x128xf32>
    tpu.vector_store %arg3[%swap3A, %swap3A_6], %dot_general3A_5 {strides = array<i32>} : memref<10000x128xf32, #tpu.memory_space<vmem>>, vector<10000x128xf32>,
    %get3A_8 = arith.constant 0 : index
    %get3A_9 = arith.constant 0 : index
    %get3A_10 = vector.load %arg2[%get3A_8, %get3A_9] : memref<128x128xf32, #tpu.memory_space<vmem>>, vector<128x128xf32>
    %dot_general3A_11 = arith.constant dense<0.000000e+00> : vector<10000x128xf32>
    %dot_general3A_12 = tpu.matmul %get3A_1, %get3A_10, %dot_general3A_11 {dimension_numbers = #tpu.dot_dimension_numbers<[1], [0], [0], [1], [0, 0, 1, 1], [], []>, transpose_lhs_hint = false} : vector<10000x128xf32>, vector<128x128xf32>, vector<10000x128xf32> -> vector<10000x128xf32>
    %swap3A_13 = arith.constant 0 : index
    %swap3A_14 = arith.constant 0 : index
    %swap3A_15 = vector.load %arg4[%swap3A_13, %swap3A_14] : memref<10000x128xf32, #tpu.memory_space<vmem>>, vector<10000x128xf32>
    tpu.vector_store %arg4[%swap3A_13, %swap3A_14], %dot_general3A_12 {strides = array<i32>} : memref<10000x128xf32, #tpu.memory_space<vmem>>, vector<10000x128xf32>,
    return
  }
}

module attributes {stable_mosaic.version = 14 : i64} {
  func.func @_edge_body(%arg0: i32, %arg1: memref<2000x128xf32, #tpu.memory_space<vmem>>, %arg2: memref<2000x128xf32, #tpu.memory_space<vmem>>, %arg3: memref<128x128xbf16, #tpu.memory_space<vmem>>, %arg4: memref<1x128xf32, #tpu.memory_space<vmem>>, %arg5: memref<128x128xbf16, #tpu.memory_space<vmem>>, %arg6: memref<1x128xf32, #tpu.memory_space<vmem>>, %arg7: memref<2000x128xf32, #tpu.memory_space<vmem>>) attributes {dimension_semantics = [#tpu.dimension_semantics<arbitrary>], iteration_bounds = array<i64: 80>, scalar_prefetch = 0 : i64, scratch_operands = 0 : i64, tpu.core_type = #tpu.core_type<tc>, window_params = [{transform_indices = @transform_0, window_bounds = array<i64: 2000, 128>}, {transform_indices = @transform_1, window_bounds = array<i64: 2000, 128>}, {pipeline_mode = #tpu.pipeline_mode<synchronous>, transform_indices = @transform_2, window_bounds = array<i64: 128, 128>}, {pipeline_mode = #tpu.pipeline_mode<synchronous>, transform_indices = @transform_3, window_bounds = array<i64: 1, 128>}, {pipeline_mode = #tpu.pipeline_mode<synchronous>, transform_indices = @transform_4, window_bounds = array<i64: 128, 128>}, {pipeline_mode = #tpu.pipeline_mode<synchronous>, transform_indices = @transform_5, window_bounds = array<i64: 1, 128>}, {transform_indices = @transform_6, window_bounds = array<i64: 2000, 128>}]} {
    %get3A = arith.constant 0 : index
    %get3A_0 = arith.constant 0 : index
    %get3A_1 = vector.load %arg2[%get3A, %get3A_0] : memref<2000x128xf32, #tpu.memory_space<vmem>>, vector<2000x128xf32>
    %get3A_2 = arith.constant 0 : index
    %get3A_3 = arith.constant 0 : index
    %get3A_4 = vector.load %arg1[%get3A_2, %get3A_3] : memref<2000x128xf32, #tpu.memory_space<vmem>>, vector<2000x128xf32>
    %get3A_5 = arith.constant 0 : index
    %get3A_6 = arith.constant 0 : index
    %get3A_7 = vector.load %arg4[%get3A_5, %get3A_6] : memref<1x128xf32, #tpu.memory_space<vmem>>, vector<1x128xf32>
    %add3A = vector.broadcast %get3A_7 : vector<1x128xf32> to vector<2000x128xf32>
    %add3A_8 = arith.addf %get3A_4, %add3A : vector<2000x128xf32>
    %convert_element_type3A = arith.truncf %get3A_1 : vector<2000x128xf32> to vector<2000x128xbf16>
    %get3A_9 = arith.constant 0 : index
    %get3A_10 = arith.constant 0 : index
    %get3A_11 = vector.load %arg3[%get3A_9, %get3A_10] : memref<128x128xbf16, #tpu.memory_space<vmem>>, vector<128x128xbf16>
    %dot_general3A = arith.constant dense<0.000000e+00> : vector<2000x128xf32>
    %dot_general3A_12 = tpu.matmul %convert_element_type3A, %get3A_11, %dot_general3A {dimension_numbers = #tpu.dot_dimension_numbers<[1], [0], [0], [1], [0, 0, 1, 1], [], []>, transpose_lhs_hint = false} : vector<2000x128xbf16>, vector<128x128xbf16>, vector<2000x128xf32> -> vector<2000x128xf32>
    %add3A_13 = arith.addf %add3A_8, %dot_general3A_12 : vector<2000x128xf32>
    %max3A = arith.constant 0.000000e+00 : f32
    %max3A_14 = vector.broadcast %max3A : f32 to vector<2000x128xf32>
    %max3A_15 = arith.maximumf %add3A_13, %max3A_14 : vector<2000x128xf32>
    %get3A_16 = arith.constant 0 : index
    %get3A_17 = arith.constant 0 : index
    %get3A_18 = vector.load %arg6[%get3A_16, %get3A_17] : memref<1x128xf32, #tpu.memory_space<vmem>>, vector<1x128xf32>
    %add3A_19 = vector.broadcast %get3A_18 : vector<1x128xf32> to vector<2000x128xf32>
    %add3A_20 = arith.addf %get3A_1, %add3A_19 : vector<2000x128xf32>
    %convert_element_type3A_21 = arith.truncf %max3A_15 : vector<2000x128xf32> to vector<2000x128xbf16>
    %get3A_22 = arith.constant 0 : index
    %get3A_23 = arith.constant 0 : index
    %get3A_24 = vector.load %arg5[%get3A_22, %get3A_23] : memref<128x128xbf16, #tpu.memory_space<vmem>>, vector<128x128xbf16>
    %dot_general3A_25 = arith.constant dense<0.000000e+00> : vector<2000x128xf32>
    %dot_general3A_26 = tpu.matmul %convert_element_type3A_21, %get3A_24, %dot_general3A_25 {dimension_numbers = #tpu.dot_dimension_numbers<[1], [0], [0], [1], [0, 0, 1, 1], [], []>, transpose_lhs_hint = false} : vector<2000x128xbf16>, vector<128x128xbf16>, vector<2000x128xf32> -> vector<2000x128xf32>
    %add3A_27 = arith.addf %add3A_20, %dot_general3A_26 : vector<2000x128xf32>
    %swap3A = arith.constant 0 : index
    %swap3A_28 = arith.constant 0 : index
    %swap3A_29 = vector.load %arg7[%swap3A, %swap3A_28] : memref<2000x128xf32, #tpu.memory_space<vmem>>, vector<2000x128xf32>
    tpu.vector_store %arg7[%swap3A, %swap3A_28], %add3A_27 {strides = array<i32>} : memref<2000x128xf32, #tpu.memory_space<vmem>>, vector<2000x128xf32>,
    return
  }
  func.func @transform_0(%arg0: i32) -> (i32, i32) {
    %c0_i32 = arith.constant 0 : i32
    %c0_i32_0 = arith.constant 0 : i32
    return %arg0, %c0_i32 : i32, i32
  }
  func.func @transform_1(%arg0: i32) -> (i32, i32) {
    %add3A = arith.constant 0 : i32
    %add3A_0 = arith.addi %arg0, %add3A : i32
    %c0_i32 = arith.constant 0 : i32
    %c0_i32_1 = arith.constant 0 : i32
    return %add3A_0, %c0_i32 : i32, i32
  }
  func.func @transform_2(%arg0: i32) -> (i32, i32) {
    %c0_i32 = arith.constant 0 : i32
    %c0_i32_0 = arith.constant 0 : i32
    %c0_i32_1 = arith.constant 0 : i32
    return %c0_i32, %c0_i32_0 : i32, i32
  }
  func.func @transform_3(%arg0: i32) -> (i32, i32) {
    %c0_i32 = arith.constant 0 : i32
    %c0_i32_0 = arith.constant 0 : i32
    %c0_i32_1 = arith.constant 0 : i32
    return %c0_i32, %c0_i32_0 : i32, i32
  }
  func.func @transform_4(%arg0: i32) -> (i32, i32) {
    %c0_i32 = arith.constant 0 : i32
    %c0_i32_0 = arith.constant 0 : i32
    %c0_i32_1 = arith.constant 0 : i32
    return %c0_i32, %c0_i32_0 : i32, i32
  }
  func.func @transform_5(%arg0: i32) -> (i32, i32) {
    %c0_i32 = arith.constant 0 : i32
    %c0_i32_0 = arith.constant 0 : i32
    %c0_i32_1 = arith.constant 0 : i32
    return %c0_i32, %c0_i32_0 : i32, i32
  }
  func.func @transform_6(%arg0: i32) -> (i32, i32) {
    %add3A = arith.constant 0 : i32
    %add3A_0 = arith.addi %arg0, %add3A : i32
    %c0_i32 = arith.constant 0 : i32
    %c0_i32_1 = arith.constant 0 : i32
    return %add3A_0, %c0_i32 : i32, i32
  }
}

module attributes {stable_mosaic.version = 14 : i64} {
  func.func @_edge_alias_body(%arg0: i32, %arg1: memref<2000x128xf32, #tpu.memory_space<vmem>>, %arg2: memref<2000x128xf32, #tpu.memory_space<vmem>>, %arg3: memref<128x128xbf16, #tpu.memory_space<vmem>>, %arg4: memref<1x128xf32, #tpu.memory_space<vmem>>, %arg5: memref<128x128xbf16, #tpu.memory_space<vmem>>, %arg6: memref<1x128xf32, #tpu.memory_space<vmem>>, %arg7: memref<320000x128xf32, #tpu.memory_space<hbm>>, %arg8: memref<2000x128xf32, #tpu.memory_space<vmem>>) attributes {dimension_semantics = [#tpu.dimension_semantics<arbitrary>], iteration_bounds = array<i64: 80>, scalar_prefetch = 0 : i64, scratch_operands = 0 : i64, tpu.core_type = #tpu.core_type<tc>, window_params = [{transform_indices = @transform_0, window_bounds = array<i64: 2000, 128>}, {transform_indices = @transform_1, window_bounds = array<i64: 2000, 128>}, {pipeline_mode = #tpu.pipeline_mode<synchronous>, transform_indices = @transform_2, window_bounds = array<i64: 128, 128>}, {pipeline_mode = #tpu.pipeline_mode<synchronous>, transform_indices = @transform_3, window_bounds = array<i64: 1, 128>}, {pipeline_mode = #tpu.pipeline_mode<synchronous>, transform_indices = @transform_4, window_bounds = array<i64: 128, 128>}, {pipeline_mode = #tpu.pipeline_mode<synchronous>, transform_indices = @transform_5, window_bounds = array<i64: 1, 128>}, {}, {transform_indices = @transform_7, window_bounds = array<i64: 2000, 128>}]} {
    %get3A = arith.constant 0 : index
    %get3A_0 = arith.constant 0 : index
    %get3A_1 = vector.load %arg2[%get3A, %get3A_0] : memref<2000x128xf32, #tpu.memory_space<vmem>>, vector<2000x128xf32>
    %get3A_2 = arith.constant 0 : index
    %get3A_3 = arith.constant 0 : index
    %get3A_4 = vector.load %arg1[%get3A_2, %get3A_3] : memref<2000x128xf32, #tpu.memory_space<vmem>>, vector<2000x128xf32>
    %get3A_5 = arith.constant 0 : index
    %get3A_6 = arith.constant 0 : index
    %get3A_7 = vector.load %arg4[%get3A_5, %get3A_6] : memref<1x128xf32, #tpu.memory_space<vmem>>, vector<1x128xf32>
    %add3A = vector.broadcast %get3A_7 : vector<1x128xf32> to vector<2000x128xf32>
    %add3A_8 = arith.addf %get3A_4, %add3A : vector<2000x128xf32>
    %convert_element_type3A = arith.truncf %get3A_1 : vector<2000x128xf32> to vector<2000x128xbf16>
    %get3A_9 = arith.constant 0 : index
    %get3A_10 = arith.constant 0 : index
    %get3A_11 = vector.load %arg3[%get3A_9, %get3A_10] : memref<128x128xbf16, #tpu.memory_space<vmem>>, vector<128x128xbf16>
    %dot_general3A = arith.constant dense<0.000000e+00> : vector<2000x128xf32>
    %dot_general3A_12 = tpu.matmul %convert_element_type3A, %get3A_11, %dot_general3A {dimension_numbers = #tpu.dot_dimension_numbers<[1], [0], [0], [1], [0, 0, 1, 1], [], []>, transpose_lhs_hint = false} : vector<2000x128xbf16>, vector<128x128xbf16>, vector<2000x128xf32> -> vector<2000x128xf32>
    %add3A_13 = arith.addf %add3A_8, %dot_general3A_12 : vector<2000x128xf32>
    %max3A = arith.constant 0.000000e+00 : f32
    %max3A_14 = vector.broadcast %max3A : f32 to vector<2000x128xf32>
    %max3A_15 = arith.maximumf %add3A_13, %max3A_14 : vector<2000x128xf32>
    %get3A_16 = arith.constant 0 : index
    %get3A_17 = arith.constant 0 : index
    %get3A_18 = vector.load %arg6[%get3A_16, %get3A_17] : memref<1x128xf32, #tpu.memory_space<vmem>>, vector<1x128xf32>
    %add3A_19 = vector.broadcast %get3A_18 : vector<1x128xf32> to vector<2000x128xf32>
    %add3A_20 = arith.addf %get3A_1, %add3A_19 : vector<2000x128xf32>
    %convert_element_type3A_21 = arith.truncf %max3A_15 : vector<2000x128xf32> to vector<2000x128xbf16>
    %get3A_22 = arith.constant 0 : index
    %get3A_23 = arith.constant 0 : index
    %get3A_24 = vector.load %arg5[%get3A_22, %get3A_23] : memref<128x128xbf16, #tpu.memory_space<vmem>>, vector<128x128xbf16>
    %dot_general3A_25 = arith.constant dense<0.000000e+00> : vector<2000x128xf32>
    %dot_general3A_26 = tpu.matmul %convert_element_type3A_21, %get3A_24, %dot_general3A_25 {dimension_numbers = #tpu.dot_dimension_numbers<[1], [0], [0], [1], [0, 0, 1, 1], [], []>, transpose_lhs_hint = false} : vector<2000x128xbf16>, vector<128x128xbf16>, vector<2000x128xf32> -> vector<2000x128xf32>
    %add3A_27 = arith.addf %add3A_20, %dot_general3A_26 : vector<2000x128xf32>
    %swap3A = arith.constant 0 : index
    %swap3A_28 = arith.constant 0 : index
    %swap3A_29 = vector.load %arg8[%swap3A, %swap3A_28] : memref<2000x128xf32, #tpu.memory_space<vmem>>, vector<2000x128xf32>
    tpu.vector_store %arg8[%swap3A, %swap3A_28], %add3A_27 {strides = array<i32>} : memref<2000x128xf32, #tpu.memory_space<vmem>>, vector<2000x128xf32>,
    return
  }
  func.func @transform_0(%arg0: i32) -> (i32, i32) {
    %c0_i32 = arith.constant 0 : i32
    %c0_i32_0 = arith.constant 0 : i32
    return %arg0, %c0_i32 : i32, i32
  }
  func.func @transform_1(%arg0: i32) -> (i32, i32) {
    %add3A = arith.constant 80 : i32
    %add3A_0 = arith.addi %arg0, %add3A : i32
    %c0_i32 = arith.constant 0 : i32
    %c0_i32_1 = arith.constant 0 : i32
    return %add3A_0, %c0_i32 : i32, i32
  }
  func.func @transform_2(%arg0: i32) -> (i32, i32) {
    %c0_i32 = arith.constant 0 : i32
    %c0_i32_0 = arith.constant 0 : i32
    %c0_i32_1 = arith.constant 0 : i32
    return %c0_i32, %c0_i32_0 : i32, i32
  }
  func.func @transform_3(%arg0: i32) -> (i32, i32) {
    %c0_i32 = arith.constant 0 : i32
    %c0_i32_0 = arith.constant 0 : i32
    %c0_i32_1 = arith.constant 0 : i32
    return %c0_i32, %c0_i32_0 : i32, i32
  }
  func.func @transform_4(%arg0: i32) -> (i32, i32) {
    %c0_i32 = arith.constant 0 : i32
    %c0_i32_0 = arith.constant 0 : i32
    %c0_i32_1 = arith.constant 0 : i32
    return %c0_i32, %c0_i32_0 : i32, i32
  }
  func.func @transform_5(%arg0: i32) -> (i32, i32) {
    %c0_i32 = arith.constant 0 : i32
    %c0_i32_0 = arith.constant 0 : i32
    %c0_i32_1 = arith.constant 0 : i32
    return %c0_i32, %c0_i32_0 : i32, i32
  }
  func.func @transform_7(%arg0: i32) -> (i32, i32) {
    %add3A = arith.constant 80 : i32
    %add3A_0 = arith.addi %arg0, %add3A : i32
    %c0_i32 = arith.constant 0 : i32
    %c0_i32_1 = arith.constant 0 : i32
    return %add3A_0, %c0_i32 : i32, i32
  }
}

module attributes {stable_mosaic.version = 14 : i64} {
  func.func @_node_body(%arg0: i32, %arg1: memref<1000x128xf32, #tpu.memory_space<vmem>>, %arg2: memref<1000x128xf32, #tpu.memory_space<vmem>>, %arg3: memref<1000x128xf32, #tpu.memory_space<vmem>>, %arg4: memref<128x128xf32, #tpu.memory_space<vmem>>, %arg5: memref<128x128xf32, #tpu.memory_space<vmem>>, %arg6: memref<1x128xf32, #tpu.memory_space<vmem>>, %arg7: memref<128x128xf32, #tpu.memory_space<vmem>>, %arg8: memref<1x128xf32, #tpu.memory_space<vmem>>, %arg9: memref<1000x128xf32, #tpu.memory_space<vmem>>) attributes {dimension_semantics = [#tpu.dimension_semantics<arbitrary>], iteration_bounds = array<i64: 10>, scalar_prefetch = 0 : i64, scratch_operands = 0 : i64, tpu.core_type = #tpu.core_type<tc>, window_params = [{transform_indices = @transform_0, window_bounds = array<i64: 1000, 128>}, {transform_indices = @transform_1, window_bounds = array<i64: 1000, 128>}, {transform_indices = @transform_2, window_bounds = array<i64: 1000, 128>}, {pipeline_mode = #tpu.pipeline_mode<synchronous>, transform_indices = @transform_3, window_bounds = array<i64: 128, 128>}, {pipeline_mode = #tpu.pipeline_mode<synchronous>, transform_indices = @transform_4, window_bounds = array<i64: 128, 128>}, {pipeline_mode = #tpu.pipeline_mode<synchronous>, transform_indices = @transform_5, window_bounds = array<i64: 1, 128>}, {pipeline_mode = #tpu.pipeline_mode<synchronous>, transform_indices = @transform_6, window_bounds = array<i64: 128, 128>}, {pipeline_mode = #tpu.pipeline_mode<synchronous>, transform_indices = @transform_7, window_bounds = array<i64: 1, 128>}, {transform_indices = @transform_8, window_bounds = array<i64: 1000, 128>}]} {
    %get3A = arith.constant 0 : index
    %get3A_0 = arith.constant 0 : index
    %get3A_1 = vector.load %arg1[%get3A, %get3A_0] : memref<1000x128xf32, #tpu.memory_space<vmem>>, vector<1000x128xf32>
    %get3A_2 = arith.constant 0 : index
    %get3A_3 = arith.constant 0 : index
    %get3A_4 = vector.load %arg2[%get3A_2, %get3A_3] : memref<1000x128xf32, #tpu.memory_space<vmem>>, vector<1000x128xf32>
    %get3A_5 = arith.constant 0 : index
    %get3A_6 = arith.constant 0 : index
    %get3A_7 = vector.load %arg3[%get3A_5, %get3A_6] : memref<1000x128xf32, #tpu.memory_space<vmem>>, vector<1000x128xf32>
    %add3A = arith.addf %get3A_4, %get3A_7 : vector<1000x128xf32>
    %get3A_8 = arith.constant 0 : index
    %get3A_9 = arith.constant 0 : index
    %get3A_10 = vector.load %arg6[%get3A_8, %get3A_9] : memref<1x128xf32, #tpu.memory_space<vmem>>, vector<1x128xf32>
    %get3A_11 = arith.constant 0 : index
    %get3A_12 = arith.constant 0 : index
    %get3A_13 = vector.load %arg4[%get3A_11, %get3A_12] : memref<128x128xf32, #tpu.memory_space<vmem>>, vector<128x128xf32>
    %dot_general3A = arith.constant dense<0.000000e+00> : vector<1000x128xf32>
    %dot_general3A_14 = tpu.matmul %get3A_1, %get3A_13, %dot_general3A {dimension_numbers = #tpu.dot_dimension_numbers<[1], [0], [0], [1], [0, 0, 1, 1], [], []>, transpose_lhs_hint = false} : vector<1000x128xf32>, vector<128x128xf32>, vector<1000x128xf32> -> vector<1000x128xf32>
    %add3A_15 = vector.broadcast %get3A_10 : vector<1x128xf32> to vector<1000x128xf32>
    %add3A_16 = arith.addf %add3A_15, %dot_general3A_14 : vector<1000x128xf32>
    %get3A_17 = arith.constant 0 : index
    %get3A_18 = arith.constant 0 : index
    %get3A_19 = vector.load %arg5[%get3A_17, %get3A_18] : memref<128x128xf32, #tpu.memory_space<vmem>>, vector<128x128xf32>
    %dot_general3A_20 = arith.constant dense<0.000000e+00> : vector<1000x128xf32>
    %dot_general3A_21 = tpu.matmul %add3A, %get3A_19, %dot_general3A_20 {dimension_numbers = #tpu.dot_dimension_numbers<[1], [0], [0], [1], [0, 0, 1, 1], [], []>, transpose_lhs_hint = false} : vector<1000x128xf32>, vector<128x128xf32>, vector<1000x128xf32> -> vector<1000x128xf32>
    %add3A_22 = arith.addf %add3A_16, %dot_general3A_21 : vector<1000x128xf32>
    %max3A = arith.constant 0.000000e+00 : f32
    %max3A_23 = vector.broadcast %max3A : f32 to vector<1000x128xf32>
    %max3A_24 = arith.maximumf %add3A_22, %max3A_23 : vector<1000x128xf32>
    %get3A_25 = arith.constant 0 : index
    %get3A_26 = arith.constant 0 : index
    %get3A_27 = vector.load %arg8[%get3A_25, %get3A_26] : memref<1x128xf32, #tpu.memory_space<vmem>>, vector<1x128xf32>
    %add3A_28 = vector.broadcast %get3A_27 : vector<1x128xf32> to vector<1000x128xf32>
    %add3A_29 = arith.addf %get3A_1, %add3A_28 : vector<1000x128xf32>
    %get3A_30 = arith.constant 0 : index
    %get3A_31 = arith.constant 0 : index
    %get3A_32 = vector.load %arg7[%get3A_30, %get3A_31] : memref<128x128xf32, #tpu.memory_space<vmem>>, vector<128x128xf32>
    %dot_general3A_33 = arith.constant dense<0.000000e+00> : vector<1000x128xf32>
    %dot_general3A_34 = tpu.matmul %max3A_24, %get3A_32, %dot_general3A_33 {dimension_numbers = #tpu.dot_dimension_numbers<[1], [0], [0], [1], [0, 0, 1, 1], [], []>, transpose_lhs_hint = false} : vector<1000x128xf32>, vector<128x128xf32>, vector<1000x128xf32> -> vector<1000x128xf32>
    %add3A_35 = arith.addf %add3A_29, %dot_general3A_34 : vector<1000x128xf32>
    %swap3A = arith.constant 0 : index
    %swap3A_36 = arith.constant 0 : index
    %swap3A_37 = vector.load %arg9[%swap3A, %swap3A_36] : memref<1000x128xf32, #tpu.memory_space<vmem>>, vector<1000x128xf32>
    tpu.vector_store %arg9[%swap3A, %swap3A_36], %add3A_35 {strides = array<i32>} : memref<1000x128xf32, #tpu.memory_space<vmem>>, vector<1000x128xf32>,
    return
  }
  func.func @transform_0(%arg0: i32) -> (i32, i32) {
    %c0_i32 = arith.constant 0 : i32
    %c0_i32_0 = arith.constant 0 : i32
    return %arg0, %c0_i32 : i32, i32
  }
  func.func @transform_1(%arg0: i32) -> (i32, i32) {
    %c0_i32 = arith.constant 0 : i32
    %c0_i32_0 = arith.constant 0 : i32
    return %arg0, %c0_i32 : i32, i32
  }
  func.func @transform_2(%arg0: i32) -> (i32, i32) {
    %c0_i32 = arith.constant 0 : i32
    %c0_i32_0 = arith.constant 0 : i32
    return %arg0, %c0_i32 : i32, i32
  }
  func.func @transform_3(%arg0: i32) -> (i32, i32) {
    %c0_i32 = arith.constant 0 : i32
    %c0_i32_0 = arith.constant 0 : i32
    %c0_i32_1 = arith.constant 0 : i32
    return %c0_i32, %c0_i32_0 : i32, i32
  }
  func.func @transform_4(%arg0: i32) -> (i32, i32) {
    %c0_i32 = arith.constant 0 : i32
    %c0_i32_0 = arith.constant 0 : i32
    %c0_i32_1 = arith.constant 0 : i32
    return %c0_i32, %c0_i32_0 : i32, i32
  }
  func.func @transform_5(%arg0: i32) -> (i32, i32) {
    %c0_i32 = arith.constant 0 : i32
    %c0_i32_0 = arith.constant 0 : i32
    %c0_i32_1 = arith.constant 0 : i32
    return %c0_i32, %c0_i32_0 : i32, i32
  }
  func.func @transform_6(%arg0: i32) -> (i32, i32) {
    %c0_i32 = arith.constant 0 : i32
    %c0_i32_0 = arith.constant 0 : i32
    %c0_i32_1 = arith.constant 0 : i32
    return %c0_i32, %c0_i32_0 : i32, i32
  }
  func.func @transform_7(%arg0: i32) -> (i32, i32) {
    %c0_i32 = arith.constant 0 : i32
    %c0_i32_0 = arith.constant 0 : i32
    %c0_i32_1 = arith.constant 0 : i32
    return %c0_i32, %c0_i32_0 : i32, i32
  }
  func.func @transform_8(%arg0: i32) -> (i32, i32) {
    %c0_i32 = arith.constant 0 : i32
    %c0_i32_0 = arith.constant 0 : i32
    return %arg0, %c0_i32 : i32, i32
  }
}

</mosaic_0001>

<sc_bundles>
// kernel: kernel.12.cloned.1.call-start
scs
__scs_entry_jumppad:
0x0: {  	(pc) =	sbr.rel $0x88, $3  }
0x1: {  	(tag) =	ssettag $0x0;
	lr =	simm.s32 $0x1  }
0x2: {  	[smem:$0x3F95] =	sst lr;
	_ =	strace $0xD0000000  }
0x3: {  	_ = 	snop  }
0x4: {  	_ = 	snop  }
0x5: {  	_ = 	snop  }
0x6: {  	_ = 	snop  }
0x7: {  	_ = 	snop  }
__scs_overlays_trampoline_lowered:
0x8: {  	[smem:$0x3FA4] =	sst s0  }
0x9: {  	[smem:$0x3FA5] =	sst s1  }
0xa: {  	[smem:$0x3FA6] =	sst s2  }
0xb: {  	[smem:$0x3FA7] =	sst s3  }
0xc: {  	[smem:$0x3FA8] =	sst s4  }
0xd: {  	[smem:$0x3FA9] =	sst s5  }
0xe: {  	[smem:$0x3FAA] =	sst s6  }
0xf: {  	[smem:$0x3FAB] =	sst s7  }
0x10: {  	[smem:$0x3FAC] =	sst s8  }
0x11: {  	[smem:$0x3FAD] =	sst s9;
	s0 =	simm.s32 @!p0 $0x0  }
0x12: {  	s1 =	sld [smem:$0x3F93];
	s0 =	simm.s32 @p0 $0x1  }
0x13: {  	[smem:$0x3FAE] =	sst s0;
	s0 =	simm.s32 @!p1 $0x0  }
0x14: {  	s2 =	sld [smem:$0x3F92];
	s0 =	simm.s32 @p1 $0x1  }
0x15: {  	[smem:$0x3FAF] =	sst s0;
	s0 =	simm.s32 @!p2 $0x0  }
0x16: {  	s3 =	sld [smem:$0x3FDB];
	s0 =	simm.s32 @p2 $0x1  }
0x17: {  	s4 =	simm.s32 $0x1BF5;
	[smem:$0x3FB1] =	sst s0  }
0x18: {  	s0 =	sld [smem:$0x3F94];
	_ =	swait.ge [sflag:s4], $0x0  }
0x19: {  	s7 =	sld [smem:$0x3F95]  }
0x1a: {  	s8 =	sadd.s32 $0xFFFFE003, lr  }
0x1b: {  	s9 =	sadd.s32 $0xFFFFFEF7, lr;
	s5 =	simm.s32 $0xFFFFFFFF;
	p2 =	slt.u32 s8, $0xFFFFF086  }
0x1c: {  	p1 =	slt.u32 s9, $0xF7A;
	s5 =	simm.s32 @!p2 $0x0  }
0x1d: {  	s5 =	simm.s32 @p1 $0x1;
	p0 =	seq.s32 s7, s2  }
0x1e: {  	s7 =	smul.u32 @!p0 $0xF7A, s2;
	p2 =	seq.s32 @!p0 s5, $0x0  }
0x1f: {  	s9 =	smul.u32 $0xF7A, s1;
	s8 =	simm.s32 @!p0 $0x1BF5;
	p2 =	por !p2, p0  }
0x20: {  	[sflag:s8] =	ssyncset.s32 @!p0 $0xFFFFF086;
	s6 =	sadd.s32 @!p0 s3, s7;
	s7 =	simm.s32 @!p0 $0x108  }
0x21: {  	s3 =	sadd.s32 s3, s9;
	s6 =	sadd.s32 @!p0 $0x88, s6;
	s7 =	simm.s32 @p2 $0x1082  }
0x22: {  	[simem:s7], [sflag:s8] =	dma.local @!p0 [hbm:s6], $0xF7A  }
0x23: {  	s9 =	sor.u32 $0xD0000000, s2;
	s6 =	simm.s32 $0x108;
	_ =	swait.ge @!p0 [sflag:s8], $0x0  }
0x24: {  	s3 =	sadd.s32 $0x88, s3;
	s6 =	simm.s32 @!p1 $0x1082;
	[sflag:s4] =	ssyncset.s32 $0xFFFFF086  }
0x25: {  	[simem:s6], [sflag:s4] =	dma.local [hbm:s3], $0xF7A  }
0x26: {  	[smem:$0x3F95] =	sst s1;
	(tag) =	ssettag s2;
	_ =	strace s9  }
0x27: {  	s1 =	sld [smem:$0x3FA5]  }
0x28: {  	s2 =	sld [smem:$0x3FA6]  }
0x29: {  	s4 =	sld [smem:$0x3FA8]  }
0x2a: {  	p0 =	seq.s32 s5, $0x0;
	s5 =	sld [smem:$0x3FA9]  }
0x2b: {  	s6 =	sld [smem:$0x3FAA]  }
0x2c: {  	s7 =	sld [smem:$0x3FAB]  }
0x2d: {  	s3 =	simm.s32 $0x108;
	s8 =	sld [smem:$0x3FAC]  }
0x2e: {  	s3 =	simm.s32 @!p0 $0x1082;
	s9 =	sld [smem:$0x3FAD]  }
0x2f: {  	lr =	sadd.s32 s0, s3;
	s0 =	sld [smem:$0x3FA4]  }
0x30: {  	s3 =	sld [smem:$0x3FA7]  }
0x31: {  	[smem:$0x3FB0] =	sst s10  }
0x32: {  	s10 =	sld [smem:$0x3FAE];
	_ =	sdelay $0x3  }
0x33: {  	p0 =	seq.s32 s10, $0x1;
	s10 =	sld [smem:$0x3FB0];
	_ =	sdelay $0x3  }
0x34: {  	[smem:$0x3FB0] =	sst s10  }
0x35: {  	s10 =	sld [smem:$0x3FAF];
	_ =	sdelay $0x3  }
0x36: {  	p1 =	seq.s32 s10, $0x1;
	s10 =	sld [smem:$0x3FB0];
	_ =	sdelay $0x3  }
0x37: {  	[smem:$0x3FB0] =	sst s10  }
0x38: {  	s10 =	sld [smem:$0x3FB1]  }
0x39: {  	_ = 	snop;
	(pc) =	sbr.ind lr, $3  }
0x3a: {  	_ = 	snop  }
0x3b: {  	_ = 	snop  }
0x3c: {  	p2 =	seq.s32 s10, $0x1;
	s10 =	sld [smem:$0x3FB0]  }
0x3d: {  	_ =	shalt  }
0x3e: {  	_ =	shalt  }
0x3f: {  	_ =	shalt  }
0x40: {  	_ =	shalt  }
0x41: {  	_ =	shalt  }
0x42: {  	_ =	shalt  }
0x43: {  	_ =	shalt  }
0x44: {  	_ =	shalt  }
0x45: {  	_ =	shalt  }
0x46: {  	_ =	shalt  }
0x47: {  	_ =	shalt  }
0x48: {  	_ =	shalt  }
0x49: {  	_ =	shalt  }
0x4a: {  	_ =	shalt  }
0x4b: {  	_ =	shalt  }
0x4c: {  	_ =	shalt  }
0x4d: {  	_ =	shalt  }
0x4e: {  	_ =	shalt  }
0x4f: {  	_ =	shalt  }
0x50: {  	_ =	shalt  }
0x51: {  	_ =	shalt  }
0x52: {  	_ =	shalt  }
0x53: {  	_ =	shalt  }
0x54: {  	_ =	shalt  }
0x55: {  	_ =	shalt  }
0x56: {  	_ =	shalt  }
0x57: {  	_ =	shalt  }
0x58: {  	_ =	shalt  }
0x59: {  	_ =	shalt  }
0x5a: {  	_ =	shalt  }
0x5b: {  	_ =	shalt  }
0x5c: {  	_ =	shalt  }
0x5d: {  	_ =	shalt  }
0x5e: {  	_ =	shalt  }
0x5f: {  	_ =	shalt  }
0x60: {  	_ =	shalt  }
0x61: {  	_ =	shalt  }
0x62: {  	_ =	shalt  }
0x63: {  	_ =	shalt  }
0x64: {  	_ =	shalt  }
0x65: {  	_ =	shalt  }
0x66: {  	_ =	shalt  }
0x67: {  	_ =	shalt  }
0x68: {  	_ =	shalt  }
0x69: {  	_ =	shalt  }
0x6a: {  	_ =	shalt  }
0x6b: {  	_ =	shalt  }
0x6c: {  	_ =	shalt  }
0x6d: {  	_ =	shalt  }
0x6e: {  	_ =	shalt  }
0x6f: {  	_ =	shalt  }
0x70: {  	_ =	shalt  }
0x71: {  	_ =	shalt  }
0x72: {  	_ =	shalt  }
0x73: {  	_ =	shalt  }
0x74: {  	_ =	shalt  }
0x75: {  	_ =	shalt  }
0x76: {  	_ =	shalt  }
0x77: {  	_ =	shalt  }
0x78: {  	_ =	shalt  }
0x79: {  	_ =	shalt  }
0x7a: {  	_ =	shalt  }
0x7b: {  	_ =	shalt  }
0x7c: {  	_ =	shalt  }
0x7d: {  	_ =	shalt  }
0x7e: {  	_ =	shalt  }
0x7f: {  	_ =	shalt  }
0x80: {  	_ =	shalt  }
0x81: {  	_ =	shalt  }
0x82: {  	_ =	shalt  }
0x83: {  	_ =	shalt  }
0x84: {  	_ =	shalt  }
0x85: {  	_ =	shalt  }
0x86: {  	_ =	shalt  }
0x87: {  	_ =	shalt  }
.Lfunc_end0:
.L_simem_size_0:
called_computation.1_lowered:
.L_overlay_start_0:
0x88: {  	s2 =	sld [smem:$0x3FD9]  }
0x89: {  	s3 =	sld [smem:$0x3FFE];
	_ =	sdelay $0x1  }
0x8a: {  	s1 =	srdreg.scid  }
0x8b: {  	s0 =	sand.u32 $0x1, s1  }
0x8c: {  	s15 =	sshll.u32 s0, $0xA;
	s2 =	sadd.s32 s3, s2  }
0x8d: {  	s2 =	sadd.s32 s2, s15  }
0x8e: {  	[smem:$0x3FBC] =	sst s2  }
0x8f: {  	_ = 	snop  }
0x90: {  	s4 =	sld [smem:$0x3FD0];
	_ =	sdelay $0x1  }
0x91: {  	s2 =	sld [smem:$0x3FBF]  }
0x92: {  	s5 =	simm.s32 $0xB;
	s6 =	simm.s32 $0x10;
	s16 =	sld [smem:$0x3FBE]  }
0x93: {  	[smem:s6], [sflag:s5] =	dma.local [hbm:s4], $0x1  }
0x94: {  	_ =	swait.eq [sflag:s5], $0x1  }
0x95: {  	[sflag:s5] =	ssyncset.done $0x0  }
0x96: {  	[sflag:s5] =	ssyncadd.s32 $0xFFFFFFFF  }
0x97: {  	s17 =	sld [smem:$0x10];
	(tm) =	ssettm $0x1  }
0x98: {  	s18 =	sld [smem:$0x3FFB];
	_ =	sdelay $0x3  }
0x99: {  	_ =	strace s18  }
0x9a: {  	s4 =	sld [smem:$0x3FFC];
	_ =	sdelay $0x3  }
0x9b: {  	_ =	strace s4  }
0x9c: {  	s4 =	sld [smem:$0x3FFD];
	_ =	sdelay $0x3  }
0x9d: {  	_ =	strace s4  }
0x9e: {  	_ =	strace $0x8FFFFFFF  }
0x9f: {  	s19 =	sld [smem:$0x3FDB];
	_ =	sdelay $0x1  }
0xa0: {  	s20 =	simm.s32 $_scs_section_size  }
0xa1: {  	s7 =	simm.s32 $_size__tile_overlayer_lowered;
	s8 =	simm.s32 $_tile_overlayer_lowered  }
0xa2: {  	s9 =	simm.s32 $0x1BFF;
	s21 =	sshll.u32 s8, $0x1;
	s6 =	sadd.s32 s20, s19  }
0xa3: {  	s22 =	simm.s32 $0x0;
	s7 =	sshll.u32 s7, $0x1;
	s8 =	sadd.s32 s21, s6  }
0xa4: {  	[timem:s22], [sflag:s9] =	dma.local [hbm:s8], s7  }
0xa5: {  	_ =	swait.ge [sflag:s9], s7  }
0xa6: {  	s7 =	ssub.s32 $0x0, s7;
	[sflag:s9] =	ssyncset.done $0x0  }
0xa7: {  	[sflag:s9] =	ssyncadd.s32 s7;
	_ =	sdelay $0x1  }
0xa8: {  	s23 =	simm.s32 $0x1B8B  }
0xa9: {  	_ =	swait.ge [sflag:s23], $0x1  }
0xaa: {  	[sflag:s23] =	ssyncset.done $0x0  }
0xab: {  	[sflag:s23] =	ssyncadd.s32 $0xFFFFFFFF  }
0xac: {  	s7 =	sld [smem:$0x0]  }
0xad: {  	s8 =	sand.u32 $0xFFFFFFFE, s1  }
0xae: {  	p0 =	sne.s32 s1, s8  }
0xaf: {  	s8 =	sshll.u32 @p0 s8, $0xE  }
0xb0: {  	s8 =	sadd.s32 @p0 $0x11B8D, s8;
	s9 =	sshll.u32 @p0 s7, $0x11  }
0xb1: {  	s8 =	sor.u32 @p0 s9, s8  }
0xb2: {  	[sflag:s8] =	ssyncadd.remote.s32 @p0 $0x1;
	_ =	sdelay $0x1  }
0xb3: {  	s8 =	simm.s32 @p0 $0x1B8D  }
0xb4: {  	_ =	swait.eq @p0 [sflag:s8], $0x1  }
0xb5: {  	[sflag:s8] =	ssyncadd.s32 @p0 $0xFFFFFFFF  }
0xb6: {  	s9 =	sshll.u32 @!p0 s1, $0xE  }
0xb7: {  	s9 =	sor.u32 @!p0 $0x4000, s9;
	s8 =	simm.s32 @!p0 $0x1B8D  }
0xb8: {  	s7 =	sshll.u32 @!p0 s7, $0x11;
	s9 =	sadd.s32 @!p0 $0x11B8D, s9;
	_ =	swait.eq @!p0 [sflag:s8], $0x1  }
0xb9: {  	s7 =	sor.u32 @!p0 s7, s9;
	[sflag:s8] =	ssyncadd.s32 @!p0 $0xFFFFFFFF  }
0xba: {  	s25 =	simm.s32 $0x1B8E;
	s24 =	sld [smem:$0x3FFE];
	[sflag:s7] =	ssyncadd.remote.s32 @!p0 $0x1  }
0xbb: {  	s26 =	simm.s32 $execute0_lowered;
	[smem:$0x3FD2] =	sst s25  }
0xbc: {  	s8 =	sshll.u32 s26, $0x1;
	_ =	strace $0x80000049;
	[dreg:$0x1] =	wrdreg $0xFFFFFFFF  }
0xbd: {  	s28 =	simm.s32 $_size_execute0_lowered;
	s6 =	sadd.s32 s6, s8;
	[dreg:$0x0] =	wrdreg $0x0  }
0xbe: {  	s8 =	sshll.u32 s28, $0x1;
	[dreg:$0x2] =	wrdreg s6  }
0xbf: {  	[dreg:$0x3] =	wrdreg s8  }
0xc0: {  	[dreg:$0x4] =	wrdreg $0xC0  }
0xc1: {  	_ =	task [dreg:s22], $0x5FFFF  }
0xc2: {  	[dreg:$0x1] =	wrdreg $0xFFFFFFFF  }
0xc3: {  	[dreg:$0x0] =	wrdreg $0x60  }
0xc4: {  	[dreg:$0x2] =	wrdreg s17  }
0xc5: {  	[dreg:$0x3] =	wrdreg s24  }
0xc6: {  	[dreg:$0x4] =	wrdreg s2  }
0xc7: {  	[dreg:$0x5] =	wrdreg s16  }
0xc8: {  	[dreg:$0x6] =	wrdreg $0xA  }
0xc9: {  	_ =	task.clear_ibuf [dreg:s22], $0x7FFFF;
	_ =	strace $0x90000049  }
0xca: {  	s29 =	simm.s32 $0xA;
	_ =	strace $0x8000004B  }
0xcb: {  	_ =	swait.ge [sflag:s29], $0x1  }
0xcc: {  	[sflag:s29] =	ssyncadd.s32 $0xFFFFFFFF  }
0xcd: {  	_ =	strace $0x9000004B  }
0xce: {  	_ =	sfence  }
0xcf: {  	s30 =	sld [smem:$0x0];
	_ =	sdelay $0x2  }
0xd0: {  	s31 =	sshll.u32 s1, $0xD;
	s1 =	sshrl.u32 s1, $0x2  }
0xd1: {  	s3 =	sand.u32 $0x4000, s31;
	s1 =	sadd.s32 s1, s30  }
0xd2: {  	s0 =	sor.u32 s3, s0;
	s1 =	sshll.u32 s1, $0x11  }
0xd3: {  	s0 =	sor.u32 s1, s0  }
0xd4: {  	s0 =	sadd.s32 $0x8F2B, s0  }
0xd5: {  	[sflag:s0] =	ssyncadd.remote.s32 $0x1  }
0xd6: {  	_ =	sfence.sel $0xFFFF  }
0xd7: {  	[dreg:$0x0] =	wrdreg $0xFFFFFFFF;
	(pc) =	sbr.abs _section_cstart, $3  }
0xd8: {  	[dreg:$0x1] =	wrdreg $0xFFFFFFFF  }
0xd9: {  	_ =	task.clear_ibuf [dreg:s22], $0x2FFFF;
	_ =	strace $0x9FFFFFFF  }
0xda: {  	(tm) =	ssettm $0x7FFFFFFF  }
0xdb: {  	_ =	shalt  }
tec
execute0_lowered:
.L_overlay_start_1:
0x0: {  	(tag) =	ssettag $0x1  }
0x1: {  	s1 =	rddreg [dreg:$0x0]  }
0x2: {  	s0 =	rddreg [dreg:$0x1]  }
0x3: {  	s3 =	rddreg [dreg:$0x2];
	s2 =	srdreg.scid  }
0x4: {  	s5 =	stileid.u32;
	s4 =	rddreg [dreg:$0x3]  }
0x5: {  	s18 =	simm.s32 $0x3;
	s19 =	simm.s32 $0x200;
	s20 =	simm.s32 $0xC8  }
0x6: {  	s21 =	simm.s32 $0x400;
	s22 =	simm.s32 $0xCC00;
	s28 =	simm.s32 $0x1  }
0x7: {  	s29 =	simm.s32 $0x2;
	s2 =	sand.u32 $0x1, s2;
	s6 =	sshll.u32 s5, $0x1  }
0x8: {  	s30 =	simm.s32 $0x0;
	s5 =	simm.s32 $0x0;
	s9 =	sor.u32 s2, s6  }
0x9: {  	s7 =	sadd.s32 $0x3600, s0;
	s2 =	ssub.s32 $0x2, s2;
	s6 =	smul.u32 $0x1388, s9  }
0xa: {  	[smem:$0x7FF] =	sst s5;
	s10 =	sshrl.u32 s2, $0x1;
	s9 =	smul.u32 $0x9C400, s9  }
0xb: {  	s8 =	sadd.s32 $0x29B800, s0;
	_ =	strace $0x8000004A;
	s23 =	ssub.s32 s2, s10  }
0xc: {  	s24 =	sshrl.u32 s6, $0x3;
	s11 =	sadd.s32 $0x271C8, s6;
	s31 =	sshrl.u32 s9, $0x3  }
0xd: {  	s13 =	sadd.s32 $0xC8, s6;
	s14 =	sadd.s32 $0x27290, s6;
	s15 =	sadd.s32 $0x27358, s6  }
0xe: {  	s17 =	smax.u32 s23, $0x1;
	s23 =	simm.s32 $0x100;
	s2 =	sadd.s32 $0x4E20, s24  }
0xf: {  	s26 =	sshrl.u32 s11, $0x3;
	s24 =	simm.s32 $0x300;
	s25 =	sadd.s32 s3, s2  }
0x10: {  	s2 =	sadd.s32 s4, s2;
	s11 =	sadd.s32 s3, s26;
	s12 =	sadd.s32 s4, s26  }
0x11: {  	s26 =	simm.s32 $0x13000;
	[dreg:$0x6] =	wrdreg s2;
	s2 =	sadd.s32 s8, s31  }
0x12: {  	[dreg:$0x5] =	wrdreg s25;
	s25 =	simm.s32 $0x6800;
	s16 =	sadd.s32 $0x12C00, s2  }
.LBB2_1:
0x13: {  	s0 =	rddreg [dreg:$0x5]  }
0x14: {  	[tilespmem:s5], [sflag:$0x3] =	stream.linear.gather [hbm4b:s0+s5], $0xC8, $0x38;
	[tilespmem:$0x19400] =	vst v63  }
0x15: {  	_ =	swait.ge [sflag:s18], $0xC8  }
0x16: {  	[sflag:s18] =	ssyncset.done $0x0  }
0x17: {  	s10 =	rddreg [dreg:$0x6];
	[sflag:s18] =	ssyncadd.s32 $0xFFFFFF38  }
0x18: {  	[tilespmem:s19], [sflag:$0x3] =	stream.linear.gather [hbm4b:s10+s5], $0xC8, $0x38;
	[tilespmem:$0x19400] =	vst v63  }
0x19: {  	_ =	swait.ge [sflag:s18], $0xC8  }
0x1a: {  	[sflag:s18] =	ssyncset.done $0x0  }
0x1b: {  	[sflag:s18] =	ssyncadd.s32 $0xFFFFFF38  }
0x1c: {  	[tilespmem:s21], [sflag:$0x1] =	stream.indirect.gather [hbm4b:s1+s20], $0x80, s5, s20, $0xb8;
	[tilespmem:$0x19400] =	vst v63  }
0x1d: {  	_ = 	snop  }
0x1e: {  	[tilespmem:s22], [sflag:$0x1] =	stream.indirect.gather [hbm4b:s7+s20], $0x80, s19, s20, $0xb8;
	[tilespmem:$0x19400] =	vst v63  }
0x1f: {  	_ = 	snop  }
0x20: {  	[tilespmem:s23], [sflag:$0x3] =	stream.linear.gather [hbm4b:s11+s5], $0xC8, $0x38;
	[tilespmem:$0x19400] =	vst v63  }
0x21: {  	_ =	swait.ge [sflag:s18], $0xC8  }
0x22: {  	[sflag:s18] =	ssyncset.done $0x0  }
0x23: {  	[sflag:s18] =	ssyncadd.s32 $0xFFFFFF38  }
0x24: {  	[tilespmem:s24], [sflag:$0x3] =	stream.linear.gather [hbm4b:s12+s5], $0xC8, $0x38;
	[tilespmem:$0x19400] =	vst v63  }
0x25: {  	_ =	swait.ge [sflag:s18], $0xC8  }
0x26: {  	[sflag:s18] =	ssyncset.done $0x0  }
0x27: {  	[sflag:s18] =	ssyncadd.s32 $0xFFFFFF38  }
0x28: {  	[tilespmem:s25], [sflag:$0x1] =	stream.indirect.gather [hbm4b:s1+s20], $0x80, s23, s20, $0xb8;
	[tilespmem:$0x19400] =	vst v63  }
0x29: {  	s31 =	simm.s32 $0x0  }
0x2a: {  	[tilespmem:s26], [sflag:$0x1] =	stream.indirect.gather [hbm4b:s7+s20], $0x80, s24, s20, $0xb8;
	[tilespmem:$0x19400] =	vst v63  }
.LBB2_2:
0x2b: {  	_ =	swait.ge [sflag:s28], $0x6400  }
0x2c: {  	[sflag:s28] =	ssyncset.done $0x0  }
0x2d: {  	[sflag:s28] =	ssyncadd.s32 $0xFFFF9C00  }
0x2e: {  	_ =	swait.ge [sflag:s28], $0x6400  }
0x2f: {  	[sflag:s28] =	ssyncset.done $0x0  }
0x30: {  	s0 =	simm.s32 $0x0;
	[sflag:s28] =	ssyncadd.s32 $0xFFFF9C00  }
0x31: {  	v6 =	vld [tilespmem:s0+$0xCC00]  }
0x32: {  	v11 =	vld [tilespmem:s0+$0xCC10]  }
0x33: {  	v5 =	vld [tilespmem:s0+$0xCC20]  }
0x34: {  	v4 =	vld [tilespmem:s0+$0xCC30]  }
0x35: {  	v3 =	vld [tilespmem:s0+$0xCC40]  }
0x36: {  	v2 =	vld [tilespmem:s0+$0xCC50]  }
0x37: {  	v1 =	vld [tilespmem:s0+$0xCC60]  }
0x38: {  	v0 =	vld [tilespmem:s0+$0xCC70]  }
0x39: {  	v12 =	vld [tilespmem:s0+$0x400]  }
0x3a: {  	v13 =	vld [tilespmem:s0+$0x410]  }
0x3b: {  	v10 =	vld [tilespmem:s0+$0x420]  }
0x3c: {  	v9 =	vld [tilespmem:s0+$0x430]  }
0x3d: {  	v8 =	vld [tilespmem:s0+$0x440]  }
0x3e: {  	v7 =	vld [tilespmem:s0+$0x450];
	v12 =	vadd.f32 v6, v12  }
0x3f: {  	s2 =	simm.s32 $0x200;
	v11 =	vadd.f32 v11, v13;
	v6 =	vld [tilespmem:s0+$0x460]  }
.LBB2_3:
0x40: {  	s9 =	sshra.s32 s2, $0x2;
	p0 =	sne.s32 s2, $0x18E00;
	[tilespmem:s0+$0x400] =	vst v12;
	v5 =	vadd.f32 v5, v10;
	v10 =	vld [tilespmem:s0+$0x470]  }
0x41: {  	v12 =	vld [tilespmem:s9+$0xCC00];
	[tilespmem:s0+$0x410] =	vst v11;
	v4 =	vadd.f32 v4, v9  }
0x42: {  	v11 =	vld [tilespmem:s9+$0xCC10];
	[tilespmem:s0+$0x420] =	vst v5;
	v3 =	vadd.f32 v3, v8  }
0x43: {  	v5 =	vld [tilespmem:s9+$0xCC20];
	[tilespmem:s0+$0x430] =	vst v4;
	v2 =	vadd.f32 v2, v7  }
0x44: {  	v4 =	vld [tilespmem:s9+$0xCC30];
	[tilespmem:s0+$0x440] =	vst v3;
	v1 =	vadd.f32 v1, v6  }
0x45: {  	v3 =	vld [tilespmem:s9+$0xCC40];
	[tilespmem:s0+$0x450] =	vst v2;
	v0 =	vadd.f32 v0, v10  }
0x46: {  	v2 =	vld [tilespmem:s9+$0xCC50];
	[tilespmem:s0+$0x460] =	vst v1  }
0x47: {  	v1 =	vld [tilespmem:s9+$0xCC60];
	[tilespmem:s0+$0x470] =	vst v0;
	s0 =	smov.u32 s9  }
0x48: {  	v0 =	vld [tilespmem:s0+$0xCC70]  }
0x49: {  	v6 =	vld [tilespmem:s0+$0x400]  }
0x4a: {  	v13 =	vld [tilespmem:s0+$0x410]  }
.Ltmp0:
0x4b: {  	v10 =	vld [tilespmem:s0+$0x420];
	(pc) =	sbr.rel @p0 .LBB2_3-.Ltmp0, $4  }
0x4c: {  	v9 =	vld [tilespmem:s0+$0x430]  }
0x4d: {  	v8 =	vld [tilespmem:s0+$0x440]  }
0x4e: {  	v12 =	vadd.f32 v12, v6;
	v7 =	vld [tilespmem:s0+$0x450]  }
0x4f: {  	s2 =	sadd.s32 $0x200, s2;
	v11 =	vadd.f32 v11, v13;
	v6 =	vld [tilespmem:s0+$0x460]  }
0x50: {  	[tilespmem:s0+$0x400] =	vst v12;
	v5 =	vadd.f32 v5, v10;
	v10 =	vld [tilespmem:s0+$0x470]  }
0x51: {  	[tilespmem:s0+$0x410] =	vst v11;
	v4 =	vadd.f32 v4, v9  }
0x52: {  	[tilespmem:s0+$0x420] =	vst v5;
	v3 =	vadd.f32 v3, v8  }
0x53: {  	s2 =	smul.u32 $0x190, s31;
	[tilespmem:s0+$0x430] =	vst v4;
	v2 =	vadd.f32 v2, v7  }
0x54: {  	[tilespmem:s0+$0x440] =	vst v3;
	v1 =	vadd.f32 v1, v6  }
0x55: {  	s9 =	sadd.s32 s6, s2;
	[tilespmem:s0+$0x450] =	vst v2;
	v0 =	vadd.f32 v0, v10  }
0x56: {  	s9 =	sshll.u32 s9, $0x4;
	[tilespmem:s0+$0x460] =	vst v1  }
0x57: {  	s10 =	simm.s32 $0x0;
	s9 =	sadd.s32 s8, s9;
	[tilespmem:s0+$0x470] =	vst v0  }
0x58: {  	[hbm4b:s9+s10] =	stream.linear.scatter [tilespmem:s21], [sflag:$0x2], $0x6400, $0x38;
	[tilespmem:$0x19400] =	vst v63  }
0x59: {  	_ =	swait.ge [sflag:s28], $0x6400  }
0x5a: {  	[sflag:s28] =	ssyncset.done $0x0  }
0x5b: {  	[sflag:s28] =	ssyncadd.s32 $0xFFFF9C00  }
0x5c: {  	_ =	swait.ge [sflag:s28], $0x6400  }
0x5d: {  	[sflag:s28] =	ssyncset.done $0x0  }
0x5e: {  	s0 =	simm.s32 $0x0;
	[sflag:s28] =	ssyncadd.s32 $0xFFFF9C00  }
0x5f: {  	v7 =	vld [tilespmem:s0+$0x13000]  }
0x60: {  	v11 =	vld [tilespmem:s0+$0x13010]  }
0x61: {  	v5 =	vld [tilespmem:s0+$0x13020]  }
0x62: {  	v4 =	vld [tilespmem:s0+$0x13030]  }
0x63: {  	v3 =	vld [tilespmem:s0+$0x13040]  }
0x64: {  	v2 =	vld [tilespmem:s0+$0x13050]  }
0x65: {  	v1 =	vld [tilespmem:s0+$0x13060]  }
0x66: {  	v0 =	vld [tilespmem:s0+$0x13070]  }
0x67: {  	v12 =	vld [tilespmem:s0+$0x6800]  }
0x68: {  	v13 =	vld [tilespmem:s0+$0x6810]  }
0x69: {  	v10 =	vld [tilespmem:s0+$0x6820]  }
0x6a: {  	v9 =	vld [tilespmem:s0+$0x6830]  }
0x6b: {  	v8 =	vld [tilespmem:s0+$0x6840]  }
0x6c: {  	v6 =	vld [tilespmem:s0+$0x6850];
	v12 =	vadd.f32 v7, v12  }
0x6d: {  	s9 =	simm.s32 $0x200;
	v11 =	vadd.f32 v11, v13;
	v7 =	vld [tilespmem:s0+$0x6860]  }
.LBB2_5:
0x6e: {  	s10 =	sshra.s32 s9, $0x2;
	p0 =	sne.s32 s9, $0x18E00;
	[tilespmem:s0+$0x6800] =	vst v12;
	v5 =	vadd.f32 v5, v10;
	v10 =	vld [tilespmem:s0+$0x6870]  }
0x6f: {  	v12 =	vld [tilespmem:s10+$0x13000];
	[tilespmem:s0+$0x6810] =	vst v11;
	v4 =	vadd.f32 v4, v9  }
0x70: {  	v11 =	vld [tilespmem:s10+$0x13010];
	[tilespmem:s0+$0x6820] =	vst v5;
	v3 =	vadd.f32 v3, v8  }
0x71: {  	v5 =	vld [tilespmem:s10+$0x13020];
	[tilespmem:s0+$0x6830] =	vst v4;
	v2 =	vadd.f32 v2, v6  }
0x72: {  	v4 =	vld [tilespmem:s10+$0x13030];
	[tilespmem:s0+$0x6840] =	vst v3;
	v1 =	vadd.f32 v1, v7  }
0x73: {  	v3 =	vld [tilespmem:s10+$0x13040];
	[tilespmem:s0+$0x6850] =	vst v2;
	v0 =	vadd.f32 v0, v10  }
0x74: {  	v2 =	vld [tilespmem:s10+$0x13050];
	[tilespmem:s0+$0x6860] =	vst v1  }
0x75: {  	v1 =	vld [tilespmem:s10+$0x13060];
	[tilespmem:s0+$0x6870] =	vst v0;
	s0 =	smov.u32 s10  }
0x76: {  	v0 =	vld [tilespmem:s0+$0x13070]  }
0x77: {  	v6 =	vld [tilespmem:s0+$0x6800]  }
0x78: {  	v7 =	vld [tilespmem:s0+$0x6810]  }
.Ltmp1:
0x79: {  	v10 =	vld [tilespmem:s0+$0x6820];
	(pc) =	sbr.rel @p0 .LBB2_5-.Ltmp1, $4  }
0x7a: {  	v9 =	vld [tilespmem:s0+$0x6830]  }
0x7b: {  	v8 =	vld [tilespmem:s0+$0x6840]  }
0x7c: {  	v12 =	vadd.f32 v12, v6;
	v6 =	vld [tilespmem:s0+$0x6850]  }
0x7d: {  	s9 =	sadd.s32 $0x200, s9;
	v11 =	vadd.f32 v11, v7;
	v7 =	vld [tilespmem:s0+$0x6860]  }
0x7e: {  	[tilespmem:s0+$0x6800] =	vst v12;
	v5 =	vadd.f32 v5, v10;
	v63 =	vld [tilespmem:s0+$0x6870]  }
0x7f: {  	[tilespmem:s0+$0x6810] =	vst v11;
	v4 =	vadd.f32 v4, v9  }
0x80: {  	[tilespmem:s0+$0x6820] =	vst v5;
	v3 =	vadd.f32 v3, v8  }
0x81: {  	[tilespmem:s0+$0x6830] =	vst v4;
	v2 =	vadd.f32 v2, v6  }
0x82: {  	[tilespmem:s0+$0x6840] =	vst v3;
	v1 =	vadd.f32 v1, v7  }
0x83: {  	s9 =	sadd.s32 s2, s13;
	[tilespmem:s0+$0x6850] =	vst v2;
	v0 =	vadd.f32 v0, v63  }
0x84: {  	s9 =	sshll.u32 s9, $0x4;
	[tilespmem:s0+$0x6860] =	vst v1  }
0x85: {  	s10 =	sadd.s32 s8, s9;
	[tilespmem:s0+$0x6870] =	vst v0  }
0x86: {  	[hbm4b:s10+s5] =	stream.linear.scatter [tilespmem:s25], [sflag:$0x2], $0x6400, $0x38;
	[tilespmem:$0x19400] =	vst v63  }
0x87: {  	s9 =	sadd.s32 s2, s14;
	_ =	swait.ge [sflag:s29], $0x6400  }
0x88: {  	s0 =	sshrl.u32 s9, $0x3;
	[sflag:s29] =	ssyncset.done $0x0  }
0x89: {  	s10 =	sadd.s32 s3, s0;
	[sflag:s29] =	ssyncadd.s32 $0xFFFF9C00  }
0x8a: {  	[tilespmem:s5], [sflag:$0x3] =	stream.linear.gather [hbm4b:s10+s5], $0xC8, $0x38;
	[tilespmem:$0x19400] =	vst v63  }
0x8b: {  	_ =	swait.ge [sflag:s18], $0xC8  }
0x8c: {  	[sflag:s18] =	ssyncset.done $0x0  }
0x8d: {  	s0 =	sadd.s32 s4, s0;
	[sflag:s18] =	ssyncadd.s32 $0xFFFFFF38  }
0x8e: {  	[tilespmem:s19], [sflag:$0x3] =	stream.linear.gather [hbm4b:s0+s5], $0xC8, $0x38;
	[tilespmem:$0x19400] =	vst v63  }
0x8f: {  	_ =	swait.ge [sflag:s18], $0xC8  }
0x90: {  	[sflag:s18] =	ssyncset.done $0x0  }
0x91: {  	p0 =	seq.s32 s31, $0xB;
	[sflag:s18] =	ssyncadd.s32 $0xFFFFFF38  }
0x92: {  	[tilespmem:s21], [sflag:$0x1] =	stream.indirect.gather [hbm4b:s1+s20], $0x80, s5, s20, $0xb8;
	[tilespmem:$0x19400] =	vst v63  }
.Ltmp2:
0x93: {  	_ = 	snop;
	(pc) =	sbr.rel @p0 .LBB2_8-.Ltmp2, $4  }
0x94: {  	[tilespmem:s22], [sflag:$0x1] =	stream.indirect.gather [hbm4b:s7+s20], $0x80, s19, s20, $0xb8;
	[tilespmem:$0x19400] =	vst v63  }
0x95: {  	_ =	swait.ge [sflag:s29], $0x6400  }
0x96: {  	[sflag:s29] =	ssyncset.done $0x0  }
0x97: {  	[sflag:s29] =	ssyncadd.s32 $0xFFFF9C00  }
0x98: {  	s0 =	sadd.s32 s2, s15  }
0x99: {  	s0 =	sshrl.u32 s0, $0x3  }
0x9a: {  	s10 =	sadd.s32 s3, s0  }
0x9b: {  	[tilespmem:s23], [sflag:$0x3] =	stream.linear.gather [hbm4b:s10+s5], $0xC8, $0x38;
	[tilespmem:$0x19400] =	vst v63  }
0x9c: {  	_ =	swait.ge [sflag:s18], $0xC8  }
0x9d: {  	[sflag:s18] =	ssyncset.done $0x0  }
0x9e: {  	s0 =	sadd.s32 s4, s0;
	[sflag:s18] =	ssyncadd.s32 $0xFFFFFF38  }
0x9f: {  	[tilespmem:s24], [sflag:$0x3] =	stream.linear.gather [hbm4b:s0+s5], $0xC8, $0x38;
	[tilespmem:$0x19400] =	vst v63  }
0xa0: {  	_ =	swait.ge [sflag:s18], $0xC8  }
.Ltmp3:
0xa1: {  	[sflag:s18] =	ssyncset.done $0x0;
	(pc) =	sbr.rel .LBB2_2-.Ltmp3, $4  }
0xa2: {  	[sflag:s18] =	ssyncadd.s32 $0xFFFFFF38  }
0xa3: {  	[tilespmem:s25], [sflag:$0x1] =	stream.indirect.gather [hbm4b:s1+s20], $0x80, s23, s20, $0xb8;
	[tilespmem:$0x19400] =	vst v63  }
0xa4: {  	s31 =	sadd.s32 $0x1, s31  }
0xa5: {  	[tilespmem:s26], [sflag:$0x1] =	stream.indirect.gather [hbm4b:s7+s20], $0x80, s24, s20, $0xb8;
	[tilespmem:$0x19400] =	vst v63  }
.LBB2_8:
0xa6: {  	_ =	swait.ge [sflag:s28], $0x6400  }
0xa7: {  	[sflag:s28] =	ssyncset.done $0x0  }
0xa8: {  	[sflag:s28] =	ssyncadd.s32 $0xFFFF9C00  }
0xa9: {  	_ =	swait.ge [sflag:s28], $0x6400  }
0xaa: {  	[sflag:s28] =	ssyncset.done $0x0  }
0xab: {  	s0 =	simm.s32 $0x0;
	[sflag:s28] =	ssyncadd.s32 $0xFFFF9C00  }
0xac: {  	v7 =	vld [tilespmem:s0+$0xCC00]  }
0xad: {  	v11 =	vld [tilespmem:s0+$0xCC10]  }
0xae: {  	v5 =	vld [tilespmem:s0+$0xCC20]  }
0xaf: {  	v4 =	vld [tilespmem:s0+$0xCC30]  }
0xb0: {  	v3 =	vld [tilespmem:s0+$0xCC40]  }
0xb1: {  	v2 =	vld [tilespmem:s0+$0xCC50]  }
0xb2: {  	v1 =	vld [tilespmem:s0+$0xCC60]  }
0xb3: {  	v0 =	vld [tilespmem:s0+$0xCC70]  }
0xb4: {  	v12 =	vld [tilespmem:s0+$0x400]  }
0xb5: {  	v13 =	vld [tilespmem:s0+$0x410]  }
0xb6: {  	v10 =	vld [tilespmem:s0+$0x420]  }
0xb7: {  	v9 =	vld [tilespmem:s0+$0x430]  }
0xb8: {  	v8 =	vld [tilespmem:s0+$0x440]  }
0xb9: {  	v6 =	vld [tilespmem:s0+$0x450];
	v12 =	vadd.f32 v7, v12  }
0xba: {  	s2 =	simm.s32 $0x200;
	v11 =	vadd.f32 v11, v13;
	v7 =	vld [tilespmem:s0+$0x460]  }
.LBB2_9:
0xbb: {  	s9 =	sshra.s32 s2, $0x2;
	p0 =	sne.s32 s2, $0x18E00;
	[tilespmem:s0+$0x400] =	vst v12;
	v5 =	vadd.f32 v5, v10;
	v10 =	vld [tilespmem:s0+$0x470]  }
0xbc: {  	v12 =	vld [tilespmem:s9+$0xCC00];
	[tilespmem:s0+$0x410] =	vst v11;
	v4 =	vadd.f32 v4, v9  }
0xbd: {  	v11 =	vld [tilespmem:s9+$0xCC10];
	[tilespmem:s0+$0x420] =	vst v5;
	v3 =	vadd.f32 v3, v8  }
0xbe: {  	v5 =	vld [tilespmem:s9+$0xCC20];
	[tilespmem:s0+$0x430] =	vst v4;
	v2 =	vadd.f32 v2, v6  }
0xbf: {  	v4 =	vld [tilespmem:s9+$0xCC30];
	[tilespmem:s0+$0x440] =	vst v3;
	v1 =	vadd.f32 v1, v7  }
0xc0: {  	v3 =	vld [tilespmem:s9+$0xCC40];
	[tilespmem:s0+$0x450] =	vst v2;
	v0 =	vadd.f32 v0, v10  }
0xc1: {  	v2 =	vld [tilespmem:s9+$0xCC50];
	[tilespmem:s0+$0x460] =	vst v1  }
0xc2: {  	v1 =	vld [tilespmem:s9+$0xCC60];
	[tilespmem:s0+$0x470] =	vst v0;
	s0 =	smov.u32 s9  }
0xc3: {  	v0 =	vld [tilespmem:s0+$0xCC70]  }
0xc4: {  	v6 =	vld [tilespmem:s0+$0x400]  }
0xc5: {  	v7 =	vld [tilespmem:s0+$0x410]  }
.Ltmp4:
0xc6: {  	v10 =	vld [tilespmem:s0+$0x420];
	(pc) =	sbr.rel @p0 .LBB2_9-.Ltmp4, $4  }
0xc7: {  	v9 =	vld [tilespmem:s0+$0x430]  }
0xc8: {  	v8 =	vld [tilespmem:s0+$0x440]  }
0xc9: {  	v12 =	vadd.f32 v12, v6;
	v6 =	vld [tilespmem:s0+$0x450]  }
0xca: {  	s2 =	sadd.s32 $0x200, s2;
	v11 =	vadd.f32 v11, v7;
	v7 =	vld [tilespmem:s0+$0x460]  }
0xcb: {  	[tilespmem:s0+$0x400] =	vst v12;
	v5 =	vadd.f32 v5, v10;
	v63 =	vld [tilespmem:s0+$0x470]  }
0xcc: {  	[tilespmem:s0+$0x410] =	vst v11;
	v4 =	vadd.f32 v4, v9  }
0xcd: {  	[tilespmem:s0+$0x420] =	vst v5;
	v3 =	vadd.f32 v3, v8  }
0xce: {  	[tilespmem:s0+$0x430] =	vst v4;
	v2 =	vadd.f32 v2, v6  }
0xcf: {  	[tilespmem:s0+$0x440] =	vst v3;
	v1 =	vadd.f32 v1, v7  }
0xd0: {  	s30 =	sadd.s32 $0x1, s30;
	[tilespmem:s0+$0x450] =	vst v2;
	v0 =	vadd.f32 v0, v63  }
0xd1: {  	p0 =	sne.s32 s30, s17;
	[tilespmem:s0+$0x460] =	vst v1  }
.Ltmp5:
0xd2: {  	[tilespmem:s0+$0x470] =	vst v0;
	(pc) =	sbr.rel @p0 .LBB2_1-.Ltmp5, $4  }
0xd3: {  	[hbm4b:s16+s5] =	stream.linear.scatter [tilespmem:s21], [sflag:$0x2], $0x6400, $0x38;
	[tilespmem:$0x19400] =	vst v63  }
0xd4: {  	_ =	swait.ge [sflag:s29], $0x6400  }
0xd5: {  	[sflag:s29] =	ssyncset.done $0x0  }
0xd6: {  	[sflag:s29] =	ssyncadd.s32 $0xFFFF9C00  }
0xd7: {  	_ =	sfence.sel $0x180000  }
0xd8: {  	[bflag:$0x0] =	sbarrier.arrive $0xFFFF  }
0xd9: {  	_ =	strace $0x9000004A  }
0xda: {  	s0 =	stileid.u32;
	[bflag:$0x2] =	sbarrier.arrive $0xFFFF  }
0xdb: {  	p0 =	sne.s32 s0, $0x0;
	s0 =	rddreg [dreg:$0x4]  }
0xdc: {  	s0 =	sadd.s32 @!p0 $0x100000, s0  }
0xdd: {  	[sflag:s0] =	ssyncadd.tile.s32 @!p0 $0x1;
	_ =	shalt  }
.Lfunc_end2:
_tile_overlayer_lowered:
.L_overlay_start_2:
0xde: {  	(tag) =	ssettag $0x2  }
0xdf: {  	s0 =	rddreg [dreg:$0x0];
	s2 =	stileid.u32  }
0xe0: {  	s1 =	rddreg [dreg:$0x1];
	p0 =	sne.s32 s2, $0x0  }
0xe1: {  	s3 =	rddreg [dreg:$0x2];
	[bflag:$0x3] =	sbarrier.arrive $0xFFFF;
	s2 =	simm.s32 @!p0 $0x1C03  }
0xe2: {  	[timem:s3], [sflag:s2] =	dma.local @!p0 [hbm:s0], s1  }
0xe3: {  	s0 =	simm.s32 @!p0 $0x3  }
0xe4: {  	_ =	swait.ge @!p0 [sflag:s0], s1  }
0xe5: {  	s1 =	ssub.s32 @!p0 $0x0, s1;
	[sflag:s0] =	ssyncset.done @!p0 $0x0  }
0xe6: {  	[sflag:s0] =	ssyncadd.s32 @!p0 s1  }
0xe7: {  	[bflag:$0x3] =	sbarrier.arrive $0xFFFF  }
0xe8: {  	_ =	shalt  }

// kernel: kernel.15.cloned.1.call-start
scs
__scs_entry_jumppad:
0x0: {  	(pc) =	sbr.rel $0x88, $3  }
0x1: {  	(tag) =	ssettag $0x0;
	lr =	simm.s32 $0x1  }
0x2: {  	[smem:$0x3F95] =	sst lr;
	_ =	strace $0xD0000000  }
0x3: {  	_ = 	snop  }
0x4: {  	_ = 	snop  }
0x5: {  	_ = 	snop  }
0x6: {  	_ = 	snop  }
0x7: {  	_ = 	snop  }
__scs_overlays_trampoline_lowered:
0x8: {  	[smem:$0x3FA4] =	sst s0  }
0x9: {  	[smem:$0x3FA5] =	sst s1  }
0xa: {  	[smem:$0x3FA6] =	sst s2  }
0xb: {  	[smem:$0x3FA7] =	sst s3  }
0xc: {  	[smem:$0x3FA8] =	sst s4  }
0xd: {  	[smem:$0x3FA9] =	sst s5  }
0xe: {  	[smem:$0x3FAA] =	sst s6  }
0xf: {  	[smem:$0x3FAB] =	sst s7  }
0x10: {  	[smem:$0x3FAC] =	sst s8  }
0x11: {  	[smem:$0x3FAD] =	sst s9;
	s0 =	simm.s32 @!p0 $0x0  }
0x12: {  	s1 =	sld [smem:$0x3F93];
	s0 =	simm.s32 @p0 $0x1  }
0x13: {  	[smem:$0x3FAE] =	sst s0;
	s0 =	simm.s32 @!p1 $0x0  }
0x14: {  	s2 =	sld [smem:$0x3F92];
	s0 =	simm.s32 @p1 $0x1  }
0x15: {  	[smem:$0x3FAF] =	sst s0;
	s0 =	simm.s32 @!p2 $0x0  }
0x16: {  	s3 =	sld [smem:$0x3FDB];
	s0 =	simm.s32 @p2 $0x1  }
0x17: {  	s4 =	simm.s32 $0x1BF5;
	[smem:$0x3FB1] =	sst s0  }
0x18: {  	s0 =	sld [smem:$0x3F94];
	_ =	swait.ge [sflag:s4], $0x0  }
0x19: {  	s7 =	sld [smem:$0x3F95]  }
0x1a: {  	s8 =	sadd.s32 $0xFFFFE003, lr  }
0x1b: {  	s9 =	sadd.s32 $0xFFFFFEF7, lr;
	s5 =	simm.s32 $0xFFFFFFFF;
	p2 =	slt.u32 s8, $0xFFFFF086  }
0x1c: {  	p1 =	slt.u32 s9, $0xF7A;
	s5 =	simm.s32 @!p2 $0x0  }
0x1d: {  	s5 =	simm.s32 @p1 $0x1;
	p0 =	seq.s32 s7, s2  }
0x1e: {  	s7 =	smul.u32 @!p0 $0xF7A, s2;
	p2 =	seq.s32 @!p0 s5, $0x0  }
0x1f: {  	s9 =	smul.u32 $0xF7A, s1;
	s8 =	simm.s32 @!p0 $0x1BF5;
	p2 =	por !p2, p0  }
0x20: {  	[sflag:s8] =	ssyncset.s32 @!p0 $0xFFFFF086;
	s6 =	sadd.s32 @!p0 s3, s7;
	s7 =	simm.s32 @!p0 $0x108  }
0x21: {  	s3 =	sadd.s32 s3, s9;
	s6 =	sadd.s32 @!p0 $0x88, s6;
	s7 =	simm.s32 @p2 $0x1082  }
0x22: {  	[simem:s7], [sflag:s8] =	dma.local @!p0 [hbm:s6], $0xF7A  }
0x23: {  	s9 =	sor.u32 $0xD0000000, s2;
	s6 =	simm.s32 $0x108;
	_ =	swait.ge @!p0 [sflag:s8], $0x0  }
0x24: {  	s3 =	sadd.s32 $0x88, s3;
	s6 =	simm.s32 @!p1 $0x1082;
	[sflag:s4] =	ssyncset.s32 $0xFFFFF086  }
0x25: {  	[simem:s6], [sflag:s4] =	dma.local [hbm:s3], $0xF7A  }
0x26: {  	[smem:$0x3F95] =	sst s1;
	(tag) =	ssettag s2;
	_ =	strace s9  }
0x27: {  	s1 =	sld [smem:$0x3FA5]  }
0x28: {  	s2 =	sld [smem:$0x3FA6]  }
0x29: {  	s4 =	sld [smem:$0x3FA8]  }
0x2a: {  	p0 =	seq.s32 s5, $0x0;
	s5 =	sld [smem:$0x3FA9]  }
0x2b: {  	s6 =	sld [smem:$0x3FAA]  }
0x2c: {  	s7 =	sld [smem:$0x3FAB]  }
0x2d: {  	s3 =	simm.s32 $0x108;
	s8 =	sld [smem:$0x3FAC]  }
0x2e: {  	s3 =	simm.s32 @!p0 $0x1082;
	s9 =	sld [smem:$0x3FAD]  }
0x2f: {  	lr =	sadd.s32 s0, s3;
	s0 =	sld [smem:$0x3FA4]  }
0x30: {  	s3 =	sld [smem:$0x3FA7]  }
0x31: {  	[smem:$0x3FB0] =	sst s10  }
0x32: {  	s10 =	sld [smem:$0x3FAE];
	_ =	sdelay $0x3  }
0x33: {  	p0 =	seq.s32 s10, $0x1;
	s10 =	sld [smem:$0x3FB0];
	_ =	sdelay $0x3  }
0x34: {  	[smem:$0x3FB0] =	sst s10  }
0x35: {  	s10 =	sld [smem:$0x3FAF];
	_ =	sdelay $0x3  }
0x36: {  	p1 =	seq.s32 s10, $0x1;
	s10 =	sld [smem:$0x3FB0];
	_ =	sdelay $0x3  }
0x37: {  	[smem:$0x3FB0] =	sst s10  }
0x38: {  	s10 =	sld [smem:$0x3FB1]  }
0x39: {  	_ = 	snop;
	(pc) =	sbr.ind lr, $3  }
0x3a: {  	_ = 	snop  }
0x3b: {  	_ = 	snop  }
0x3c: {  	p2 =	seq.s32 s10, $0x1;
	s10 =	sld [smem:$0x3FB0]  }
0x3d: {  	_ =	shalt  }
0x3e: {  	_ =	shalt  }
0x3f: {  	_ =	shalt  }
0x40: {  	_ =	shalt  }
0x41: {  	_ =	shalt  }
0x42: {  	_ =	shalt  }
0x43: {  	_ =	shalt  }
0x44: {  	_ =	shalt  }
0x45: {  	_ =	shalt  }
0x46: {  	_ =	shalt  }
0x47: {  	_ =	shalt  }
0x48: {  	_ =	shalt  }
0x49: {  	_ =	shalt  }
0x4a: {  	_ =	shalt  }
0x4b: {  	_ =	shalt  }
0x4c: {  	_ =	shalt  }
0x4d: {  	_ =	shalt  }
0x4e: {  	_ =	shalt  }
0x4f: {  	_ =	shalt  }
0x50: {  	_ =	shalt  }
0x51: {  	_ =	shalt  }
0x52: {  	_ =	shalt  }
0x53: {  	_ =	shalt  }
0x54: {  	_ =	shalt  }
0x55: {  	_ =	shalt  }
0x56: {  	_ =	shalt  }
0x57: {  	_ =	shalt  }
0x58: {  	_ =	shalt  }
0x59: {  	_ =	shalt  }
0x5a: {  	_ =	shalt  }
0x5b: {  	_ =	shalt  }
0x5c: {  	_ =	shalt  }
0x5d: {  	_ =	shalt  }
0x5e: {  	_ =	shalt  }
0x5f: {  	_ =	shalt  }
0x60: {  	_ =	shalt  }
0x61: {  	_ =	shalt  }
0x62: {  	_ =	shalt  }
0x63: {  	_ =	shalt  }
0x64: {  	_ =	shalt  }
0x65: {  	_ =	shalt  }
0x66: {  	_ =	shalt  }
0x67: {  	_ =	shalt  }
0x68: {  	_ =	shalt  }
0x69: {  	_ =	shalt  }
0x6a: {  	_ =	shalt  }
0x6b: {  	_ =	shalt  }
0x6c: {  	_ =	shalt  }
0x6d: {  	_ =	shalt  }
0x6e: {  	_ =	shalt  }
0x6f: {  	_ =	shalt  }
0x70: {  	_ =	shalt  }
0x71: {  	_ =	shalt  }
0x72: {  	_ =	shalt  }
0x73: {  	_ =	shalt  }
0x74: {  	_ =	shalt  }
0x75: {  	_ =	shalt  }
0x76: {  	_ =	shalt  }
0x77: {  	_ =	shalt  }
0x78: {  	_ =	shalt  }
0x79: {  	_ =	shalt  }
0x7a: {  	_ =	shalt  }
0x7b: {  	_ =	shalt  }
0x7c: {  	_ =	shalt  }
0x7d: {  	_ =	shalt  }
0x7e: {  	_ =	shalt  }
0x7f: {  	_ =	shalt  }
0x80: {  	_ =	shalt  }
0x81: {  	_ =	shalt  }
0x82: {  	_ =	shalt  }
0x83: {  	_ =	shalt  }
0x84: {  	_ =	shalt  }
0x85: {  	_ =	shalt  }
0x86: {  	_ =	shalt  }
0x87: {  	_ =	shalt  }
.Lfunc_end0:
.L_simem_size_0:
called_computation.2_lowered:
.L_overlay_start_0:
0x88: {  	s2 =	sld [smem:$0x3FD9]  }
0x89: {  	s3 =	sld [smem:$0x3FFE];
	_ =	sdelay $0x1  }
0x8a: {  	s1 =	srdreg.scid  }
0x8b: {  	s0 =	sand.u32 $0x1, s1  }
0x8c: {  	s14 =	sshll.u32 s0, $0xA;
	s2 =	sadd.s32 s3, s2  }
0x8d: {  	s2 =	sadd.s32 s2, s14  }
0x8e: {  	[smem:$0x3FBC] =	sst s2  }
0x8f: {  	_ = 	snop  }
0x90: {  	s2 =	sld [smem:$0x3FD0];
	_ =	sdelay $0x2  }
0x91: {  	s4 =	simm.s32 $0xB;
	s5 =	simm.s32 $0x10;
	s15 =	sld [smem:$0x3FBE]  }
0x92: {  	[smem:s5], [sflag:s4] =	dma.local [hbm:s2], $0x1  }
0x93: {  	_ =	swait.eq [sflag:s4], $0x1  }
0x94: {  	[sflag:s4] =	ssyncset.done $0x0  }
0x95: {  	[sflag:s4] =	ssyncadd.s32 $0xFFFFFFFF  }
0x96: {  	s16 =	sld [smem:$0x11];
	(tm) =	ssettm $0x1  }
0x97: {  	s17 =	sld [smem:$0x3FFB];
	_ =	sdelay $0x3  }
0x98: {  	_ =	strace s17  }
0x99: {  	s4 =	sld [smem:$0x3FFC];
	_ =	sdelay $0x3  }
0x9a: {  	_ =	strace s4  }
0x9b: {  	s4 =	sld [smem:$0x3FFD];
	_ =	sdelay $0x3  }
0x9c: {  	_ =	strace s4  }
0x9d: {  	_ =	strace $0x8FFFFFFF  }
0x9e: {  	s18 =	sld [smem:$0x3FDB];
	_ =	sdelay $0x1  }
0x9f: {  	s19 =	simm.s32 $_scs_section_size  }
0xa0: {  	s6 =	simm.s32 $_size__tile_overlayer_lowered;
	s7 =	simm.s32 $_tile_overlayer_lowered  }
0xa1: {  	s22 =	simm.s32 $0x1BFF;
	s21 =	sshll.u32 s7, $0x1;
	s4 =	sadd.s32 s19, s18  }
0xa2: {  	s8 =	simm.s32 $0x0;
	s20 =	sshll.u32 s6, $0x1;
	s6 =	sadd.s32 s21, s4  }
0xa3: {  	[timem:s8], [sflag:s22] =	dma.local [hbm:s6], s20  }
0xa4: {  	_ =	swait.ge [sflag:s22], s20  }
0xa5: {  	s5 =	ssub.s32 $0x0, s20;
	[sflag:s22] =	ssyncset.done $0x0  }
0xa6: {  	[sflag:s22] =	ssyncadd.s32 s5;
	_ =	sdelay $0x1  }
0xa7: {  	s23 =	simm.s32 $0x1B8B  }
0xa8: {  	_ =	swait.ge [sflag:s23], $0x1  }
0xa9: {  	[sflag:s23] =	ssyncset.done $0x0  }
0xaa: {  	s25 =	simm.s32 $0x1B8E;
	s24 =	sld [smem:$0x3FFE];
	[sflag:s23] =	ssyncadd.s32 $0xFFFFFFFF  }
0xab: {  	s26 =	simm.s32 $execute0_lowered;
	[smem:$0x3FD2] =	sst s25  }
0xac: {  	s6 =	sshll.u32 s26, $0x1;
	_ =	strace $0x8000004C;
	[dreg:$0x1] =	wrdreg $0xFFFFFFFF  }
0xad: {  	s28 =	simm.s32 $_size_execute0_lowered;
	s4 =	sadd.s32 s4, s6;
	[dreg:$0x0] =	wrdreg $0x0  }
0xae: {  	s6 =	sshll.u32 s28, $0x1;
	[dreg:$0x2] =	wrdreg s4  }
0xaf: {  	[dreg:$0x3] =	wrdreg s6  }
0xb0: {  	[dreg:$0x4] =	wrdreg $0xC0  }
0xb1: {  	_ =	task [dreg:s8], $0x5FFFF  }
0xb2: {  	[dreg:$0x1] =	wrdreg $0xFFFFFFFF  }
0xb3: {  	[dreg:$0x0] =	wrdreg $0x60  }
0xb4: {  	[dreg:$0x2] =	wrdreg s16  }
0xb5: {  	[dreg:$0x3] =	wrdreg s15  }
0xb6: {  	[dreg:$0x4] =	wrdreg s24  }
0xb7: {  	[dreg:$0x5] =	wrdreg $0x0  }
0xb8: {  	[dreg:$0x6] =	wrdreg $0x9  }
0xb9: {  	_ =	task.clear_ibuf [dreg:s8], $0x7FFFF;
	_ =	strace $0x9000004C  }
0xba: {  	s29 =	simm.s32 $0x9;
	_ =	strace $0x8000004E  }
0xbb: {  	_ =	swait.ge [sflag:s29], $0x1  }
0xbc: {  	[sflag:s29] =	ssyncadd.s32 $0xFFFFFFFF  }
0xbd: {  	_ =	strace $0x9000004E  }
0xbe: {  	_ =	sfence  }
0xbf: {  	s30 =	sld [smem:$0x0];
	_ =	sdelay $0x2  }
0xc0: {  	s31 =	sshll.u32 s1, $0xD;
	s1 =	sshrl.u32 s1, $0x2  }
0xc1: {  	s3 =	sand.u32 $0x4000, s31;
	s1 =	sadd.s32 s1, s30  }
0xc2: {  	s0 =	sor.u32 s3, s0;
	s1 =	sshll.u32 s1, $0x11  }
0xc3: {  	s0 =	sor.u32 s1, s0  }
0xc4: {  	s0 =	sadd.s32 $0x8F2B, s0  }
0xc5: {  	[sflag:s0] =	ssyncadd.remote.s32 $0x1  }
0xc6: {  	_ =	sfence.sel $0xFFFF  }
0xc7: {  	[dreg:$0x0] =	wrdreg $0xFFFFFFFF;
	(pc) =	sbr.abs _section_cstart, $3  }
0xc8: {  	[dreg:$0x1] =	wrdreg $0xFFFFFFFF  }
0xc9: {  	_ =	task.clear_ibuf [dreg:s8], $0x2FFFF;
	_ =	strace $0x9FFFFFFF  }
0xca: {  	(tm) =	ssettm $0x7FFFFFFF  }
0xcb: {  	_ =	shalt  }
tec
execute0_lowered:
.L_overlay_start_1:
0x0: {  	(tag) =	ssettag $0x1  }
0x1: {  	s0 =	rddreg [dreg:$0x0]  }
0x2: {  	s2 =	rddreg [dreg:$0x1]  }
0x3: {  	s5 =	rddreg [dreg:$0x2];
	s1 =	stileid.u32  }
0x4: {  	s3 =	rddreg [dreg:$0x3];
	s6 =	smul.u32 $0x2780, s1  }
0x5: {  	s4 =	simm.s32 $0x0;
	s7 =	srdreg.scid;
	s20 =	smul.u32 $0x4F000, s1  }
0x6: {  	s19 =	simm.s32 $0x52600;
	s28 =	simm.s32 $0x0;
	s11 =	smul.u32 $0x2710, s1  }
0x7: {  	[smem:$0x7FF] =	sst s4;
	s12 =	sand.u32 $0x1, s7;
	s30 =	smul.u32 $0x27100, s1  }
0x8: {  	s21 =	sshll.u32 s1, $0x6;
	_ =	strace $0x8000004D;
	s9 =	smul.u32 $0x27100, s12  }
0x9: {  	s8 =	ssub.s32 $0x2, s12;
	p0 =	seq.s32 s12, $0x1;
	s18 =	smul.u32 $0x271000, s12  }
0xa: {  	s10 =	sshrl.u32 s8, $0x1;
	s7 =	sshrl.u32 s20, $0x2;
	s14 =	sadd.s32 s6, s5  }
0xb: {  	s6 =	sor.u32 $0x1C03, s21;
	s19 =	simm.s32 @!p0 $0x2AE00;
	s20 =	simm.s32 $0x13C00  }
0xc: {  	s21 =	simm.s32 $0x13D00;
	s13 =	ssub.s32 s8, s10;
	s15 =	sadd.s32 s7, s3  }
0xd: {  	s5 =	sadd.s32 $0x3600, s14;
	s17 =	sadd.s32 s11, s9;
	s14 =	sadd.s32 s19, s14  }
0xe: {  	s19 =	simm.s32 $0x3;
	[dreg:$0x5] =	wrdreg s5;
	s22 =	sshrl.u32 s17, $0x3  }
0xf: {  	s23 =	sadd.s32 $0x50, s17;
	s24 =	sshll.u32 s17, $0x4;
	s16 =	sadd.s32 $0x26C0, s17  }
0x10: {  	s11 =	smax.u32 s13, $0x1;
	s31 =	sadd.s32 $0xF0, s17;
	s17 =	sadd.s32 $0xA0, s17  }
0x11: {  	s7 =	sadd.s32 s2, s22;
	s25 =	sshrl.u32 s23, $0x3;
	s8 =	sadd.s32 s0, s24  }
0x12: {  	s10 =	sshll.u32 s23, $0x4;
	s26 =	sshrl.u32 s16, $0x3;
	s29 =	sshll.u32 s16, $0x4  }
0x13: {  	s16 =	sshrl.u32 s31, $0x3;
	s22 =	simm.s32 $0x13C80;
	s23 =	simm.s32 $0x16500  }
0x14: {  	s24 =	simm.s32 $0x1;
	s9 =	sadd.s32 s2, s25;
	s10 =	sadd.s32 s0, s10  }
0x15: {  	s12 =	sadd.s32 s2, s26;
	s13 =	sadd.s32 s0, s29;
	s0 =	sadd.s32 s18, s0  }
0x16: {  	s16 =	sadd.s32 s16, s2;
	s18 =	sshrl.u32 s15, $0x3;
	s0 =	sadd.s32 s30, s0  }
0x17: {  	s25 =	simm.s32 $0x50;
	s26 =	simm.s32 $0x2;
	s0 =	sadd.s32 $0xF00, s0  }
.LBB2_1:
0x18: {  	s1 =	rddreg [dreg:$0x5]  }
0x19: {  	[spmem:s18], [sflag:s6] =	dma.local [hbm:s1], $0x2780  }
0x1a: {  	_ =	swait.ge [sflag:s19], $0x2780  }
0x1b: {  	[sflag:s19] =	ssyncset.done $0x0  }
0x1c: {  	[sflag:s19] =	ssyncadd.s32 $0xFFFFD880  }
0x1d: {  	[bflag:$0x0] =	sbarrier.arrive $0xFFFF  }
0x1e: {  	[tilespmem:s20], [sflag:$0x1] =	stream.linear.gather [hbm4b:s7+s4], $0x50, $0x38;
	[tilespmem:$0x18D00] =	vst v63  }
0x1f: {  	_ = 	snop  }
0x20: {  	[tilespmem:s21], [sflag:$0x1] =	stream.linear.gather [hbm4b:s8+s4], $0x2800, $0x38;
	[tilespmem:$0x18D00] =	vst v63  }
0x21: {  	_ = 	snop  }
0x22: {  	[tilespmem:s22], [sflag:$0x1] =	stream.linear.gather [hbm4b:s9+s4], $0x50, $0x38;
	[tilespmem:$0x18D00] =	vst v63  }
0x23: {  	_ = 	snop  }
0x24: {  	[tilespmem:s23], [sflag:$0x1] =	stream.linear.gather [hbm4b:s10+s4], $0x2800, $0x38;
	[tilespmem:$0x18D00] =	vst v63  }
0x25: {  	_ =	swait.ge [sflag:s24], $0x50  }
0x26: {  	[sflag:s24] =	ssyncset.done $0x0  }
0x27: {  	[sflag:s24] =	ssyncadd.s32 $0xFFFFFFB0  }
0x28: {  	_ =	swait.ge [sflag:s24], $0x2800  }
0x29: {  	[sflag:s24] =	ssyncset.done $0x0  }
0x2a: {  	[sflag:s24] =	ssyncadd.s32 $0xFFFFD800  }
0x2b: {  	[spmem:s3] =	stream.indirect.scatter.add.f32 [tilespmem:s21], [sflag:$0x2], $0x80, s20, s25, $0xb8;
	[tilespmem:$0x18D00] =	vst v63  }
0x2c: {  	_ =	swait.ge [sflag:s24], $0x50  }
0x2d: {  	[sflag:s24] =	ssyncset.done $0x0  }
0x2e: {  	[sflag:s24] =	ssyncadd.s32 $0xFFFFFFB0  }
0x2f: {  	_ =	swait.ge [sflag:s24], $0x2800  }
0x30: {  	[sflag:s24] =	ssyncset.done $0x0  }
0x31: {  	[sflag:s24] =	ssyncadd.s32 $0xFFFFD800  }
0x32: {  	[spmem:s3] =	stream.indirect.scatter.add.f32 [tilespmem:s23], [sflag:$0x2], $0x80, s22, s25, $0xb8;
	[tilespmem:$0x18D00] =	vst v63  }
0x33: {  	_ =	swait.ge [sflag:s26], $0x2800  }
0x34: {  	s15 =	sshrl.u32 s17, $0x3;
	[sflag:s26] =	ssyncset.done $0x0  }
0x35: {  	s15 =	sadd.s32 s2, s15;
	[sflag:s26] =	ssyncadd.s32 $0xFFFFD800  }
0x36: {  	[tilespmem:s20], [sflag:$0x1] =	stream.linear.gather [hbm4b:s15+s4], $0x50, $0x38;
	[tilespmem:$0x18D00] =	vst v63  }
0x37: {  	s1 =	sadd.s32 $0xFFFFFB00, s0  }
0x38: {  	[tilespmem:s21], [sflag:$0x1] =	stream.linear.gather [hbm4b:s1+s4], $0x2800, $0x38;
	[tilespmem:$0x18D00] =	vst v63  }
0x39: {  	s5 =	sadd.s32 $0x0, s16;
	_ =	swait.ge [sflag:s26], $0x2800  }
0x3a: {  	s29 =	simm.s32 $0x14;
	s30 =	sadd.s32 $0xA00, s0;
	[sflag:s26] =	ssyncset.done $0x0  }
0x3b: {  	s31 =	sadd.s32 $0xA0, s17;
	s15 =	smov.u32 s0;
	[sflag:s26] =	ssyncadd.s32 $0xFFFFD800  }
0x3c: {  	[tilespmem:s22], [sflag:$0x1] =	stream.linear.gather [hbm4b:s5+s4], $0x50, $0x38;
	[tilespmem:$0x18D00] =	vst v63  }
.LBB2_2:
0x3d: {  	[tilespmem:s23], [sflag:$0x1] =	stream.linear.gather [hbm4b:s15+s4], $0x2800, $0x38;
	[tilespmem:$0x18D00] =	vst v63  }
0x3e: {  	s1 =	smov.u32 s29;
	s15 =	smov.u32 s30  }
0x3f: {  	p0 =	sne.s32 s29, $0x4B0;
	s29 =	sadd.s32 $0x14, s29;
	_ =	swait.ge [sflag:s24], $0x50  }
0x40: {  	[sflag:s24] =	ssyncset.done $0x0  }
0x41: {  	[sflag:s24] =	ssyncadd.s32 $0xFFFFFFB0  }
0x42: {  	_ =	swait.ge [sflag:s24], $0x2800  }
0x43: {  	[sflag:s24] =	ssyncset.done $0x0  }
0x44: {  	[sflag:s24] =	ssyncadd.s32 $0xFFFFD800  }
0x45: {  	[spmem:s3] =	stream.indirect.scatter.add.f32 [tilespmem:s21], [sflag:$0x2], $0x80, s20, s25, $0xb8;
	[tilespmem:$0x18D00] =	vst v63  }
0x46: {  	_ =	swait.ge [sflag:s24], $0x50  }
0x47: {  	[sflag:s24] =	ssyncset.done $0x0  }
0x48: {  	[sflag:s24] =	ssyncadd.s32 $0xFFFFFFB0  }
0x49: {  	_ =	swait.ge [sflag:s24], $0x2800  }
0x4a: {  	[sflag:s24] =	ssyncset.done $0x0  }
0x4b: {  	[sflag:s24] =	ssyncadd.s32 $0xFFFFD800  }
0x4c: {  	[spmem:s3] =	stream.indirect.scatter.add.f32 [tilespmem:s23], [sflag:$0x2], $0x80, s22, s25, $0xb8;
	[tilespmem:$0x18D00] =	vst v63  }
0x4d: {  	_ =	swait.ge [sflag:s26], $0x2800  }
0x4e: {  	s5 =	sshrl.u32 s31, $0x3;
	[sflag:s26] =	ssyncset.done $0x0  }
0x4f: {  	s5 =	sadd.s32 s2, s5;
	[sflag:s26] =	ssyncadd.s32 $0xFFFFD800  }
0x50: {  	[tilespmem:s20], [sflag:$0x1] =	stream.linear.gather [hbm4b:s5+s4], $0x50, $0x38;
	[tilespmem:$0x18D00] =	vst v63  }
0x51: {  	s5 =	sadd.s32 $0xFFFFFB00, s30  }
0x52: {  	[tilespmem:s21], [sflag:$0x1] =	stream.linear.gather [hbm4b:s5+s4], $0x2800, $0x38;
	[tilespmem:$0x18D00] =	vst v63  }
.Ltmp0:
0x53: {  	_ =	swait.ge [sflag:s26], $0x2800;
	(pc) =	sbr.rel @p0 .LBB2_2-.Ltmp0, $4  }
0x54: {  	[sflag:s26] =	ssyncset.done $0x0  }
0x55: {  	s1 =	sadd.s32 s1, s16;
	[sflag:s26] =	ssyncadd.s32 $0xFFFFD800  }
0x56: {  	[tilespmem:s22], [sflag:$0x1] =	stream.linear.gather [hbm4b:s1+s4], $0x50, $0x38;
	[tilespmem:$0x18D00] =	vst v63  }
0x57: {  	s31 =	sadd.s32 $0xA0, s31;
	s30 =	sadd.s32 $0xA00, s30  }
0x58: {  	[tilespmem:s23], [sflag:$0x1] =	stream.linear.gather [hbm4b:s15+s4], $0x2800, $0x38;
	[tilespmem:$0x18D00] =	vst v63  }
0x59: {  	_ =	swait.ge [sflag:s24], $0x50  }
0x5a: {  	[sflag:s24] =	ssyncset.done $0x0  }
0x5b: {  	[sflag:s24] =	ssyncadd.s32 $0xFFFFFFB0  }
0x5c: {  	_ =	swait.ge [sflag:s24], $0x2800  }
0x5d: {  	[sflag:s24] =	ssyncset.done $0x0  }
0x5e: {  	[sflag:s24] =	ssyncadd.s32 $0xFFFFD800  }
0x5f: {  	[spmem:s3] =	stream.indirect.scatter.add.f32 [tilespmem:s21], [sflag:$0x2], $0x80, s20, s25, $0xb8;
	[tilespmem:$0x18D00] =	vst v63  }
0x60: {  	_ =	swait.ge [sflag:s24], $0x50  }
0x61: {  	[sflag:s24] =	ssyncset.done $0x0  }
0x62: {  	[sflag:s24] =	ssyncadd.s32 $0xFFFFFFB0  }
0x63: {  	_ =	swait.ge [sflag:s24], $0x2800  }
0x64: {  	[sflag:s24] =	ssyncset.done $0x0  }
0x65: {  	[sflag:s24] =	ssyncadd.s32 $0xFFFFD800  }
0x66: {  	[spmem:s3] =	stream.indirect.scatter.add.f32 [tilespmem:s23], [sflag:$0x2], $0x80, s22, s25, $0xb8;
	[tilespmem:$0x18D00] =	vst v63  }
0x67: {  	_ =	swait.ge [sflag:s26], $0x2800  }
0x68: {  	[sflag:s26] =	ssyncset.done $0x0  }
0x69: {  	[sflag:s26] =	ssyncadd.s32 $0xFFFFD800  }
0x6a: {  	[tilespmem:s20], [sflag:$0x1] =	stream.linear.gather [hbm4b:s12+s4], $0x50, $0x38;
	[tilespmem:$0x18D00] =	vst v63  }
0x6b: {  	_ = 	snop  }
0x6c: {  	[tilespmem:s21], [sflag:$0x1] =	stream.linear.gather [hbm4b:s13+s4], $0x2800, $0x38;
	[tilespmem:$0x18D00] =	vst v63  }
0x6d: {  	_ =	swait.ge [sflag:s26], $0x2800  }
0x6e: {  	[sflag:s26] =	ssyncset.done $0x0  }
0x6f: {  	[sflag:s26] =	ssyncadd.s32 $0xFFFFD800  }
0x70: {  	_ =	swait.ge [sflag:s24], $0x50  }
0x71: {  	[sflag:s24] =	ssyncset.done $0x0  }
0x72: {  	[sflag:s24] =	ssyncadd.s32 $0xFFFFFFB0  }
0x73: {  	_ =	swait.ge [sflag:s24], $0x2800  }
0x74: {  	[sflag:s24] =	ssyncset.done $0x0  }
0x75: {  	[sflag:s24] =	ssyncadd.s32 $0xFFFFD800  }
0x76: {  	[spmem:s3] =	stream.indirect.scatter.add.f32 [tilespmem:s21], [sflag:$0x2], $0x80, s20, s25, $0xb8;
	[tilespmem:$0x18D00] =	vst v63  }
0x77: {  	_ =	swait.ge [sflag:s26], $0x2800  }
0x78: {  	s28 =	sadd.s32 $0x1, s28;
	[sflag:s26] =	ssyncset.done $0x0  }
0x79: {  	p0 =	sne.s32 s28, s11;
	[sflag:s26] =	ssyncadd.s32 $0xFFFFD800  }
.Ltmp1:
0x7a: {  	[bflag:$0x0] =	sbarrier.arrive $0xFFFF;
	(pc) =	sbr.rel @p0 .LBB2_1-.Ltmp1, $4  }
0x7b: {  	[hbm:s14], [sflag:s6] =	dma.local [spmem:s18], $0x2780  }
0x7c: {  	_ =	swait.ge [sflag:s19], $0x2780  }
0x7d: {  	[sflag:s19] =	ssyncset.done $0x0  }
0x7e: {  	[sflag:s19] =	ssyncadd.s32 $0xFFFFD880  }
0x7f: {  	_ =	sfence.sel $0x180000  }
0x80: {  	[bflag:$0x0] =	sbarrier.arrive $0xFFFF  }
0x81: {  	_ =	strace $0x9000004D  }
0x82: {  	s0 =	stileid.u32;
	[bflag:$0x2] =	sbarrier.arrive $0xFFFF  }
0x83: {  	p0 =	sne.s32 s0, $0x0;
	s0 =	rddreg [dreg:$0x4]  }
0x84: {  	s0 =	sadd.s32 @!p0 $0x100000, s0  }
0x85: {  	[sflag:s0] =	ssyncadd.tile.s32 @!p0 $0x1;
	_ =	shalt  }
.Lfunc_end2:
_tile_overlayer_lowered:
.L_overlay_start_2:
0x86: {  	(tag) =	ssettag $0x2  }
0x87: {  	s0 =	rddreg [dreg:$0x0];
	s2 =	stileid.u32  }
0x88: {  	s1 =	rddreg [dreg:$0x1];
	p0 =	sne.s32 s2, $0x0  }
0x89: {  	s3 =	rddreg [dreg:$0x2];
	[bflag:$0x3] =	sbarrier.arrive $0xFFFF;
	s2 =	simm.s32 @!p0 $0x1C03  }
0x8a: {  	[timem:s3], [sflag:s2] =	dma.local @!p0 [hbm:s0], s1  }
0x8b: {  	s0 =	simm.s32 @!p0 $0x3  }
0x8c: {  	_ =	swait.ge @!p0 [sflag:s0], s1  }
0x8d: {  	s1 =	ssub.s32 @!p0 $0x0, s1;
	[sflag:s0] =	ssyncset.done @!p0 $0x0  }
0x8e: {  	[sflag:s0] =	ssyncadd.s32 @!p0 s1  }
0x8f: {  	[bflag:$0x3] =	sbarrier.arrive $0xFFFF  }
0x90: {  	_ =	shalt  }

// kernel: kernel.9.cloned.1.call-start
scs
__scs_entry_jumppad:
0x0: {  	(pc) =	sbr.rel $0x88, $3  }
0x1: {  	(tag) =	ssettag $0x0;
	lr =	simm.s32 $0x1  }
0x2: {  	[smem:$0x3F95] =	sst lr;
	_ =	strace $0xD0000000  }
0x3: {  	_ = 	snop  }
0x4: {  	_ = 	snop  }
0x5: {  	_ = 	snop  }
0x6: {  	_ = 	snop  }
0x7: {  	_ = 	snop  }
__scs_overlays_trampoline_lowered:
0x8: {  	[smem:$0x3FA4] =	sst s0  }
0x9: {  	[smem:$0x3FA5] =	sst s1  }
0xa: {  	[smem:$0x3FA6] =	sst s2  }
0xb: {  	[smem:$0x3FA7] =	sst s3  }
0xc: {  	[smem:$0x3FA8] =	sst s4  }
0xd: {  	[smem:$0x3FA9] =	sst s5  }
0xe: {  	[smem:$0x3FAA] =	sst s6  }
0xf: {  	[smem:$0x3FAB] =	sst s7  }
0x10: {  	[smem:$0x3FAC] =	sst s8  }
0x11: {  	[smem:$0x3FAD] =	sst s9;
	s0 =	simm.s32 @!p0 $0x0  }
0x12: {  	s1 =	sld [smem:$0x3F93];
	s0 =	simm.s32 @p0 $0x1  }
0x13: {  	[smem:$0x3FAE] =	sst s0;
	s0 =	simm.s32 @!p1 $0x0  }
0x14: {  	s2 =	sld [smem:$0x3F92];
	s0 =	simm.s32 @p1 $0x1  }
0x15: {  	[smem:$0x3FAF] =	sst s0;
	s0 =	simm.s32 @!p2 $0x0  }
0x16: {  	s3 =	sld [smem:$0x3FDB];
	s0 =	simm.s32 @p2 $0x1  }
0x17: {  	s4 =	simm.s32 $0x1BF5;
	[smem:$0x3FB1] =	sst s0  }
0x18: {  	s0 =	sld [smem:$0x3F94];
	_ =	swait.ge [sflag:s4], $0x0  }
0x19: {  	s7 =	sld [smem:$0x3F95]  }
0x1a: {  	s8 =	sadd.s32 $0xFFFFE003, lr  }
0x1b: {  	s9 =	sadd.s32 $0xFFFFFEF7, lr;
	s5 =	simm.s32 $0xFFFFFFFF;
	p2 =	slt.u32 s8, $0xFFFFF086  }
0x1c: {  	p1 =	slt.u32 s9, $0xF7A;
	s5 =	simm.s32 @!p2 $0x0  }
0x1d: {  	s5 =	simm.s32 @p1 $0x1;
	p0 =	seq.s32 s7, s2  }
0x1e: {  	s7 =	smul.u32 @!p0 $0xF7A, s2;
	p2 =	seq.s32 @!p0 s5, $0x0  }
0x1f: {  	s9 =	smul.u32 $0xF7A, s1;
	s8 =	simm.s32 @!p0 $0x1BF5;
	p2 =	por !p2, p0  }
0x20: {  	[sflag:s8] =	ssyncset.s32 @!p0 $0xFFFFF086;
	s6 =	sadd.s32 @!p0 s3, s7;
	s7 =	simm.s32 @!p0 $0x108  }
0x21: {  	s3 =	sadd.s32 s3, s9;
	s6 =	sadd.s32 @!p0 $0x88, s6;
	s7 =	simm.s32 @p2 $0x1082  }
0x22: {  	[simem:s7], [sflag:s8] =	dma.local @!p0 [hbm:s6], $0xF7A  }
0x23: {  	s9 =	sor.u32 $0xD0000000, s2;
	s6 =	simm.s32 $0x108;
	_ =	swait.ge @!p0 [sflag:s8], $0x0  }
0x24: {  	s3 =	sadd.s32 $0x88, s3;
	s6 =	simm.s32 @!p1 $0x1082;
	[sflag:s4] =	ssyncset.s32 $0xFFFFF086  }
0x25: {  	[simem:s6], [sflag:s4] =	dma.local [hbm:s3], $0xF7A  }
0x26: {  	[smem:$0x3F95] =	sst s1;
	(tag) =	ssettag s2;
	_ =	strace s9  }
0x27: {  	s1 =	sld [smem:$0x3FA5]  }
0x28: {  	s2 =	sld [smem:$0x3FA6]  }
0x29: {  	s4 =	sld [smem:$0x3FA8]  }
0x2a: {  	p0 =	seq.s32 s5, $0x0;
	s5 =	sld [smem:$0x3FA9]  }
0x2b: {  	s6 =	sld [smem:$0x3FAA]  }
0x2c: {  	s7 =	sld [smem:$0x3FAB]  }
0x2d: {  	s3 =	simm.s32 $0x108;
	s8 =	sld [smem:$0x3FAC]  }
0x2e: {  	s3 =	simm.s32 @!p0 $0x1082;
	s9 =	sld [smem:$0x3FAD]  }
0x2f: {  	lr =	sadd.s32 s0, s3;
	s0 =	sld [smem:$0x3FA4]  }
0x30: {  	s3 =	sld [smem:$0x3FA7]  }
0x31: {  	[smem:$0x3FB0] =	sst s10  }
0x32: {  	s10 =	sld [smem:$0x3FAE];
	_ =	sdelay $0x3  }
0x33: {  	p0 =	seq.s32 s10, $0x1;
	s10 =	sld [smem:$0x3FB0];
	_ =	sdelay $0x3  }
0x34: {  	[smem:$0x3FB0] =	sst s10  }
0x35: {  	s10 =	sld [smem:$0x3FAF];
	_ =	sdelay $0x3  }
0x36: {  	p1 =	seq.s32 s10, $0x1;
	s10 =	sld [smem:$0x3FB0];
	_ =	sdelay $0x3  }
0x37: {  	[smem:$0x3FB0] =	sst s10  }
0x38: {  	s10 =	sld [smem:$0x3FB1]  }
0x39: {  	_ = 	snop;
	(pc) =	sbr.ind lr, $3  }
0x3a: {  	_ = 	snop  }
0x3b: {  	_ = 	snop  }
0x3c: {  	p2 =	seq.s32 s10, $0x1;
	s10 =	sld [smem:$0x3FB0]  }
0x3d: {  	_ =	shalt  }
0x3e: {  	_ =	shalt  }
0x3f: {  	_ =	shalt  }
0x40: {  	_ =	shalt  }
0x41: {  	_ =	shalt  }
0x42: {  	_ =	shalt  }
0x43: {  	_ =	shalt  }
0x44: {  	_ =	shalt  }
0x45: {  	_ =	shalt  }
0x46: {  	_ =	shalt  }
0x47: {  	_ =	shalt  }
0x48: {  	_ =	shalt  }
0x49: {  	_ =	shalt  }
0x4a: {  	_ =	shalt  }
0x4b: {  	_ =	shalt  }
0x4c: {  	_ =	shalt  }
0x4d: {  	_ =	shalt  }
0x4e: {  	_ =	shalt  }
0x4f: {  	_ =	shalt  }
0x50: {  	_ =	shalt  }
0x51: {  	_ =	shalt  }
0x52: {  	_ =	shalt  }
0x53: {  	_ =	shalt  }
0x54: {  	_ =	shalt  }
0x55: {  	_ =	shalt  }
0x56: {  	_ =	shalt  }
0x57: {  	_ =	shalt  }
0x58: {  	_ =	shalt  }
0x59: {  	_ =	shalt  }
0x5a: {  	_ =	shalt  }
0x5b: {  	_ =	shalt  }
0x5c: {  	_ =	shalt  }
0x5d: {  	_ =	shalt  }
0x5e: {  	_ =	shalt  }
0x5f: {  	_ =	shalt  }
0x60: {  	_ =	shalt  }
0x61: {  	_ =	shalt  }
0x62: {  	_ =	shalt  }
0x63: {  	_ =	shalt  }
0x64: {  	_ =	shalt  }
0x65: {  	_ =	shalt  }
0x66: {  	_ =	shalt  }
0x67: {  	_ =	shalt  }
0x68: {  	_ =	shalt  }
0x69: {  	_ =	shalt  }
0x6a: {  	_ =	shalt  }
0x6b: {  	_ =	shalt  }
0x6c: {  	_ =	shalt  }
0x6d: {  	_ =	shalt  }
0x6e: {  	_ =	shalt  }
0x6f: {  	_ =	shalt  }
0x70: {  	_ =	shalt  }
0x71: {  	_ =	shalt  }
0x72: {  	_ =	shalt  }
0x73: {  	_ =	shalt  }
0x74: {  	_ =	shalt  }
0x75: {  	_ =	shalt  }
0x76: {  	_ =	shalt  }
0x77: {  	_ =	shalt  }
0x78: {  	_ =	shalt  }
0x79: {  	_ =	shalt  }
0x7a: {  	_ =	shalt  }
0x7b: {  	_ =	shalt  }
0x7c: {  	_ =	shalt  }
0x7d: {  	_ =	shalt  }
0x7e: {  	_ =	shalt  }
0x7f: {  	_ =	shalt  }
0x80: {  	_ =	shalt  }
0x81: {  	_ =	shalt  }
0x82: {  	_ =	shalt  }
0x83: {  	_ =	shalt  }
0x84: {  	_ =	shalt  }
0x85: {  	_ =	shalt  }
0x86: {  	_ =	shalt  }
0x87: {  	_ =	shalt  }
.Lfunc_end0:
.L_simem_size_0:
called_computation_lowered:
.L_overlay_start_0:
0x88: {  	s2 =	sld [smem:$0x3FD9]  }
0x89: {  	s3 =	sld [smem:$0x3FFE];
	_ =	sdelay $0x1  }
0x8a: {  	s1 =	srdreg.scid  }
0x8b: {  	s0 =	sand.u32 $0x1, s1  }
0x8c: {  	s14 =	sshll.u32 s0, $0xA;
	s2 =	sadd.s32 s3, s2  }
0x8d: {  	s2 =	sadd.s32 s2, s14  }
0x8e: {  	[smem:$0x3FBC] =	sst s2  }
0x8f: {  	_ = 	snop  }
0x90: {  	s2 =	sld [smem:$0x3FD0];
	_ =	sdelay $0x1  }
0x91: {  	s15 =	sld [smem:$0x3FBF]  }
0x92: {  	s5 =	simm.s32 $0xB;
	s6 =	simm.s32 $0x10;
	s4 =	sld [smem:$0x3FBE]  }
0x93: {  	[smem:s6], [sflag:s5] =	dma.local [hbm:s2], $0x1  }
0x94: {  	_ =	swait.eq [sflag:s5], $0x1  }
0x95: {  	[sflag:s5] =	ssyncset.done $0x0  }
0x96: {  	[sflag:s5] =	ssyncadd.s32 $0xFFFFFFFF  }
0x97: {  	s16 =	sld [smem:$0x10];
	(tm) =	ssettm $0x1  }
0x98: {  	s17 =	sld [smem:$0x3FFB];
	_ =	sdelay $0x3  }
0x99: {  	_ =	strace s17  }
0x9a: {  	s5 =	sld [smem:$0x3FFC];
	_ =	sdelay $0x3  }
0x9b: {  	_ =	strace s5  }
0x9c: {  	s5 =	sld [smem:$0x3FFD];
	_ =	sdelay $0x3  }
0x9d: {  	_ =	strace s5  }
0x9e: {  	_ =	strace $0x8FFFFFFF  }
0x9f: {  	s18 =	sld [smem:$0x3FDB];
	_ =	sdelay $0x1  }
0xa0: {  	s19 =	simm.s32 $_scs_section_size  }
0xa1: {  	s7 =	simm.s32 $_size__tile_overlayer_lowered;
	s8 =	simm.s32 $_tile_overlayer_lowered  }
0xa2: {  	s22 =	simm.s32 $0x1BFF;
	s21 =	sshll.u32 s8, $0x1;
	s5 =	sadd.s32 s19, s18  }
0xa3: {  	s9 =	simm.s32 $0x0;
	s20 =	sshll.u32 s7, $0x1;
	s7 =	sadd.s32 s21, s5  }
0xa4: {  	[timem:s9], [sflag:s22] =	dma.local [hbm:s7], s20  }
0xa5: {  	_ =	swait.ge [sflag:s22], s20  }
0xa6: {  	s6 =	ssub.s32 $0x0, s20;
	[sflag:s22] =	ssyncset.done $0x0  }
0xa7: {  	[sflag:s22] =	ssyncadd.s32 s6;
	_ =	sdelay $0x1  }
0xa8: {  	s23 =	simm.s32 $0x1B8B  }
0xa9: {  	_ =	swait.ge [sflag:s23], $0x1  }
0xaa: {  	[sflag:s23] =	ssyncset.done $0x0  }
0xab: {  	s25 =	simm.s32 $0x1B8E;
	s24 =	sld [smem:$0x3FFE];
	[sflag:s23] =	ssyncadd.s32 $0xFFFFFFFF  }
0xac: {  	s26 =	simm.s32 $execute0_lowered;
	[smem:$0x3FD2] =	sst s25  }
0xad: {  	s7 =	sshll.u32 s26, $0x1;
	_ =	strace $0x80000046;
	[dreg:$0x1] =	wrdreg $0xFFFFFFFF  }
0xae: {  	s28 =	simm.s32 $_size_execute0_lowered;
	s5 =	sadd.s32 s5, s7;
	[dreg:$0x0] =	wrdreg $0x0  }
0xaf: {  	s7 =	sshll.u32 s28, $0x1;
	[dreg:$0x2] =	wrdreg s5  }
0xb0: {  	[dreg:$0x3] =	wrdreg s7  }
0xb1: {  	[dreg:$0x4] =	wrdreg $0xC0  }
0xb2: {  	_ =	task [dreg:s9], $0x5FFFF  }
0xb3: {  	[dreg:$0x1] =	wrdreg $0xFFFFFFFF  }
0xb4: {  	[dreg:$0x0] =	wrdreg $0x60  }
0xb5: {  	[dreg:$0x2] =	wrdreg s16  }
0xb6: {  	[dreg:$0x3] =	wrdreg s24  }
0xb7: {  	[dreg:$0x4] =	wrdreg s15  }
0xb8: {  	[dreg:$0x5] =	wrdreg s4  }
0xb9: {  	[dreg:$0x6] =	wrdreg $0x9  }
0xba: {  	_ =	task.clear_ibuf [dreg:s9], $0x7FFFF;
	_ =	strace $0x90000046  }
0xbb: {  	s29 =	simm.s32 $0x9;
	_ =	strace $0x80000048  }
0xbc: {  	_ =	swait.ge [sflag:s29], $0x1  }
0xbd: {  	[sflag:s29] =	ssyncadd.s32 $0xFFFFFFFF  }
0xbe: {  	_ =	strace $0x90000048  }
0xbf: {  	_ =	sfence  }
0xc0: {  	s30 =	sld [smem:$0x0];
	_ =	sdelay $0x2  }
0xc1: {  	s31 =	sshll.u32 s1, $0xD;
	s1 =	sshrl.u32 s1, $0x2  }
0xc2: {  	s3 =	sand.u32 $0x4000, s31;
	s1 =	sadd.s32 s1, s30  }
0xc3: {  	s0 =	sor.u32 s3, s0;
	s1 =	sshll.u32 s1, $0x11  }
0xc4: {  	s0 =	sor.u32 s1, s0  }
0xc5: {  	s0 =	sadd.s32 $0x8F2B, s0  }
0xc6: {  	[sflag:s0] =	ssyncadd.remote.s32 $0x1  }
0xc7: {  	_ =	sfence.sel $0xFFFF  }
0xc8: {  	[dreg:$0x0] =	wrdreg $0xFFFFFFFF;
	(pc) =	sbr.abs _section_cstart, $3  }
0xc9: {  	[dreg:$0x1] =	wrdreg $0xFFFFFFFF  }
0xca: {  	_ =	task.clear_ibuf [dreg:s9], $0x2FFFF;
	_ =	strace $0x9FFFFFFF  }
0xcb: {  	(tm) =	ssettm $0x7FFFFFFF  }
tec
execute0_lowered:
.L_overlay_start_1:
0x0: {  	(tag) =	ssettag $0x1  }
0x1: {  	s1 =	rddreg [dreg:$0x0]  }
0x2: {  	s0 =	rddreg [dreg:$0x1]  }
0x3: {  	s3 =	rddreg [dreg:$0x2]  }
0x4: {  	s4 =	rddreg [dreg:$0x3]  }
0x5: {  	s2 =	srdreg.scid;
	s6 =	stileid.u32;
	s5 =	simm.s32 $0x0  }
0x6: {  	s18 =	simm.s32 $0x3;
	s19 =	simm.s32 $0x200;
	s20 =	simm.s32 $0xC8  }
0x7: {  	s21 =	simm.s32 $0x400;
	s22 =	simm.s32 $0xCC00;
	s23 =	simm.s32 $0x100  }
0x8: {  	s28 =	simm.s32 $0x1;
	s29 =	simm.s32 $0x2;
	s30 =	simm.s32 $0x0  }
0x9: {  	s2 =	sand.u32 $0x1, s2;
	s6 =	sshll.u32 s6, $0x1;
	[smem:$0x7FF] =	sst s5  }
0xa: {  	s7 =	sadd.s32 $0x3600, s0;
	s10 =	sor.u32 s2, s6;
	s2 =	ssub.s32 $0x2, s2  }
0xb: {  	s8 =	sadd.s32 $0x2A800, s0;
	s6 =	smul.u32 $0x1388, s10;
	s24 =	sshrl.u32 s2, $0x1  }
0xc: {  	_ =	strace $0x80000047;
	s10 =	smul.u32 $0x9C400, s10;
	s0 =	ssub.s32 s2, s24  }
0xd: {  	s24 =	simm.s32 $0x300;
	s11 =	sshrl.u32 s6, $0x3;
	s9 =	sadd.s32 $0xC8, s6  }
0xe: {  	s10 =	sshrl.u32 s10, $0x3;
	s14 =	sadd.s32 $0x190, s6;
	s15 =	sadd.s32 $0x258, s6  }
0xf: {  	s17 =	smax.u32 s0, $0x1;
	s25 =	sadd.s32 s3, s11;
	s26 =	sshrl.u32 s9, $0x3  }
0x10: {  	s11 =	sadd.s32 s4, s11;
	s31 =	sadd.s32 s8, s10;
	[dreg:$0x5] =	wrdreg s25  }
0x11: {  	[dreg:$0x6] =	wrdreg s11;
	s12 =	sadd.s32 s3, s26;
	s13 =	sadd.s32 s4, s26  }
0x12: {  	s16 =	sadd.s32 $0x12C00, s31;
	s25 =	simm.s32 $0x6800;
	s26 =	simm.s32 $0x13000  }
.LBB2_1:
0x13: {  	s0 =	rddreg [dreg:$0x5]  }
0x14: {  	[tilespmem:s5], [sflag:$0x3] =	stream.linear.gather [hbm4b:s0+s5], $0xC8, $0x38;
	[tilespmem:$0x19400] =	vst v63  }
0x15: {  	_ =	swait.ge [sflag:s18], $0xC8  }
0x16: {  	[sflag:s18] =	ssyncset.done $0x0  }
0x17: {  	s11 =	rddreg [dreg:$0x6];
	[sflag:s18] =	ssyncadd.s32 $0xFFFFFF38  }
0x18: {  	[tilespmem:s19], [sflag:$0x3] =	stream.linear.gather [hbm4b:s11+s5], $0xC8, $0x38;
	[tilespmem:$0x19400] =	vst v63  }
0x19: {  	_ =	swait.ge [sflag:s18], $0xC8  }
0x1a: {  	[sflag:s18] =	ssyncset.done $0x0  }
0x1b: {  	[sflag:s18] =	ssyncadd.s32 $0xFFFFFF38  }
0x1c: {  	[tilespmem:s21], [sflag:$0x1] =	stream.indirect.gather [hbm4b:s1+s20], $0x80, s5, s20, $0xb8;
	[tilespmem:$0x19400] =	vst v63  }
0x1d: {  	_ = 	snop  }
0x1e: {  	[tilespmem:s22], [sflag:$0x1] =	stream.indirect.gather [hbm4b:s7+s20], $0x80, s19, s20, $0xb8;
	[tilespmem:$0x19400] =	vst v63  }
0x1f: {  	_ = 	snop  }
0x20: {  	[tilespmem:s23], [sflag:$0x3] =	stream.linear.gather [hbm4b:s12+s5], $0xC8, $0x38;
	[tilespmem:$0x19400] =	vst v63  }
0x21: {  	_ =	swait.ge [sflag:s18], $0xC8  }
0x22: {  	[sflag:s18] =	ssyncset.done $0x0  }
0x23: {  	[sflag:s18] =	ssyncadd.s32 $0xFFFFFF38  }
0x24: {  	[tilespmem:s24], [sflag:$0x3] =	stream.linear.gather [hbm4b:s13+s5], $0xC8, $0x38;
	[tilespmem:$0x19400] =	vst v63  }
0x25: {  	_ =	swait.ge [sflag:s18], $0xC8  }
0x26: {  	[sflag:s18] =	ssyncset.done $0x0  }
0x27: {  	[sflag:s18] =	ssyncadd.s32 $0xFFFFFF38  }
0x28: {  	[tilespmem:s25], [sflag:$0x1] =	stream.indirect.gather [hbm4b:s1+s20], $0x80, s23, s20, $0xb8;
	[tilespmem:$0x19400] =	vst v63  }
0x29: {  	s31 =	simm.s32 $0x0  }
0x2a: {  	[tilespmem:s26], [sflag:$0x1] =	stream.indirect.gather [hbm4b:s7+s20], $0x80, s24, s20, $0xb8;
	[tilespmem:$0x19400] =	vst v63  }
.LBB2_2:
0x2b: {  	_ =	swait.ge [sflag:s28], $0x6400  }
0x2c: {  	[sflag:s28] =	ssyncset.done $0x0  }
0x2d: {  	[sflag:s28] =	ssyncadd.s32 $0xFFFF9C00  }
0x2e: {  	_ =	swait.ge [sflag:s28], $0x6400  }
0x2f: {  	[sflag:s28] =	ssyncset.done $0x0  }
0x30: {  	s2 =	simm.s32 $0x0;
	[sflag:s28] =	ssyncadd.s32 $0xFFFF9C00  }
0x31: {  	v6 =	vld [tilespmem:s2+$0xCC00]  }
0x32: {  	v11 =	vld [tilespmem:s2+$0xCC10]  }
0x33: {  	v5 =	vld [tilespmem:s2+$0xCC20]  }
0x34: {  	v4 =	vld [tilespmem:s2+$0xCC30]  }
0x35: {  	v3 =	vld [tilespmem:s2+$0xCC40]  }
0x36: {  	v2 =	vld [tilespmem:s2+$0xCC50]  }
0x37: {  	v1 =	vld [tilespmem:s2+$0xCC60]  }
0x38: {  	v0 =	vld [tilespmem:s2+$0xCC70]  }
0x39: {  	v12 =	vld [tilespmem:s2+$0x400]  }
0x3a: {  	v13 =	vld [tilespmem:s2+$0x410]  }
0x3b: {  	v10 =	vld [tilespmem:s2+$0x420]  }
0x3c: {  	v9 =	vld [tilespmem:s2+$0x430]  }
0x3d: {  	v8 =	vld [tilespmem:s2+$0x440]  }
0x3e: {  	v7 =	vld [tilespmem:s2+$0x450];
	v12 =	vadd.f32 v6, v12  }
0x3f: {  	s0 =	simm.s32 $0x200;
	v11 =	vadd.f32 v11, v13;
	v6 =	vld [tilespmem:s2+$0x460]  }
.LBB2_3:
0x40: {  	s10 =	sshra.s32 s0, $0x2;
	p0 =	sne.s32 s0, $0x18E00;
	[tilespmem:s2+$0x400] =	vst v12;
	v5 =	vadd.f32 v5, v10;
	v10 =	vld [tilespmem:s2+$0x470]  }
0x41: {  	v12 =	vld [tilespmem:s10+$0xCC00];
	[tilespmem:s2+$0x410] =	vst v11;
	v4 =	vadd.f32 v4, v9  }
0x42: {  	v11 =	vld [tilespmem:s10+$0xCC10];
	[tilespmem:s2+$0x420] =	vst v5;
	v3 =	vadd.f32 v3, v8  }
0x43: {  	v5 =	vld [tilespmem:s10+$0xCC20];
	[tilespmem:s2+$0x430] =	vst v4;
	v2 =	vadd.f32 v2, v7  }
0x44: {  	v4 =	vld [tilespmem:s10+$0xCC30];
	[tilespmem:s2+$0x440] =	vst v3;
	v1 =	vadd.f32 v1, v6  }
0x45: {  	v3 =	vld [tilespmem:s10+$0xCC40];
	[tilespmem:s2+$0x450] =	vst v2;
	v0 =	vadd.f32 v0, v10  }
0x46: {  	v2 =	vld [tilespmem:s10+$0xCC50];
	[tilespmem:s2+$0x460] =	vst v1  }
0x47: {  	v1 =	vld [tilespmem:s10+$0xCC60];
	[tilespmem:s2+$0x470] =	vst v0;
	s2 =	smov.u32 s10  }
0x48: {  	v0 =	vld [tilespmem:s2+$0xCC70]  }
0x49: {  	v6 =	vld [tilespmem:s2+$0x400]  }
0x4a: {  	v13 =	vld [tilespmem:s2+$0x410]  }
.Ltmp0:
0x4b: {  	v10 =	vld [tilespmem:s2+$0x420];
	(pc) =	sbr.rel @p0 .LBB2_3-.Ltmp0, $4  }
0x4c: {  	v9 =	vld [tilespmem:s2+$0x430]  }
0x4d: {  	v8 =	vld [tilespmem:s2+$0x440]  }
0x4e: {  	v12 =	vadd.f32 v12, v6;
	v7 =	vld [tilespmem:s2+$0x450]  }
0x4f: {  	s0 =	sadd.s32 $0x200, s0;
	v11 =	vadd.f32 v11, v13;
	v6 =	vld [tilespmem:s2+$0x460]  }
0x50: {  	[tilespmem:s2+$0x400] =	vst v12;
	v5 =	vadd.f32 v5, v10;
	v10 =	vld [tilespmem:s2+$0x470]  }
0x51: {  	[tilespmem:s2+$0x410] =	vst v11;
	v4 =	vadd.f32 v4, v9  }
0x52: {  	[tilespmem:s2+$0x420] =	vst v5;
	v3 =	vadd.f32 v3, v8  }
0x53: {  	s0 =	smul.u32 $0x190, s31;
	[tilespmem:s2+$0x430] =	vst v4;
	v2 =	vadd.f32 v2, v7  }
0x54: {  	[tilespmem:s2+$0x440] =	vst v3;
	v1 =	vadd.f32 v1, v6  }
0x55: {  	s10 =	sadd.s32 s6, s0;
	[tilespmem:s2+$0x450] =	vst v2;
	v0 =	vadd.f32 v0, v10  }
0x56: {  	s10 =	sshll.u32 s10, $0x4;
	[tilespmem:s2+$0x460] =	vst v1  }
0x57: {  	s11 =	simm.s32 $0x0;
	s10 =	sadd.s32 s8, s10;
	[tilespmem:s2+$0x470] =	vst v0  }
0x58: {  	[hbm4b:s10+s11] =	stream.linear.scatter [tilespmem:s21], [sflag:$0x2], $0x6400, $0x38;
	[tilespmem:$0x19400] =	vst v63  }
0x59: {  	_ =	swait.ge [sflag:s28], $0x6400  }
0x5a: {  	[sflag:s28] =	ssyncset.done $0x0  }
0x5b: {  	[sflag:s28] =	ssyncadd.s32 $0xFFFF9C00  }
0x5c: {  	_ =	swait.ge [sflag:s28], $0x6400  }
0x5d: {  	[sflag:s28] =	ssyncset.done $0x0  }
0x5e: {  	s2 =	simm.s32 $0x0;
	[sflag:s28] =	ssyncadd.s32 $0xFFFF9C00  }
0x5f: {  	v7 =	vld [tilespmem:s2+$0x13000]  }
0x60: {  	v11 =	vld [tilespmem:s2+$0x13010]  }
0x61: {  	v5 =	vld [tilespmem:s2+$0x13020]  }
0x62: {  	v4 =	vld [tilespmem:s2+$0x13030]  }
0x63: {  	v3 =	vld [tilespmem:s2+$0x13040]  }
0x64: {  	v2 =	vld [tilespmem:s2+$0x13050]  }
0x65: {  	v1 =	vld [tilespmem:s2+$0x13060]  }
0x66: {  	v0 =	vld [tilespmem:s2+$0x13070]  }
0x67: {  	v12 =	vld [tilespmem:s2+$0x6800]  }
0x68: {  	v13 =	vld [tilespmem:s2+$0x6810]  }
0x69: {  	v10 =	vld [tilespmem:s2+$0x6820]  }
0x6a: {  	v9 =	vld [tilespmem:s2+$0x6830]  }
0x6b: {  	v8 =	vld [tilespmem:s2+$0x6840]  }
0x6c: {  	v6 =	vld [tilespmem:s2+$0x6850];
	v12 =	vadd.f32 v7, v12  }
0x6d: {  	s10 =	simm.s32 $0x200;
	v11 =	vadd.f32 v11, v13;
	v7 =	vld [tilespmem:s2+$0x6860]  }
.LBB2_5:
0x6e: {  	s11 =	sshra.s32 s10, $0x2;
	p0 =	sne.s32 s10, $0x18E00;
	[tilespmem:s2+$0x6800] =	vst v12;
	v5 =	vadd.f32 v5, v10;
	v10 =	vld [tilespmem:s2+$0x6870]  }
0x6f: {  	v12 =	vld [tilespmem:s11+$0x13000];
	[tilespmem:s2+$0x6810] =	vst v11;
	v4 =	vadd.f32 v4, v9  }
0x70: {  	v11 =	vld [tilespmem:s11+$0x13010];
	[tilespmem:s2+$0x6820] =	vst v5;
	v3 =	vadd.f32 v3, v8  }
0x71: {  	v5 =	vld [tilespmem:s11+$0x13020];
	[tilespmem:s2+$0x6830] =	vst v4;
	v2 =	vadd.f32 v2, v6  }
0x72: {  	v4 =	vld [tilespmem:s11+$0x13030];
	[tilespmem:s2+$0x6840] =	vst v3;
	v1 =	vadd.f32 v1, v7  }
0x73: {  	v3 =	vld [tilespmem:s11+$0x13040];
	[tilespmem:s2+$0x6850] =	vst v2;
	v0 =	vadd.f32 v0, v10  }
0x74: {  	v2 =	vld [tilespmem:s11+$0x13050];
	[tilespmem:s2+$0x6860] =	vst v1  }
0x75: {  	v1 =	vld [tilespmem:s11+$0x13060];
	[tilespmem:s2+$0x6870] =	vst v0;
	s2 =	smov.u32 s11  }
0x76: {  	v0 =	vld [tilespmem:s2+$0x13070]  }
0x77: {  	v6 =	vld [tilespmem:s2+$0x6800]  }
0x78: {  	v7 =	vld [tilespmem:s2+$0x6810]  }
.Ltmp1:
0x79: {  	v10 =	vld [tilespmem:s2+$0x6820];
	(pc) =	sbr.rel @p0 .LBB2_5-.Ltmp1, $4  }
0x7a: {  	v9 =	vld [tilespmem:s2+$0x6830]  }
0x7b: {  	v8 =	vld [tilespmem:s2+$0x6840]  }
0x7c: {  	v12 =	vadd.f32 v12, v6;
	v6 =	vld [tilespmem:s2+$0x6850]  }
0x7d: {  	s10 =	sadd.s32 $0x200, s10;
	v11 =	vadd.f32 v11, v7;
	v7 =	vld [tilespmem:s2+$0x6860]  }
0x7e: {  	[tilespmem:s2+$0x6800] =	vst v12;
	v5 =	vadd.f32 v5, v10;
	v63 =	vld [tilespmem:s2+$0x6870]  }
0x7f: {  	[tilespmem:s2+$0x6810] =	vst v11;
	v4 =	vadd.f32 v4, v9  }
0x80: {  	[tilespmem:s2+$0x6820] =	vst v5;
	v3 =	vadd.f32 v3, v8  }
0x81: {  	[tilespmem:s2+$0x6830] =	vst v4;
	v2 =	vadd.f32 v2, v6  }
0x82: {  	[tilespmem:s2+$0x6840] =	vst v3;
	v1 =	vadd.f32 v1, v7  }
0x83: {  	s10 =	sadd.s32 s0, s9;
	[tilespmem:s2+$0x6850] =	vst v2;
	v0 =	vadd.f32 v0, v63  }
0x84: {  	s10 =	sshll.u32 s10, $0x4;
	[tilespmem:s2+$0x6860] =	vst v1  }
0x85: {  	s11 =	sadd.s32 s8, s10;
	[tilespmem:s2+$0x6870] =	vst v0  }
0x86: {  	[hbm4b:s11+s5] =	stream.linear.scatter [tilespmem:s25], [sflag:$0x2], $0x6400, $0x38;
	[tilespmem:$0x19400] =	vst v63  }
0x87: {  	s10 =	sadd.s32 s0, s14;
	_ =	swait.ge [sflag:s29], $0x6400  }
0x88: {  	s2 =	sshrl.u32 s10, $0x3;
	[sflag:s29] =	ssyncset.done $0x0  }
0x89: {  	s11 =	sadd.s32 s3, s2;
	[sflag:s29] =	ssyncadd.s32 $0xFFFF9C00  }
0x8a: {  	[tilespmem:s5], [sflag:$0x3] =	stream.linear.gather [hbm4b:s11+s5], $0xC8, $0x38;
	[tilespmem:$0x19400] =	vst v63  }
0x8b: {  	_ =	swait.ge [sflag:s18], $0xC8  }
0x8c: {  	[sflag:s18] =	ssyncset.done $0x0  }
0x8d: {  	s2 =	sadd.s32 s4, s2;
	[sflag:s18] =	ssyncadd.s32 $0xFFFFFF38  }
0x8e: {  	[tilespmem:s19], [sflag:$0x3] =	stream.linear.gather [hbm4b:s2+s5], $0xC8, $0x38;
	[tilespmem:$0x19400] =	vst v63  }
0x8f: {  	_ =	swait.ge [sflag:s18], $0xC8  }
0x90: {  	[sflag:s18] =	ssyncset.done $0x0  }
0x91: {  	p0 =	seq.s32 s31, $0xB;
	[sflag:s18] =	ssyncadd.s32 $0xFFFFFF38  }
0x92: {  	[tilespmem:s21], [sflag:$0x1] =	stream.indirect.gather [hbm4b:s1+s20], $0x80, s5, s20, $0xb8;
	[tilespmem:$0x19400] =	vst v63  }
.Ltmp2:
0x93: {  	_ = 	snop;
	(pc) =	sbr.rel @p0 .LBB2_8-.Ltmp2, $4  }
0x94: {  	[tilespmem:s22], [sflag:$0x1] =	stream.indirect.gather [hbm4b:s7+s20], $0x80, s19, s20, $0xb8;
	[tilespmem:$0x19400] =	vst v63  }
0x95: {  	_ =	swait.ge [sflag:s29], $0x6400  }
0x96: {  	[sflag:s29] =	ssyncset.done $0x0  }
0x97: {  	[sflag:s29] =	ssyncadd.s32 $0xFFFF9C00  }
0x98: {  	s0 =	sadd.s32 s0, s15  }
0x99: {  	s0 =	sshrl.u32 s0, $0x3  }
0x9a: {  	s2 =	sadd.s32 s3, s0  }
0x9b: {  	[tilespmem:s23], [sflag:$0x3] =	stream.linear.gather [hbm4b:s2+s5], $0xC8, $0x38;
	[tilespmem:$0x19400] =	vst v63  }
0x9c: {  	_ =	swait.ge [sflag:s18], $0xC8  }
0x9d: {  	[sflag:s18] =	ssyncset.done $0x0  }
0x9e: {  	s0 =	sadd.s32 s4, s0;
	[sflag:s18] =	ssyncadd.s32 $0xFFFFFF38  }
0x9f: {  	[tilespmem:s24], [sflag:$0x3] =	stream.linear.gather [hbm4b:s0+s5], $0xC8, $0x38;
	[tilespmem:$0x19400] =	vst v63  }
0xa0: {  	_ =	swait.ge [sflag:s18], $0xC8  }
.Ltmp3:
0xa1: {  	[sflag:s18] =	ssyncset.done $0x0;
	(pc) =	sbr.rel .LBB2_2-.Ltmp3, $4  }
0xa2: {  	[sflag:s18] =	ssyncadd.s32 $0xFFFFFF38  }
0xa3: {  	[tilespmem:s25], [sflag:$0x1] =	stream.indirect.gather [hbm4b:s1+s20], $0x80, s23, s20, $0xb8;
	[tilespmem:$0x19400] =	vst v63  }
0xa4: {  	s31 =	sadd.s32 $0x1, s31  }
0xa5: {  	[tilespmem:s26], [sflag:$0x1] =	stream.indirect.gather [hbm4b:s7+s20], $0x80, s24, s20, $0xb8;
	[tilespmem:$0x19400] =	vst v63  }
.LBB2_8:
0xa6: {  	_ =	swait.ge [sflag:s28], $0x6400  }
0xa7: {  	[sflag:s28] =	ssyncset.done $0x0  }
0xa8: {  	[sflag:s28] =	ssyncadd.s32 $0xFFFF9C00  }
0xa9: {  	_ =	swait.ge [sflag:s28], $0x6400  }
0xaa: {  	[sflag:s28] =	ssyncset.done $0x0  }
0xab: {  	s0 =	simm.s32 $0x0;
	[sflag:s28] =	ssyncadd.s32 $0xFFFF9C00  }
0xac: {  	v7 =	vld [tilespmem:s0+$0xCC00]  }
0xad: {  	v11 =	vld [tilespmem:s0+$0xCC10]  }
0xae: {  	v5 =	vld [tilespmem:s0+$0xCC20]  }
0xaf: {  	v4 =	vld [tilespmem:s0+$0xCC30]  }
0xb0: {  	v3 =	vld [tilespmem:s0+$0xCC40]  }
0xb1: {  	v2 =	vld [tilespmem:s0+$0xCC50]  }
0xb2: {  	v1 =	vld [tilespmem:s0+$0xCC60]  }
0xb3: {  	v0 =	vld [tilespmem:s0+$0xCC70]  }
0xb4: {  	v12 =	vld [tilespmem:s0+$0x400]  }
0xb5: {  	v13 =	vld [tilespmem:s0+$0x410]  }
0xb6: {  	v10 =	vld [tilespmem:s0+$0x420]  }
0xb7: {  	v9 =	vld [tilespmem:s0+$0x430]  }
0xb8: {  	v8 =	vld [tilespmem:s0+$0x440]  }
0xb9: {  	v6 =	vld [tilespmem:s0+$0x450];
	v12 =	vadd.f32 v7, v12  }
0xba: {  	s2 =	simm.s32 $0x200;
	v11 =	vadd.f32 v11, v13;
	v7 =	vld [tilespmem:s0+$0x460]  }
.LBB2_9:
0xbb: {  	s10 =	sshra.s32 s2, $0x2;
	p0 =	sne.s32 s2, $0x18E00;
	[tilespmem:s0+$0x400] =	vst v12;
	v5 =	vadd.f32 v5, v10;
	v10 =	vld [tilespmem:s0+$0x470]  }
0xbc: {  	v12 =	vld [tilespmem:s10+$0xCC00];
	[tilespmem:s0+$0x410] =	vst v11;
	v4 =	vadd.f32 v4, v9  }
0xbd: {  	v11 =	vld [tilespmem:s10+$0xCC10];
	[tilespmem:s0+$0x420] =	vst v5;
	v3 =	vadd.f32 v3, v8  }
0xbe: {  	v5 =	vld [tilespmem:s10+$0xCC20];
	[tilespmem:s0+$0x430] =	vst v4;
	v2 =	vadd.f32 v2, v6  }
0xbf: {  	v4 =	vld [tilespmem:s10+$0xCC30];
	[tilespmem:s0+$0x440] =	vst v3;
	v1 =	vadd.f32 v1, v7  }
0xc0: {  	v3 =	vld [tilespmem:s10+$0xCC40];
	[tilespmem:s0+$0x450] =	vst v2;
	v0 =	vadd.f32 v0, v10  }
0xc1: {  	v2 =	vld [tilespmem:s10+$0xCC50];
	[tilespmem:s0+$0x460] =	vst v1  }
0xc2: {  	v1 =	vld [tilespmem:s10+$0xCC60];
	[tilespmem:s0+$0x470] =	vst v0;
	s0 =	smov.u32 s10  }
0xc3: {  	v0 =	vld [tilespmem:s0+$0xCC70]  }
0xc4: {  	v6 =	vld [tilespmem:s0+$0x400]  }
0xc5: {  	v7 =	vld [tilespmem:s0+$0x410]  }
.Ltmp4:
0xc6: {  	v10 =	vld [tilespmem:s0+$0x420];
	(pc) =	sbr.rel @p0 .LBB2_9-.Ltmp4, $4  }
0xc7: {  	v9 =	vld [tilespmem:s0+$0x430]  }
0xc8: {  	v8 =	vld [tilespmem:s0+$0x440]  }
0xc9: {  	v12 =	vadd.f32 v12, v6;
	v6 =	vld [tilespmem:s0+$0x450]  }
0xca: {  	s2 =	sadd.s32 $0x200, s2;
	v11 =	vadd.f32 v11, v7;
	v7 =	vld [tilespmem:s0+$0x460]  }
0xcb: {  	[tilespmem:s0+$0x400] =	vst v12;
	v5 =	vadd.f32 v5, v10;
	v63 =	vld [tilespmem:s0+$0x470]  }
0xcc: {  	[tilespmem:s0+$0x410] =	vst v11;
	v4 =	vadd.f32 v4, v9  }
0xcd: {  	[tilespmem:s0+$0x420] =	vst v5;
	v3 =	vadd.f32 v3, v8  }
0xce: {  	[tilespmem:s0+$0x430] =	vst v4;
	v2 =	vadd.f32 v2, v6  }
0xcf: {  	[tilespmem:s0+$0x440] =	vst v3;
	v1 =	vadd.f32 v1, v7  }
0xd0: {  	s30 =	sadd.s32 $0x1, s30;
	[tilespmem:s0+$0x450] =	vst v2;
	v0 =	vadd.f32 v0, v63  }
0xd1: {  	p0 =	sne.s32 s30, s17;
	[tilespmem:s0+$0x460] =	vst v1  }
.Ltmp5:
0xd2: {  	[tilespmem:s0+$0x470] =	vst v0;
	(pc) =	sbr.rel @p0 .LBB2_1-.Ltmp5, $4  }
0xd3: {  	[hbm4b:s16+s5] =	stream.linear.scatter [tilespmem:s21], [sflag:$0x2], $0x6400, $0x38;
	[tilespmem:$0x19400] =	vst v63  }
0xd4: {  	_ =	swait.ge [sflag:s29], $0x6400  }
0xd5: {  	[sflag:s29] =	ssyncset.done $0x0  }
0xd6: {  	[sflag:s29] =	ssyncadd.s32 $0xFFFF9C00  }
0xd7: {  	_ =	sfence.sel $0x180000  }
0xd8: {  	[bflag:$0x0] =	sbarrier.arrive $0xFFFF  }
0xd9: {  	_ =	strace $0x90000047  }
0xda: {  	s0 =	stileid.u32;
	[bflag:$0x2] =	sbarrier.arrive $0xFFFF  }
0xdb: {  	p0 =	sne.s32 s0, $0x0;
	s0 =	rddreg [dreg:$0x4]  }
0xdc: {  	s0 =	sadd.s32 @!p0 $0x100000, s0  }
0xdd: {  	[sflag:s0] =	ssyncadd.tile.s32 @!p0 $0x1;
	_ =	shalt  }
.Lfunc_end2:
_tile_overlayer_lowered:
.L_overlay_start_2:
0xde: {  	(tag) =	ssettag $0x2  }
0xdf: {  	s0 =	rddreg [dreg:$0x0];
	s2 =	stileid.u32  }
0xe0: {  	s1 =	rddreg [dreg:$0x1];
	p0 =	sne.s32 s2, $0x0  }
0xe1: {  	s3 =	rddreg [dreg:$0x2];
	[bflag:$0x3] =	sbarrier.arrive $0xFFFF;
	s2 =	simm.s32 @!p0 $0x1C03  }
0xe2: {  	[timem:s3], [sflag:s2] =	dma.local @!p0 [hbm:s0], s1  }
0xe3: {  	s0 =	simm.s32 @!p0 $0x3  }
0xe4: {  	_ =	swait.ge @!p0 [sflag:s0], s1  }
0xe5: {  	s1 =	ssub.s32 @!p0 $0x0, s1;
	[sflag:s0] =	ssyncset.done @!p0 $0x0  }
0xe6: {  	[sflag:s0] =	ssyncadd.s32 @!p0 s1  }
0xe7: {  	[bflag:$0x3] =	sbarrier.arrive $0xFFFF  }
0xe8: {  	_ =	shalt  }

</sc_bundles>
